<compile_context>
chip_gen: v7x
topology: tpu7x:2x2x1
jax: 0.10.2.dev20260603
libtpu: 0.0.44.dev20260713+nightly
codegen_flags: <defaults>
</compile_context>

<pallas_src>
import functools

import jax
import jax.numpy as jnp
from jax import lax
from jax.experimental import pallas as pl
from jax.experimental.pallas import tpu as pltpu
from jax.experimental.pallas import tpu_sc as plsc

N = 10000
E = 320000
D = 128
NPAD = 10240
NC = 2
NS = 16
NW = NC * NS
EPT = E // NW
CH = 80
NCHUNK = EPT // CH
RPT = NPAD // NS


def _sc_body(compute_deg, g_hbm, pk_hbm, acc_out, deg_out,
             acc_sp, deg_sp, packed, rows_a, rows_b, rows_c,
             sa_src, sa_dst, sb_src, sb_dst, sc_src, sc_dst,
             ones_v, zrow_v, ga, gb, gc, sa, sb, sc_, dsem):
    c = lax.axis_index("c")
    s = lax.axis_index("s")
    wid = c * NS + s

    pltpu.sync_copy(pk_hbm.at[wid], packed)

    def _zero_row(j, carry):
        for i in range(D // 16):
            rows_a[j, pl.ds(i * 16, 16)] = jnp.zeros((16,), jnp.float32)
        return carry
    lax.fori_loop(0, CH, _zero_row, 0, unroll=False)

    def _zrow16(i, carry):
        zrow_v[pl.ds(i * 16, 16)] = jnp.zeros((16,), jnp.float32)
        return carry
    lax.fori_loop(0, RPT // 16, _zrow16, 0, unroll=False)
    if compute_deg:
        def _ones16(i, carry):
            ones_v[pl.ds(i * 16, 16)] = jnp.ones((16,), jnp.float32)
            return carry
        lax.fori_loop(0, CH // 16, _ones16, 0, unroll=False)

    off = 0
    while off < RPT:
        nrows = min(CH, RPT - off)
        pltpu.sync_copy(rows_a.at[pl.ds(0, nrows)],
                        acc_sp.at[pl.ds(s * RPT + off, nrows)])
        off += nrows
    if compute_deg:
        pltpu.sync_copy(zrow_v, deg_sp.at[pl.ds(s * RPT, RPT)])

    def unpack(k, st_src, st_dst):
        for i in range(CH // 16):
            w = packed[pl.ds(k * CH + i * 16, 16)]
            st_src[pl.ds(i * 16, 16)] = w & 0xFFFF
            st_dst[pl.ds(i * 16, 16)] = w >> 16

    def gather(st_src, buf, gsem):
        pltpu.async_copy(g_hbm.at[st_src], buf, gsem)

    def gather_wait(st_src, buf, gsem):
        pltpu.make_async_copy(g_hbm.at[st_src], buf, gsem).wait()

    def scat(st_dst, buf, ssem):
        pltpu.async_copy(buf, acc_sp.at[st_dst], ssem, add=True)
        if compute_deg:
            pltpu.async_copy(ones_v, deg_sp.at[st_dst], dsem, add=True)

    def scat_wait(st_dst, buf, ssem):
        pltpu.make_async_copy(buf, acc_sp.at[st_dst], ssem).wait()
        if compute_deg:
            pltpu.make_async_copy(ones_v, deg_sp.at[st_dst], dsem).wait()

    unpack(0, sa_src, sa_dst)
    unpack(1, sb_src, sb_dst)
    gather(sa_src, rows_a, ga)
    gather(sb_src, rows_b, gb)
    plsc.subcore_barrier()

    def body(t, carry):
        k0 = 3 * t
        gather_wait(sa_src, rows_a, ga)
        scat(sa_dst, rows_a, sa)

        @pl.when(t > 0)
        def _():
            scat_wait(sc_dst, rows_c, sc_)
        unpack(k0 + 2, sc_src, sc_dst)
        gather(sc_src, rows_c, gc)

        gather_wait(sb_src, rows_b, gb)
        scat(sb_dst, rows_b, sb)

        scat_wait(sa_dst, rows_a, sa)
        unpack(k0 + 3, sa_src, sa_dst)
        gather(sa_src, rows_a, ga)

        gather_wait(sc_src, rows_c, gc)
        scat(sc_dst, rows_c, sc_)

        scat_wait(sb_dst, rows_b, sb)
        unpack(k0 + 4, sb_src, sb_dst)
        gather(sb_src, rows_b, gb)
        return carry

    lax.fori_loop(0, (NCHUNK - 2) // 3, body, 0, unroll=False)

    gather_wait(sa_src, rows_a, ga)
    scat(sa_dst, rows_a, sa)
    scat_wait(sc_dst, rows_c, sc_)
    gather_wait(sb_src, rows_b, gb)
    scat(sb_dst, rows_b, sb)
    scat_wait(sa_dst, rows_a, sa)
    scat_wait(sb_dst, rows_b, sb)
    plsc.subcore_barrier()

    pltpu.sync_copy(acc_sp.at[pl.ds(s * RPT, RPT)],
                    acc_out.at[pl.ds(c * NPAD + s * RPT, RPT)])
    if compute_deg:
        pltpu.sync_copy(deg_sp.at[pl.ds(s * RPT, RPT)],
                        deg_out.at[c, pl.ds(s * RPT, RPT)])


def _make_sc(compute_deg):
    out_type = (jax.ShapeDtypeStruct((NC * NPAD, D), jnp.float32),
                jax.ShapeDtypeStruct((NC, NPAD), jnp.float32))
    scratch = [
        pltpu.VMEM_SHARED((NPAD, D), jnp.float32),
        pltpu.VMEM_SHARED((NPAD,), jnp.float32),
        pltpu.VMEM((EPT,), jnp.int32),
        pltpu.VMEM((CH, D), jnp.float32),
        pltpu.VMEM((CH, D), jnp.float32),
        pltpu.VMEM((CH, D), jnp.float32),
        pltpu.VMEM((CH,), jnp.int32),
        pltpu.VMEM((CH,), jnp.int32),
        pltpu.VMEM((CH,), jnp.int32),
        pltpu.VMEM((CH,), jnp.int32),
        pltpu.VMEM((CH,), jnp.int32),
        pltpu.VMEM((CH,), jnp.int32),
        pltpu.VMEM((CH,), jnp.float32),
        pltpu.VMEM((RPT,), jnp.float32),
        pltpu.SemaphoreType.DMA,
        pltpu.SemaphoreType.DMA,
        pltpu.SemaphoreType.DMA,
        pltpu.SemaphoreType.DMA,
        pltpu.SemaphoreType.DMA,
        pltpu.SemaphoreType.DMA,
        pltpu.SemaphoreType.DMA,
    ]
    mesh = plsc.VectorSubcoreMesh(core_axis_name="c", subcore_axis_name="s",
                                  num_cores=NC, num_subcores=NS)
    return pl.kernel(functools.partial(_sc_body, compute_deg),
                     out_type=out_type, mesh=mesh, scratch_types=scratch)


_TCB = 1024
_TCG = NPAD // _TCB


def _tc1_body(h_ref, ws_ref, wn_ref, b_ref, s_ref, g_ref):
    hb = h_ref[...]
    s_ref[...] = jnp.dot(hb, ws_ref[...],
                         preferred_element_type=jnp.float32) + b_ref[...]
    g_ref[...] = jnp.dot(hb, wn_ref[...], preferred_element_type=jnp.float32)


def _tc2_body(s1_ref, p_ref, dg_ref, ws_ref, wn_ref, b_ref, s_ref, g_ref):
    psum = p_ref[0] + p_ref[1]
    deg = dg_ref[0] + dg_ref[1]
    inv = 1.0 / jnp.maximum(deg, 1.0)
    x = jnp.maximum(s1_ref[...] + psum * inv[:, None], 0.0)
    s_ref[...] = jnp.dot(x, ws_ref[...],
                         preferred_element_type=jnp.float32) + b_ref[...]
    g_ref[...] = jnp.dot(x, wn_ref[...], preferred_element_type=jnp.float32)


def _tc3_body(s2_ref, p_ref, dg_ref, o_ref):
    psum = p_ref[0] + p_ref[1]
    deg = dg_ref[0] + dg_ref[1]
    inv = 1.0 / jnp.maximum(deg, 1.0)
    o_ref[...] = s2_ref[...] + psum * inv[:, None]


def _row_spec():
    return pl.BlockSpec((_TCB, D), lambda i: (i, 0))


_W_SPEC = pl.BlockSpec((D, D), lambda i: (0, 0))
_B_SPEC = pl.BlockSpec((1, D), lambda i: (0, 0))
_P_SPEC = pl.BlockSpec((NC, _TCB, D), lambda i: (0, i, 0))
_DG_SPEC = pl.BlockSpec((NC, _TCB), lambda i: (0, i))

_tc1 = pl.pallas_call(
    _tc1_body, grid=(_TCG,),
    in_specs=[_row_spec(), _W_SPEC, _W_SPEC, _B_SPEC],
    out_specs=[_row_spec(), _row_spec()],
    out_shape=[jax.ShapeDtypeStruct((NPAD, D), jnp.float32)] * 2,
)

_tc2 = pl.pallas_call(
    _tc2_body, grid=(_TCG,),
    in_specs=[_row_spec(), _P_SPEC, _DG_SPEC, _W_SPEC, _W_SPEC, _B_SPEC],
    out_specs=[_row_spec(), _row_spec()],
    out_shape=[jax.ShapeDtypeStruct((NPAD, D), jnp.float32)] * 2,
)

_tc3 = pl.pallas_call(
    _tc3_body, grid=(_TCG,),
    in_specs=[_row_spec(), _P_SPEC, _DG_SPEC],
    out_specs=_row_spec(),
    out_shape=jax.ShapeDtypeStruct((NPAD, D), jnp.float32),
)


def kernel(h, edge_index, W_self1, W_neigh1, b1, W_self2, W_neigh2, b2):
    src = edge_index[0].astype(jnp.int32)
    dst = edge_index[1].astype(jnp.int32)
    packed = (src | (dst << 16)).reshape(NW, EPT)
    h_pad = jnp.pad(h, ((0, NPAD - N), (0, 0)))
    b1r = b1.reshape(1, D)
    b2r = b2.reshape(1, D)

    sc1 = _make_sc(True)
    sc2 = _make_sc(False)

    s1, g1 = _tc1(h_pad, W_self1, W_neigh1, b1r)
    p1_flat, degp = sc1(g1, packed)
    p1 = p1_flat.reshape(NC, NPAD, D)
    s2, g2 = _tc2(s1, p1, degp, W_self2, W_neigh2, b2r)
    p2_flat, _ = sc2(g2, packed)
    p2 = p2_flat.reshape(NC, NPAD, D)
    out = _tc3(s2, p2, degp)
    return out[:N]

# --- scband reference (transcript-rebuilt; emitter-appended) ---
"""Pipeline reference for scband-sage-50362786513304 (READ-ONLY COPY).

The authoritative reference and input builder live on the scoring server;
editing this copy changes nothing except your own understanding.
"""

import jax, jax.numpy as jnp
import numpy as np

N = 10000
E = 320000
D_IN = 128
D_HID = 128
D_OUT = 128


def setup_inputs(seed: int = 0) -> dict:
    key = jax.random.key(seed)
    ks = jax.random.split(key, 10)
    h = jax.random.normal(ks[0], (N, D_IN), dtype=jnp.float32)
    edge_index = jax.random.randint(ks[1], (2, E), 0, N, dtype=jnp.int64)
    s1 = 1.0 / np.sqrt(D_IN)
    s2 = 1.0 / np.sqrt(D_HID)
    W_self1 = jax.random.uniform(ks[2], (D_IN, D_HID), jnp.float32, -s1, s1)
    W_neigh1 = jax.random.uniform(ks[3], (D_IN, D_HID), jnp.float32, -s1, s1)
    b1 = jnp.zeros((D_HID,), jnp.float32)
    W_self2 = jax.random.uniform(ks[4], (D_HID, D_OUT), jnp.float32, -s2, s2)
    W_neigh2 = jax.random.uniform(ks[5], (D_HID, D_OUT), jnp.float32, -s2, s2)
    b2 = jnp.zeros((D_OUT,), jnp.float32)
    return {"h": h, "edge_index": edge_index, "W_self1": W_self1, "W_neigh1": W_neigh1, "b1": b1, "W_self2": W_self2, "W_neigh2": W_neigh2, "b2": b2}


def _sage_conv(h, edge_index, W_self, W_neigh, b):
    src = edge_index[0]
    dst = edge_index[1]
    msg = jnp.take(h, src, axis=0)
    agg = jax.ops.segment_sum(msg, dst, num_segments=N)
    deg = jax.ops.segment_sum(jnp.ones((E,), h.dtype), dst, num_segments=N)
    h_neigh = agg / jnp.clip(deg, 1.0)[:, None]
    return h @ W_self + h_neigh @ W_neigh + b


def reference(h, edge_index, W_self1, W_neigh1, b1, W_self2, W_neigh2, b2):
    # layer 1 (SAGEConv mean) + ReLU (dropout=0.0 is identity)
    x = _sage_conv(h, edge_index, W_self1, W_neigh1, b1)
    x = jax.nn.relu(x)
    # layer 2 (SAGEConv mean), no activation
    x = _sage_conv(x, edge_index, W_self2, W_neigh2, b2)
    return x

if __name__ == "__main__":
    import jax
    _d = setup_inputs()
    print(jax.jit(kernel)(*tuple(_d.values())))

</pallas_src>

<mosaic_0001>
#map = affine_map<(d0, d1) -> (0, 0)>
module attributes {stable_mosaic.version = 14 : i64} {
  func.func @_sc_body(%arg0: i32, %arg1: i32, %arg2: memref<10240x128xf32, #tpu.memory_space<hbm>>, %arg3: memref<32x10000xi32, #tpu.memory_space<hbm>>, %arg4: memref<20480x128xf32, #tpu.memory_space<hbm>>, %arg5: memref<2x10240xf32, #tpu.memory_space<hbm>>, %arg6: memref<10240x128xf32, #tpu.memory_space<vmem_shared>>, %arg7: memref<10240xf32, #tpu.memory_space<vmem_shared>>, %arg8: memref<10000xi32, #tpu.memory_space<vmem>>, %arg9: memref<80x128xf32, #tpu.memory_space<vmem>>, %arg10: memref<80x128xf32, #tpu.memory_space<vmem>>, %arg11: memref<80x128xf32, #tpu.memory_space<vmem>>, %arg12: memref<80xi32, #tpu.memory_space<vmem>>, %arg13: memref<80xi32, #tpu.memory_space<vmem>>, %arg14: memref<80xi32, #tpu.memory_space<vmem>>, %arg15: memref<80xi32, #tpu.memory_space<vmem>>, %arg16: memref<80xi32, #tpu.memory_space<vmem>>, %arg17: memref<80xi32, #tpu.memory_space<vmem>>, %arg18: memref<80xf32, #tpu.memory_space<vmem>>, %arg19: memref<640xf32, #tpu.memory_space<vmem>>, %arg20: memref<!tpu.dma_semaphore, #tpu.memory_space<semaphore_mem>>, %arg21: memref<!tpu.dma_semaphore, #tpu.memory_space<semaphore_mem>>, %arg22: memref<!tpu.dma_semaphore, #tpu.memory_space<semaphore_mem>>, %arg23: memref<!tpu.dma_semaphore, #tpu.memory_space<semaphore_mem>>, %arg24: memref<!tpu.dma_semaphore, #tpu.memory_space<semaphore_mem>>, %arg25: memref<!tpu.dma_semaphore, #tpu.memory_space<semaphore_mem>>, %arg26: memref<!tpu.dma_semaphore, #tpu.memory_space<semaphore_mem>>) attributes {dimension_semantics = [#tpu.dimension_semantics<core_parallel>, #tpu.dimension_semantics<subcore_parallel>], iteration_bounds = array<i64: 2, 16>, scalar_prefetch = 0 : i64, scratch_operands = 21 : i64, tpu.core_type = #tpu.core_type<sc_vector_subcore>, window_params = [{transform_indices = #map}, {transform_indices = #map}, {transform_indices = #map}, {transform_indices = #map}]} {
    %mul3A = arith.constant 16 : i32
    %mul3A_0 = arith.muli %arg0, %mul3A : i32
    %add3A = arith.addi %mul3A_0, %arg1 : i32
    "tpu.region"() ({
      %run_scoped3A = tpu.sem_alloc : memref<!tpu.dma_semaphore, #tpu.memory_space<semaphore_mem>>
      %dma_start3A_271 = arith.constant 0 : i32
      %dma_start3A_272 = tpu.memref_slice %arg3[%add3A, %dma_start3A_271] : memref<32x10000xi32, #tpu.memory_space<hbm>> -> memref<1x10000xi32, #tpu.memory_space<hbm>>
      %dma_start3A_273 = tpu.memref_squeeze %dma_start3A_272 : memref<1x10000xi32, #tpu.memory_space<hbm>> -> memref<10000xi32, #tpu.memory_space<hbm>>
      %dma_start3A_274 = arith.constant 0 : i32
      %dma_start3A_275 = tpu.memref_slice %arg3[%add3A, %dma_start3A_274] : memref<32x10000xi32, #tpu.memory_space<hbm>> -> memref<1x10000xi32, #tpu.memory_space<hbm>>
      %dma_start3A_276 = tpu.memref_squeeze %dma_start3A_275 : memref<1x10000xi32, #tpu.memory_space<hbm>> -> memref<10000xi32, #tpu.memory_space<hbm>>
      tpu.enqueue_dma source(%dma_start3A_276 : memref<10000xi32, #tpu.memory_space<hbm>>) target(%arg8 : memref<10000xi32, #tpu.memory_space<vmem>>) target_semaphore(%run_scoped3A : memref<!tpu.dma_semaphore, #tpu.memory_space<semaphore_mem>>)
      %dma_wait3A_277 = arith.constant 0 : i32
      %dma_wait3A_278 = tpu.memref_slice %arg3[%add3A, %dma_wait3A_277] : memref<32x10000xi32, #tpu.memory_space<hbm>> -> memref<1x10000xi32, #tpu.memory_space<hbm>>
      %dma_wait3A_279 = tpu.memref_squeeze %dma_wait3A_278 : memref<1x10000xi32, #tpu.memory_space<hbm>> -> memref<10000xi32, #tpu.memory_space<hbm>>
      %dma_wait3A_280 = arith.constant 0 : i32
      %dma_wait3A_281 = tpu.memref_slice %arg3[%add3A, %dma_wait3A_280] : memref<32x10000xi32, #tpu.memory_space<hbm>> -> memref<1x10000xi32, #tpu.memory_space<hbm>>
      %dma_wait3A_282 = tpu.memref_squeeze %dma_wait3A_281 : memref<1x10000xi32, #tpu.memory_space<hbm>> -> memref<10000xi32, #tpu.memory_space<hbm>>
      tpu.wait_dma2 semaphore(%run_scoped3A : memref<!tpu.dma_semaphore, #tpu.memory_space<semaphore_mem>>) src(%dma_wait3A_282 : memref<10000xi32, #tpu.memory_space<hbm>>) dst(%arg8 : memref<10000xi32, #tpu.memory_space<vmem>>)
      tpu.yield
    }) : () -> ()
    %scan3A = arith.constant 0 : i32
    %scan3A_1 = arith.constant 0 : i32
    %scan3A_2 = arith.constant 80 : i32
    %scan3A_3 = arith.addi %scan3A_1, %scan3A_2 : i32
    %scan3A_4 = arith.constant 1 : i32
    scf.for %scan3A_271 = %scan3A_1 to %scan3A_3 step %scan3A_4  : i32 {
      %broadcast_in_dim3A = arith.constant 0.000000e+00 : f32
      %broadcast_in_dim3A_272 = vector.broadcast %broadcast_in_dim3A : f32 to vector<16xf32>
      %swap3A_273 = arith.index_cast %scan3A_271 : i32 to index
      %swap3A_274 = arith.constant 0 : index
      %swap3A_275 = tpu.vector_load %arg9[%swap3A_273, %swap3A_274] {strides = array<i32>} : memref<80x128xf32, #tpu.memory_space<vmem>>, vector<1x16xf32>,
      %swap3A_276 = vector.shape_cast %swap3A_275 : vector<1x16xf32> to vector<16xf32>
      %swap3A_277 = vector.shape_cast %broadcast_in_dim3A_272 : vector<16xf32> to vector<1x16xf32>
      tpu.vector_store %arg9[%swap3A_273, %swap3A_274], %swap3A_277 {strides = array<i32>} : memref<80x128xf32, #tpu.memory_space<vmem>>, vector<1x16xf32>,
      %broadcast_in_dim3A_278 = arith.constant 0.000000e+00 : f32
      %broadcast_in_dim3A_279 = vector.broadcast %broadcast_in_dim3A_278 : f32 to vector<16xf32>
      %swap3A_280 = arith.index_cast %scan3A_271 : i32 to index
      %swap3A_281 = arith.constant 16 : index
      %swap3A_282 = tpu.vector_load %arg9[%swap3A_280, %swap3A_281] {strides = array<i32>} : memref<80x128xf32, #tpu.memory_space<vmem>>, vector<1x16xf32>,
      %swap3A_283 = vector.shape_cast %swap3A_282 : vector<1x16xf32> to vector<16xf32>
      %swap3A_284 = vector.shape_cast %broadcast_in_dim3A_279 : vector<16xf32> to vector<1x16xf32>
      tpu.vector_store %arg9[%swap3A_280, %swap3A_281], %swap3A_284 {strides = array<i32>} : memref<80x128xf32, #tpu.memory_space<vmem>>, vector<1x16xf32>,
      %broadcast_in_dim3A_285 = arith.constant 0.000000e+00 : f32
      %broadcast_in_dim3A_286 = vector.broadcast %broadcast_in_dim3A_285 : f32 to vector<16xf32>
      %swap3A_287 = arith.index_cast %scan3A_271 : i32 to index
      %swap3A_288 = arith.constant 32 : index
      %swap3A_289 = tpu.vector_load %arg9[%swap3A_287, %swap3A_288] {strides = array<i32>} : memref<80x128xf32, #tpu.memory_space<vmem>>, vector<1x16xf32>,
      %swap3A_290 = vector.shape_cast %swap3A_289 : vector<1x16xf32> to vector<16xf32>
      %swap3A_291 = vector.shape_cast %broadcast_in_dim3A_286 : vector<16xf32> to vector<1x16xf32>
      tpu.vector_store %arg9[%swap3A_287, %swap3A_288], %swap3A_291 {strides = array<i32>} : memref<80x128xf32, #tpu.memory_space<vmem>>, vector<1x16xf32>,
      %broadcast_in_dim3A_292 = arith.constant 0.000000e+00 : f32
      %broadcast_in_dim3A_293 = vector.broadcast %broadcast_in_dim3A_292 : f32 to vector<16xf32>
      %swap3A_294 = arith.index_cast %scan3A_271 : i32 to index
      %swap3A_295 = arith.constant 48 : index
      %swap3A_296 = tpu.vector_load %arg9[%swap3A_294, %swap3A_295] {strides = array<i32>} : memref<80x128xf32, #tpu.memory_space<vmem>>, vector<1x16xf32>,
      %swap3A_297 = vector.shape_cast %swap3A_296 : vector<1x16xf32> to vector<16xf32>
      %swap3A_298 = vector.shape_cast %broadcast_in_dim3A_293 : vector<16xf32> to vector<1x16xf32>
      tpu.vector_store %arg9[%swap3A_294, %swap3A_295], %swap3A_298 {strides = array<i32>} : memref<80x128xf32, #tpu.memory_space<vmem>>, vector<1x16xf32>,
      %broadcast_in_dim3A_299 = arith.constant 0.000000e+00 : f32
      %broadcast_in_dim3A_300 = vector.broadcast %broadcast_in_dim3A_299 : f32 to vector<16xf32>
      %swap3A_301 = arith.index_cast %scan3A_271 : i32 to index
      %swap3A_302 = arith.constant 64 : index
      %swap3A_303 = tpu.vector_load %arg9[%swap3A_301, %swap3A_302] {strides = array<i32>} : memref<80x128xf32, #tpu.memory_space<vmem>>, vector<1x16xf32>,
      %swap3A_304 = vector.shape_cast %swap3A_303 : vector<1x16xf32> to vector<16xf32>
      %swap3A_305 = vector.shape_cast %broadcast_in_dim3A_300 : vector<16xf32> to vector<1x16xf32>
      tpu.vector_store %arg9[%swap3A_301, %swap3A_302], %swap3A_305 {strides = array<i32>} : memref<80x128xf32, #tpu.memory_space<vmem>>, vector<1x16xf32>,
      %broadcast_in_dim3A_306 = arith.constant 0.000000e+00 : f32
      %broadcast_in_dim3A_307 = vector.broadcast %broadcast_in_dim3A_306 : f32 to vector<16xf32>
      %swap3A_308 = arith.index_cast %scan3A_271 : i32 to index
      %swap3A_309 = arith.constant 80 : index
      %swap3A_310 = tpu.vector_load %arg9[%swap3A_308, %swap3A_309] {strides = array<i32>} : memref<80x128xf32, #tpu.memory_space<vmem>>, vector<1x16xf32>,
      %swap3A_311 = vector.shape_cast %swap3A_310 : vector<1x16xf32> to vector<16xf32>
      %swap3A_312 = vector.shape_cast %broadcast_in_dim3A_307 : vector<16xf32> to vector<1x16xf32>
      tpu.vector_store %arg9[%swap3A_308, %swap3A_309], %swap3A_312 {strides = array<i32>} : memref<80x128xf32, #tpu.memory_space<vmem>>, vector<1x16xf32>,
      %broadcast_in_dim3A_313 = arith.constant 0.000000e+00 : f32
      %broadcast_in_dim3A_314 = vector.broadcast %broadcast_in_dim3A_313 : f32 to vector<16xf32>
      %swap3A_315 = arith.index_cast %scan3A_271 : i32 to index
      %swap3A_316 = arith.constant 96 : index
      %swap3A_317 = tpu.vector_load %arg9[%swap3A_315, %swap3A_316] {strides = array<i32>} : memref<80x128xf32, #tpu.memory_space<vmem>>, vector<1x16xf32>,
      %swap3A_318 = vector.shape_cast %swap3A_317 : vector<1x16xf32> to vector<16xf32>
      %swap3A_319 = vector.shape_cast %broadcast_in_dim3A_314 : vector<16xf32> to vector<1x16xf32>
      tpu.vector_store %arg9[%swap3A_315, %swap3A_316], %swap3A_319 {strides = array<i32>} : memref<80x128xf32, #tpu.memory_space<vmem>>, vector<1x16xf32>,
      %broadcast_in_dim3A_320 = arith.constant 0.000000e+00 : f32
      %broadcast_in_dim3A_321 = vector.broadcast %broadcast_in_dim3A_320 : f32 to vector<16xf32>
      %swap3A_322 = arith.index_cast %scan3A_271 : i32 to index
      %swap3A_323 = arith.constant 112 : index
      %swap3A_324 = tpu.vector_load %arg9[%swap3A_322, %swap3A_323] {strides = array<i32>} : memref<80x128xf32, #tpu.memory_space<vmem>>, vector<1x16xf32>,
      %swap3A_325 = vector.shape_cast %swap3A_324 : vector<1x16xf32> to vector<16xf32>
      %swap3A_326 = vector.shape_cast %broadcast_in_dim3A_321 : vector<16xf32> to vector<1x16xf32>
      tpu.vector_store %arg9[%swap3A_322, %swap3A_323], %swap3A_326 {strides = array<i32>} : memref<80x128xf32, #tpu.memory_space<vmem>>, vector<1x16xf32>,
    }
    %scan3A_5 = arith.constant 80 : i32
    %scan3A_6 = arith.constant 0 : i32
    %scan3A_7 = arith.constant 0 : i32
    %scan3A_8 = arith.constant 40 : i32
    %scan3A_9 = arith.addi %scan3A_7, %scan3A_8 : i32
    %scan3A_10 = arith.constant 1 : i32
    scf.for %scan3A_271 = %scan3A_7 to %scan3A_9 step %scan3A_10  : i32 {
      %broadcast_in_dim3A = arith.constant 0.000000e+00 : f32
      %broadcast_in_dim3A_272 = vector.broadcast %broadcast_in_dim3A : f32 to vector<16xf32>
      %mul3A_273 = arith.constant 16 : i32
      %mul3A_274 = arith.muli %scan3A_271, %mul3A_273 : i32
      %swap3A_275 = arith.index_cast %mul3A_274 : i32 to index
      %swap3A_276 = tpu.vector_load %arg19[%swap3A_275] {strides = array<i32>} : memref<640xf32, #tpu.memory_space<vmem>>, vector<16xf32>,
      %swap3A_277 = vector.shape_cast %swap3A_276 : vector<16xf32> to vector<16xf32>
      %swap3A_278 = vector.shape_cast %broadcast_in_dim3A_272 : vector<16xf32> to vector<16xf32>
      tpu.vector_store %arg19[%swap3A_275], %swap3A_278 {strides = array<i32>} : memref<640xf32, #tpu.memory_space<vmem>>, vector<16xf32>,
    }
    %scan3A_11 = arith.constant 40 : i32
    %scan3A_12 = arith.constant 0 : i32
    %scan3A_13 = arith.constant 0 : i32
    %scan3A_14 = arith.constant 5 : i32
    %scan3A_15 = arith.addi %scan3A_13, %scan3A_14 : i32
    %scan3A_16 = arith.constant 1 : i32
    scf.for %scan3A_271 = %scan3A_13 to %scan3A_15 step %scan3A_16  : i32 {
      %broadcast_in_dim3A = arith.constant 1.000000e+00 : f32
      %broadcast_in_dim3A_272 = vector.broadcast %broadcast_in_dim3A : f32 to vector<16xf32>
      %mul3A_273 = arith.constant 16 : i32
      %mul3A_274 = arith.muli %scan3A_271, %mul3A_273 : i32
      %swap3A_275 = arith.index_cast %mul3A_274 : i32 to index
      %swap3A_276 = tpu.vector_load %arg18[%swap3A_275] {strides = array<i32>} : memref<80xf32, #tpu.memory_space<vmem>>, vector<16xf32>,
      %swap3A_277 = vector.shape_cast %swap3A_276 : vector<16xf32> to vector<16xf32>
      %swap3A_278 = vector.shape_cast %broadcast_in_dim3A_272 : vector<16xf32> to vector<16xf32>
      tpu.vector_store %arg18[%swap3A_275], %swap3A_278 {strides = array<i32>} : memref<80xf32, #tpu.memory_space<vmem>>, vector<16xf32>,
    }
    %scan3A_17 = arith.constant 5 : i32
    %mul3A_18 = arith.constant 640 : i32
    %mul3A_19 = arith.muli %arg1, %mul3A_18 : i32
    %add3A_20 = arith.constant 0 : i32
    %add3A_21 = arith.addi %mul3A_19, %add3A_20 : i32
    "tpu.region"() ({
      %run_scoped3A = tpu.sem_alloc : memref<!tpu.dma_semaphore, #tpu.memory_space<semaphore_mem>>
      %dma_start3A_271 = arith.constant 0 : i32
      %dma_start3A_272 = arith.constant 0 : i32
      %dma_start3A_273 = tpu.memref_slice %arg9[%dma_start3A_271, %dma_start3A_272] : memref<80x128xf32, #tpu.memory_space<vmem>> -> memref<80x128xf32, #tpu.memory_space<vmem>>
      %dma_start3A_274 = arith.constant 0 : i32
      %dma_start3A_275 = tpu.memref_slice %arg6[%add3A_21, %dma_start3A_274] : memref<10240x128xf32, #tpu.memory_space<vmem_shared>> -> memref<80x128xf32, #tpu.memory_space<vmem_shared>>
      %dma_start3A_276 = arith.constant 0 : i32
      %dma_start3A_277 = tpu.memref_slice %arg6[%add3A_21, %dma_start3A_276] : memref<10240x128xf32, #tpu.memory_space<vmem_shared>> -> memref<80x128xf32, #tpu.memory_space<vmem_shared>>
      %dma_start3A_278 = arith.constant 0 : i32
      %dma_start3A_279 = arith.constant 0 : i32
      %dma_start3A_280 = tpu.memref_slice %arg9[%dma_start3A_278, %dma_start3A_279] : memref<80x128xf32, #tpu.memory_space<vmem>> -> memref<80x128xf32, #tpu.memory_space<vmem>>
      tpu.enqueue_dma source(%dma_start3A_280 : memref<80x128xf32, #tpu.memory_space<vmem>>) target(%dma_start3A_277 : memref<80x128xf32, #tpu.memory_space<vmem_shared>>) target_semaphore(%run_scoped3A : memref<!tpu.dma_semaphore, #tpu.memory_space<semaphore_mem>>)
      %dma_wait3A_281 = arith.constant 0 : i32
      %dma_wait3A_282 = arith.constant 0 : i32
      %dma_wait3A_283 = tpu.memref_slice %arg9[%dma_wait3A_281, %dma_wait3A_282] : memref<80x128xf32, #tpu.memory_space<vmem>> -> memref<80x128xf32, #tpu.memory_space<vmem>>
      %dma_wait3A_284 = arith.constant 0 : i32
      %dma_wait3A_285 = tpu.memref_slice %arg6[%add3A_21, %dma_wait3A_284] : memref<10240x128xf32, #tpu.memory_space<vmem_shared>> -> memref<80x128xf32, #tpu.memory_space<vmem_shared>>
      %dma_wait3A_286 = arith.constant 0 : i32
      %dma_wait3A_287 = tpu.memref_slice %arg6[%add3A_21, %dma_wait3A_286] : memref<10240x128xf32, #tpu.memory_space<vmem_shared>> -> memref<80x128xf32, #tpu.memory_space<vmem_shared>>
      %dma_wait3A_288 = arith.constant 0 : i32
      %dma_wait3A_289 = arith.constant 0 : i32
      %dma_wait3A_290 = tpu.memref_slice %arg9[%dma_wait3A_288, %dma_wait3A_289] : memref<80x128xf32, #tpu.memory_space<vmem>> -> memref<80x128xf32, #tpu.memory_space<vmem>>
      tpu.wait_dma2 semaphore(%run_scoped3A : memref<!tpu.dma_semaphore, #tpu.memory_space<semaphore_mem>>) src(%dma_wait3A_290 : memref<80x128xf32, #tpu.memory_space<vmem>>) dst(%dma_wait3A_287 : memref<80x128xf32, #tpu.memory_space<vmem_shared>>)
      tpu.yield
    }) : () -> ()
    %mul3A_22 = arith.constant 640 : i32
    %mul3A_23 = arith.muli %arg1, %mul3A_22 : i32
    %add3A_24 = arith.constant 80 : i32
    %add3A_25 = arith.addi %mul3A_23, %add3A_24 : i32
    "tpu.region"() ({
      %run_scoped3A = tpu.sem_alloc : memref<!tpu.dma_semaphore, #tpu.memory_space<semaphore_mem>>
      %dma_start3A_271 = arith.constant 0 : i32
      %dma_start3A_272 = arith.constant 0 : i32
      %dma_start3A_273 = tpu.memref_slice %arg9[%dma_start3A_271, %dma_start3A_272] : memref<80x128xf32, #tpu.memory_space<vmem>> -> memref<80x128xf32, #tpu.memory_space<vmem>>
      %dma_start3A_274 = arith.constant 0 : i32
      %dma_start3A_275 = tpu.memref_slice %arg6[%add3A_25, %dma_start3A_274] : memref<10240x128xf32, #tpu.memory_space<vmem_shared>> -> memref<80x128xf32, #tpu.memory_space<vmem_shared>>
      %dma_start3A_276 = arith.constant 0 : i32
      %dma_start3A_277 = tpu.memref_slice %arg6[%add3A_25, %dma_start3A_276] : memref<10240x128xf32, #tpu.memory_space<vmem_shared>> -> memref<80x128xf32, #tpu.memory_space<vmem_shared>>
      %dma_start3A_278 = arith.constant 0 : i32
      %dma_start3A_279 = arith.constant 0 : i32
      %dma_start3A_280 = tpu.memref_slice %arg9[%dma_start3A_278, %dma_start3A_279] : memref<80x128xf32, #tpu.memory_space<vmem>> -> memref<80x128xf32, #tpu.memory_space<vmem>>
      tpu.enqueue_dma source(%dma_start3A_280 : memref<80x128xf32, #tpu.memory_space<vmem>>) target(%dma_start3A_277 : memref<80x128xf32, #tpu.memory_space<vmem_shared>>) target_semaphore(%run_scoped3A : memref<!tpu.dma_semaphore, #tpu.memory_space<semaphore_mem>>)
      %dma_wait3A_281 = arith.constant 0 : i32
      %dma_wait3A_282 = arith.constant 0 : i32
      %dma_wait3A_283 = tpu.memref_slice %arg9[%dma_wait3A_281, %dma_wait3A_282] : memref<80x128xf32, #tpu.memory_space<vmem>> -> memref<80x128xf32, #tpu.memory_space<vmem>>
      %dma_wait3A_284 = arith.constant 0 : i32
      %dma_wait3A_285 = tpu.memref_slice %arg6[%add3A_25, %dma_wait3A_284] : memref<10240x128xf32, #tpu.memory_space<vmem_shared>> -> memref<80x128xf32, #tpu.memory_space<vmem_shared>>
      %dma_wait3A_286 = arith.constant 0 : i32
      %dma_wait3A_287 = tpu.memref_slice %arg6[%add3A_25, %dma_wait3A_286] : memref<10240x128xf32, #tpu.memory_space<vmem_shared>> -> memref<80x128xf32, #tpu.memory_space<vmem_shared>>
      %dma_wait3A_288 = arith.constant 0 : i32
      %dma_wait3A_289 = arith.constant 0 : i32
      %dma_wait3A_290 = tpu.memref_slice %arg9[%dma_wait3A_288, %dma_wait3A_289] : memref<80x128xf32, #tpu.memory_space<vmem>> -> memref<80x128xf32, #tpu.memory_space<vmem>>
      tpu.wait_dma2 semaphore(%run_scoped3A : memref<!tpu.dma_semaphore, #tpu.memory_space<semaphore_mem>>) src(%dma_wait3A_290 : memref<80x128xf32, #tpu.memory_space<vmem>>) dst(%dma_wait3A_287 : memref<80x128xf32, #tpu.memory_space<vmem_shared>>)
      tpu.yield
    }) : () -> ()
    %mul3A_26 = arith.constant 640 : i32
    %mul3A_27 = arith.muli %arg1, %mul3A_26 : i32
    %add3A_28 = arith.constant 160 : i32
    %add3A_29 = arith.addi %mul3A_27, %add3A_28 : i32
    "tpu.region"() ({
      %run_scoped3A = tpu.sem_alloc : memref<!tpu.dma_semaphore, #tpu.memory_space<semaphore_mem>>
      %dma_start3A_271 = arith.constant 0 : i32
      %dma_start3A_272 = arith.constant 0 : i32
      %dma_start3A_273 = tpu.memref_slice %arg9[%dma_start3A_271, %dma_start3A_272] : memref<80x128xf32, #tpu.memory_space<vmem>> -> memref<80x128xf32, #tpu.memory_space<vmem>>
      %dma_start3A_274 = arith.constant 0 : i32
      %dma_start3A_275 = tpu.memref_slice %arg6[%add3A_29, %dma_start3A_274] : memref<10240x128xf32, #tpu.memory_space<vmem_shared>> -> memref<80x128xf32, #tpu.memory_space<vmem_shared>>
      %dma_start3A_276 = arith.constant 0 : i32
      %dma_start3A_277 = tpu.memref_slice %arg6[%add3A_29, %dma_start3A_276] : memref<10240x128xf32, #tpu.memory_space<vmem_shared>> -> memref<80x128xf32, #tpu.memory_space<vmem_shared>>
      %dma_start3A_278 = arith.constant 0 : i32
      %dma_start3A_279 = arith.constant 0 : i32
      %dma_start3A_280 = tpu.memref_slice %arg9[%dma_start3A_278, %dma_start3A_279] : memref<80x128xf32, #tpu.memory_space<vmem>> -> memref<80x128xf32, #tpu.memory_space<vmem>>
      tpu.enqueue_dma source(%dma_start3A_280 : memref<80x128xf32, #tpu.memory_space<vmem>>) target(%dma_start3A_277 : memref<80x128xf32, #tpu.memory_space<vmem_shared>>) target_semaphore(%run_scoped3A : memref<!tpu.dma_semaphore, #tpu.memory_space<semaphore_mem>>)
      %dma_wait3A_281 = arith.constant 0 : i32
      %dma_wait3A_282 = arith.constant 0 : i32
      %dma_wait3A_283 = tpu.memref_slice %arg9[%dma_wait3A_281, %dma_wait3A_282] : memref<80x128xf32, #tpu.memory_space<vmem>> -> memref<80x128xf32, #tpu.memory_space<vmem>>
      %dma_wait3A_284 = arith.constant 0 : i32
      %dma_wait3A_285 = tpu.memref_slice %arg6[%add3A_29, %dma_wait3A_284] : memref<10240x128xf32, #tpu.memory_space<vmem_shared>> -> memref<80x128xf32, #tpu.memory_space<vmem_shared>>
      %dma_wait3A_286 = arith.constant 0 : i32
      %dma_wait3A_287 = tpu.memref_slice %arg6[%add3A_29, %dma_wait3A_286] : memref<10240x128xf32, #tpu.memory_space<vmem_shared>> -> memref<80x128xf32, #tpu.memory_space<vmem_shared>>
      %dma_wait3A_288 = arith.constant 0 : i32
      %dma_wait3A_289 = arith.constant 0 : i32
      %dma_wait3A_290 = tpu.memref_slice %arg9[%dma_wait3A_288, %dma_wait3A_289] : memref<80x128xf32, #tpu.memory_space<vmem>> -> memref<80x128xf32, #tpu.memory_space<vmem>>
      tpu.wait_dma2 semaphore(%run_scoped3A : memref<!tpu.dma_semaphore, #tpu.memory_space<semaphore_mem>>) src(%dma_wait3A_290 : memref<80x128xf32, #tpu.memory_space<vmem>>) dst(%dma_wait3A_287 : memref<80x128xf32, #tpu.memory_space<vmem_shared>>)
      tpu.yield
    }) : () -> ()
    %mul3A_30 = arith.constant 640 : i32
    %mul3A_31 = arith.muli %arg1, %mul3A_30 : i32
    %add3A_32 = arith.constant 240 : i32
    %add3A_33 = arith.addi %mul3A_31, %add3A_32 : i32
    "tpu.region"() ({
      %run_scoped3A = tpu.sem_alloc : memref<!tpu.dma_semaphore, #tpu.memory_space<semaphore_mem>>
      %dma_start3A_271 = arith.constant 0 : i32
      %dma_start3A_272 = arith.constant 0 : i32
      %dma_start3A_273 = tpu.memref_slice %arg9[%dma_start3A_271, %dma_start3A_272] : memref<80x128xf32, #tpu.memory_space<vmem>> -> memref<80x128xf32, #tpu.memory_space<vmem>>
      %dma_start3A_274 = arith.constant 0 : i32
      %dma_start3A_275 = tpu.memref_slice %arg6[%add3A_33, %dma_start3A_274] : memref<10240x128xf32, #tpu.memory_space<vmem_shared>> -> memref<80x128xf32, #tpu.memory_space<vmem_shared>>
      %dma_start3A_276 = arith.constant 0 : i32
      %dma_start3A_277 = tpu.memref_slice %arg6[%add3A_33, %dma_start3A_276] : memref<10240x128xf32, #tpu.memory_space<vmem_shared>> -> memref<80x128xf32, #tpu.memory_space<vmem_shared>>
      %dma_start3A_278 = arith.constant 0 : i32
      %dma_start3A_279 = arith.constant 0 : i32
      %dma_start3A_280 = tpu.memref_slice %arg9[%dma_start3A_278, %dma_start3A_279] : memref<80x128xf32, #tpu.memory_space<vmem>> -> memref<80x128xf32, #tpu.memory_space<vmem>>
      tpu.enqueue_dma source(%dma_start3A_280 : memref<80x128xf32, #tpu.memory_space<vmem>>) target(%dma_start3A_277 : memref<80x128xf32, #tpu.memory_space<vmem_shared>>) target_semaphore(%run_scoped3A : memref<!tpu.dma_semaphore, #tpu.memory_space<semaphore_mem>>)
      %dma_wait3A_281 = arith.constant 0 : i32
      %dma_wait3A_282 = arith.constant 0 : i32
      %dma_wait3A_283 = tpu.memref_slice %arg9[%dma_wait3A_281, %dma_wait3A_282] : memref<80x128xf32, #tpu.memory_space<vmem>> -> memref<80x128xf32, #tpu.memory_space<vmem>>
      %dma_wait3A_284 = arith.constant 0 : i32
      %dma_wait3A_285 = tpu.memref_slice %arg6[%add3A_33, %dma_wait3A_284] : memref<10240x128xf32, #tpu.memory_space<vmem_shared>> -> memref<80x128xf32, #tpu.memory_space<vmem_shared>>
      %dma_wait3A_286 = arith.constant 0 : i32
      %dma_wait3A_287 = tpu.memref_slice %arg6[%add3A_33, %dma_wait3A_286] : memref<10240x128xf32, #tpu.memory_space<vmem_shared>> -> memref<80x128xf32, #tpu.memory_space<vmem_shared>>
      %dma_wait3A_288 = arith.constant 0 : i32
      %dma_wait3A_289 = arith.constant 0 : i32
      %dma_wait3A_290 = tpu.memref_slice %arg9[%dma_wait3A_288, %dma_wait3A_289] : memref<80x128xf32, #tpu.memory_space<vmem>> -> memref<80x128xf32, #tpu.memory_space<vmem>>
      tpu.wait_dma2 semaphore(%run_scoped3A : memref<!tpu.dma_semaphore, #tpu.memory_space<semaphore_mem>>) src(%dma_wait3A_290 : memref<80x128xf32, #tpu.memory_space<vmem>>) dst(%dma_wait3A_287 : memref<80x128xf32, #tpu.memory_space<vmem_shared>>)
      tpu.yield
    }) : () -> ()
    %mul3A_34 = arith.constant 640 : i32
    %mul3A_35 = arith.muli %arg1, %mul3A_34 : i32
    %add3A_36 = arith.constant 320 : i32
    %add3A_37 = arith.addi %mul3A_35, %add3A_36 : i32
    "tpu.region"() ({
      %run_scoped3A = tpu.sem_alloc : memref<!tpu.dma_semaphore, #tpu.memory_space<semaphore_mem>>
      %dma_start3A_271 = arith.constant 0 : i32
      %dma_start3A_272 = arith.constant 0 : i32
      %dma_start3A_273 = tpu.memref_slice %arg9[%dma_start3A_271, %dma_start3A_272] : memref<80x128xf32, #tpu.memory_space<vmem>> -> memref<80x128xf32, #tpu.memory_space<vmem>>
      %dma_start3A_274 = arith.constant 0 : i32
      %dma_start3A_275 = tpu.memref_slice %arg6[%add3A_37, %dma_start3A_274] : memref<10240x128xf32, #tpu.memory_space<vmem_shared>> -> memref<80x128xf32, #tpu.memory_space<vmem_shared>>
      %dma_start3A_276 = arith.constant 0 : i32
      %dma_start3A_277 = tpu.memref_slice %arg6[%add3A_37, %dma_start3A_276] : memref<10240x128xf32, #tpu.memory_space<vmem_shared>> -> memref<80x128xf32, #tpu.memory_space<vmem_shared>>
      %dma_start3A_278 = arith.constant 0 : i32
      %dma_start3A_279 = arith.constant 0 : i32
      %dma_start3A_280 = tpu.memref_slice %arg9[%dma_start3A_278, %dma_start3A_279] : memref<80x128xf32, #tpu.memory_space<vmem>> -> memref<80x128xf32, #tpu.memory_space<vmem>>
      tpu.enqueue_dma source(%dma_start3A_280 : memref<80x128xf32, #tpu.memory_space<vmem>>) target(%dma_start3A_277 : memref<80x128xf32, #tpu.memory_space<vmem_shared>>) target_semaphore(%run_scoped3A : memref<!tpu.dma_semaphore, #tpu.memory_space<semaphore_mem>>)
      %dma_wait3A_281 = arith.constant 0 : i32
      %dma_wait3A_282 = arith.constant 0 : i32
      %dma_wait3A_283 = tpu.memref_slice %arg9[%dma_wait3A_281, %dma_wait3A_282] : memref<80x128xf32, #tpu.memory_space<vmem>> -> memref<80x128xf32, #tpu.memory_space<vmem>>
      %dma_wait3A_284 = arith.constant 0 : i32
      %dma_wait3A_285 = tpu.memref_slice %arg6[%add3A_37, %dma_wait3A_284] : memref<10240x128xf32, #tpu.memory_space<vmem_shared>> -> memref<80x128xf32, #tpu.memory_space<vmem_shared>>
      %dma_wait3A_286 = arith.constant 0 : i32
      %dma_wait3A_287 = tpu.memref_slice %arg6[%add3A_37, %dma_wait3A_286] : memref<10240x128xf32, #tpu.memory_space<vmem_shared>> -> memref<80x128xf32, #tpu.memory_space<vmem_shared>>
      %dma_wait3A_288 = arith.constant 0 : i32
      %dma_wait3A_289 = arith.constant 0 : i32
      %dma_wait3A_290 = tpu.memref_slice %arg9[%dma_wait3A_288, %dma_wait3A_289] : memref<80x128xf32, #tpu.memory_space<vmem>> -> memref<80x128xf32, #tpu.memory_space<vmem>>
      tpu.wait_dma2 semaphore(%run_scoped3A : memref<!tpu.dma_semaphore, #tpu.memory_space<semaphore_mem>>) src(%dma_wait3A_290 : memref<80x128xf32, #tpu.memory_space<vmem>>) dst(%dma_wait3A_287 : memref<80x128xf32, #tpu.memory_space<vmem_shared>>)
      tpu.yield
    }) : () -> ()
    %mul3A_38 = arith.constant 640 : i32
    %mul3A_39 = arith.muli %arg1, %mul3A_38 : i32
    %add3A_40 = arith.constant 400 : i32
    %add3A_41 = arith.addi %mul3A_39, %add3A_40 : i32
    "tpu.region"() ({
      %run_scoped3A = tpu.sem_alloc : memref<!tpu.dma_semaphore, #tpu.memory_space<semaphore_mem>>
      %dma_start3A_271 = arith.constant 0 : i32
      %dma_start3A_272 = arith.constant 0 : i32
      %dma_start3A_273 = tpu.memref_slice %arg9[%dma_start3A_271, %dma_start3A_272] : memref<80x128xf32, #tpu.memory_space<vmem>> -> memref<80x128xf32, #tpu.memory_space<vmem>>
      %dma_start3A_274 = arith.constant 0 : i32
      %dma_start3A_275 = tpu.memref_slice %arg6[%add3A_41, %dma_start3A_274] : memref<10240x128xf32, #tpu.memory_space<vmem_shared>> -> memref<80x128xf32, #tpu.memory_space<vmem_shared>>
      %dma_start3A_276 = arith.constant 0 : i32
      %dma_start3A_277 = tpu.memref_slice %arg6[%add3A_41, %dma_start3A_276] : memref<10240x128xf32, #tpu.memory_space<vmem_shared>> -> memref<80x128xf32, #tpu.memory_space<vmem_shared>>
      %dma_start3A_278 = arith.constant 0 : i32
      %dma_start3A_279 = arith.constant 0 : i32
      %dma_start3A_280 = tpu.memref_slice %arg9[%dma_start3A_278, %dma_start3A_279] : memref<80x128xf32, #tpu.memory_space<vmem>> -> memref<80x128xf32, #tpu.memory_space<vmem>>
      tpu.enqueue_dma source(%dma_start3A_280 : memref<80x128xf32, #tpu.memory_space<vmem>>) target(%dma_start3A_277 : memref<80x128xf32, #tpu.memory_space<vmem_shared>>) target_semaphore(%run_scoped3A : memref<!tpu.dma_semaphore, #tpu.memory_space<semaphore_mem>>)
      %dma_wait3A_281 = arith.constant 0 : i32
      %dma_wait3A_282 = arith.constant 0 : i32
      %dma_wait3A_283 = tpu.memref_slice %arg9[%dma_wait3A_281, %dma_wait3A_282] : memref<80x128xf32, #tpu.memory_space<vmem>> -> memref<80x128xf32, #tpu.memory_space<vmem>>
      %dma_wait3A_284 = arith.constant 0 : i32
      %dma_wait3A_285 = tpu.memref_slice %arg6[%add3A_41, %dma_wait3A_284] : memref<10240x128xf32, #tpu.memory_space<vmem_shared>> -> memref<80x128xf32, #tpu.memory_space<vmem_shared>>
      %dma_wait3A_286 = arith.constant 0 : i32
      %dma_wait3A_287 = tpu.memref_slice %arg6[%add3A_41, %dma_wait3A_286] : memref<10240x128xf32, #tpu.memory_space<vmem_shared>> -> memref<80x128xf32, #tpu.memory_space<vmem_shared>>
      %dma_wait3A_288 = arith.constant 0 : i32
      %dma_wait3A_289 = arith.constant 0 : i32
      %dma_wait3A_290 = tpu.memref_slice %arg9[%dma_wait3A_288, %dma_wait3A_289] : memref<80x128xf32, #tpu.memory_space<vmem>> -> memref<80x128xf32, #tpu.memory_space<vmem>>
      tpu.wait_dma2 semaphore(%run_scoped3A : memref<!tpu.dma_semaphore, #tpu.memory_space<semaphore_mem>>) src(%dma_wait3A_290 : memref<80x128xf32, #tpu.memory_space<vmem>>) dst(%dma_wait3A_287 : memref<80x128xf32, #tpu.memory_space<vmem_shared>>)
      tpu.yield
    }) : () -> ()
    %mul3A_42 = arith.constant 640 : i32
    %mul3A_43 = arith.muli %arg1, %mul3A_42 : i32
    %add3A_44 = arith.constant 480 : i32
    %add3A_45 = arith.addi %mul3A_43, %add3A_44 : i32
    "tpu.region"() ({
      %run_scoped3A = tpu.sem_alloc : memref<!tpu.dma_semaphore, #tpu.memory_space<semaphore_mem>>
      %dma_start3A_271 = arith.constant 0 : i32
      %dma_start3A_272 = arith.constant 0 : i32
      %dma_start3A_273 = tpu.memref_slice %arg9[%dma_start3A_271, %dma_start3A_272] : memref<80x128xf32, #tpu.memory_space<vmem>> -> memref<80x128xf32, #tpu.memory_space<vmem>>
      %dma_start3A_274 = arith.constant 0 : i32
      %dma_start3A_275 = tpu.memref_slice %arg6[%add3A_45, %dma_start3A_274] : memref<10240x128xf32, #tpu.memory_space<vmem_shared>> -> memref<80x128xf32, #tpu.memory_space<vmem_shared>>
      %dma_start3A_276 = arith.constant 0 : i32
      %dma_start3A_277 = tpu.memref_slice %arg6[%add3A_45, %dma_start3A_276] : memref<10240x128xf32, #tpu.memory_space<vmem_shared>> -> memref<80x128xf32, #tpu.memory_space<vmem_shared>>
      %dma_start3A_278 = arith.constant 0 : i32
      %dma_start3A_279 = arith.constant 0 : i32
      %dma_start3A_280 = tpu.memref_slice %arg9[%dma_start3A_278, %dma_start3A_279] : memref<80x128xf32, #tpu.memory_space<vmem>> -> memref<80x128xf32, #tpu.memory_space<vmem>>
      tpu.enqueue_dma source(%dma_start3A_280 : memref<80x128xf32, #tpu.memory_space<vmem>>) target(%dma_start3A_277 : memref<80x128xf32, #tpu.memory_space<vmem_shared>>) target_semaphore(%run_scoped3A : memref<!tpu.dma_semaphore, #tpu.memory_space<semaphore_mem>>)
      %dma_wait3A_281 = arith.constant 0 : i32
      %dma_wait3A_282 = arith.constant 0 : i32
      %dma_wait3A_283 = tpu.memref_slice %arg9[%dma_wait3A_281, %dma_wait3A_282] : memref<80x128xf32, #tpu.memory_space<vmem>> -> memref<80x128xf32, #tpu.memory_space<vmem>>
      %dma_wait3A_284 = arith.constant 0 : i32
      %dma_wait3A_285 = tpu.memref_slice %arg6[%add3A_45, %dma_wait3A_284] : memref<10240x128xf32, #tpu.memory_space<vmem_shared>> -> memref<80x128xf32, #tpu.memory_space<vmem_shared>>
      %dma_wait3A_286 = arith.constant 0 : i32
      %dma_wait3A_287 = tpu.memref_slice %arg6[%add3A_45, %dma_wait3A_286] : memref<10240x128xf32, #tpu.memory_space<vmem_shared>> -> memref<80x128xf32, #tpu.memory_space<vmem_shared>>
      %dma_wait3A_288 = arith.constant 0 : i32
      %dma_wait3A_289 = arith.constant 0 : i32
      %dma_wait3A_290 = tpu.memref_slice %arg9[%dma_wait3A_288, %dma_wait3A_289] : memref<80x128xf32, #tpu.memory_space<vmem>> -> memref<80x128xf32, #tpu.memory_space<vmem>>
      tpu.wait_dma2 semaphore(%run_scoped3A : memref<!tpu.dma_semaphore, #tpu.memory_space<semaphore_mem>>) src(%dma_wait3A_290 : memref<80x128xf32, #tpu.memory_space<vmem>>) dst(%dma_wait3A_287 : memref<80x128xf32, #tpu.memory_space<vmem_shared>>)
      tpu.yield
    }) : () -> ()
    %mul3A_46 = arith.constant 640 : i32
    %mul3A_47 = arith.muli %arg1, %mul3A_46 : i32
    %add3A_48 = arith.constant 560 : i32
    %add3A_49 = arith.addi %mul3A_47, %add3A_48 : i32
    "tpu.region"() ({
      %run_scoped3A = tpu.sem_alloc : memref<!tpu.dma_semaphore, #tpu.memory_space<semaphore_mem>>
      %dma_start3A_271 = arith.constant 0 : i32
      %dma_start3A_272 = arith.constant 0 : i32
      %dma_start3A_273 = tpu.memref_slice %arg9[%dma_start3A_271, %dma_start3A_272] : memref<80x128xf32, #tpu.memory_space<vmem>> -> memref<80x128xf32, #tpu.memory_space<vmem>>
      %dma_start3A_274 = arith.constant 0 : i32
      %dma_start3A_275 = tpu.memref_slice %arg6[%add3A_49, %dma_start3A_274] : memref<10240x128xf32, #tpu.memory_space<vmem_shared>> -> memref<80x128xf32, #tpu.memory_space<vmem_shared>>
      %dma_start3A_276 = arith.constant 0 : i32
      %dma_start3A_277 = tpu.memref_slice %arg6[%add3A_49, %dma_start3A_276] : memref<10240x128xf32, #tpu.memory_space<vmem_shared>> -> memref<80x128xf32, #tpu.memory_space<vmem_shared>>
      %dma_start3A_278 = arith.constant 0 : i32
      %dma_start3A_279 = arith.constant 0 : i32
      %dma_start3A_280 = tpu.memref_slice %arg9[%dma_start3A_278, %dma_start3A_279] : memref<80x128xf32, #tpu.memory_space<vmem>> -> memref<80x128xf32, #tpu.memory_space<vmem>>
      tpu.enqueue_dma source(%dma_start3A_280 : memref<80x128xf32, #tpu.memory_space<vmem>>) target(%dma_start3A_277 : memref<80x128xf32, #tpu.memory_space<vmem_shared>>) target_semaphore(%run_scoped3A : memref<!tpu.dma_semaphore, #tpu.memory_space<semaphore_mem>>)
      %dma_wait3A_281 = arith.constant 0 : i32
      %dma_wait3A_282 = arith.constant 0 : i32
      %dma_wait3A_283 = tpu.memref_slice %arg9[%dma_wait3A_281, %dma_wait3A_282] : memref<80x128xf32, #tpu.memory_space<vmem>> -> memref<80x128xf32, #tpu.memory_space<vmem>>
      %dma_wait3A_284 = arith.constant 0 : i32
      %dma_wait3A_285 = tpu.memref_slice %arg6[%add3A_49, %dma_wait3A_284] : memref<10240x128xf32, #tpu.memory_space<vmem_shared>> -> memref<80x128xf32, #tpu.memory_space<vmem_shared>>
      %dma_wait3A_286 = arith.constant 0 : i32
      %dma_wait3A_287 = tpu.memref_slice %arg6[%add3A_49, %dma_wait3A_286] : memref<10240x128xf32, #tpu.memory_space<vmem_shared>> -> memref<80x128xf32, #tpu.memory_space<vmem_shared>>
      %dma_wait3A_288 = arith.constant 0 : i32
      %dma_wait3A_289 = arith.constant 0 : i32
      %dma_wait3A_290 = tpu.memref_slice %arg9[%dma_wait3A_288, %dma_wait3A_289] : memref<80x128xf32, #tpu.memory_space<vmem>> -> memref<80x128xf32, #tpu.memory_space<vmem>>
      tpu.wait_dma2 semaphore(%run_scoped3A : memref<!tpu.dma_semaphore, #tpu.memory_space<semaphore_mem>>) src(%dma_wait3A_290 : memref<80x128xf32, #tpu.memory_space<vmem>>) dst(%dma_wait3A_287 : memref<80x128xf32, #tpu.memory_space<vmem_shared>>)
      tpu.yield
    }) : () -> ()
    %mul3A_50 = arith.constant 640 : i32
    %mul3A_51 = arith.muli %arg1, %mul3A_50 : i32
    "tpu.region"() ({
      %run_scoped3A = tpu.sem_alloc : memref<!tpu.dma_semaphore, #tpu.memory_space<semaphore_mem>>
      %dma_start3A_271 = tpu.memref_slice %arg7[%mul3A_51] : memref<10240xf32, #tpu.memory_space<vmem_shared>> -> memref<640xf32, #tpu.memory_space<vmem_shared>>
      %dma_start3A_272 = tpu.memref_slice %arg7[%mul3A_51] : memref<10240xf32, #tpu.memory_space<vmem_shared>> -> memref<640xf32, #tpu.memory_space<vmem_shared>>
      tpu.enqueue_dma source(%arg19 : memref<640xf32, #tpu.memory_space<vmem>>) target(%dma_start3A_272 : memref<640xf32, #tpu.memory_space<vmem_shared>>) target_semaphore(%run_scoped3A : memref<!tpu.dma_semaphore, #tpu.memory_space<semaphore_mem>>)
      %dma_wait3A_273 = tpu.memref_slice %arg7[%mul3A_51] : memref<10240xf32, #tpu.memory_space<vmem_shared>> -> memref<640xf32, #tpu.memory_space<vmem_shared>>
      %dma_wait3A_274 = tpu.memref_slice %arg7[%mul3A_51] : memref<10240xf32, #tpu.memory_space<vmem_shared>> -> memref<640xf32, #tpu.memory_space<vmem_shared>>
      tpu.wait_dma2 semaphore(%run_scoped3A : memref<!tpu.dma_semaphore, #tpu.memory_space<semaphore_mem>>) src(%arg19 : memref<640xf32, #tpu.memory_space<vmem>>) dst(%dma_wait3A_274 : memref<640xf32, #tpu.memory_space<vmem_shared>>)
      tpu.yield
    }) : () -> ()
    %get3A = arith.constant 0 : index
    %get3A_52 = tpu.vector_load %arg8[%get3A] {strides = array<i32>} : memref<10000xi32, #tpu.memory_space<vmem>>, vector<16xi32>,
    %get3A_53 = vector.shape_cast %get3A_52 : vector<16xi32> to vector<16xi32>
    %and3A = arith.constant 65535 : i32
    %and3A_54 = vector.broadcast %and3A : i32 to vector<16xi32>
    %and3A_55 = arith.andi %get3A_53, %and3A_54 : vector<16xi32>
    %swap3A = arith.constant 0 : index
    %swap3A_56 = tpu.vector_load %arg12[%swap3A] {strides = array<i32>} : memref<80xi32, #tpu.memory_space<vmem>>, vector<16xi32>,
    %swap3A_57 = vector.shape_cast %swap3A_56 : vector<16xi32> to vector<16xi32>
    %swap3A_58 = vector.shape_cast %and3A_55 : vector<16xi32> to vector<16xi32>
    tpu.vector_store %arg12[%swap3A], %swap3A_58 {strides = array<i32>} : memref<80xi32, #tpu.memory_space<vmem>>, vector<16xi32>,
    %shift_right_arithmetic3A = arith.constant 16 : i32
    %shift_right_arithmetic3A_59 = vector.broadcast %shift_right_arithmetic3A : i32 to vector<16xi32>
    %shift_right_arithmetic3A_60 = arith.shrsi %get3A_53, %shift_right_arithmetic3A_59 : vector<16xi32>
    %swap3A_61 = arith.constant 0 : index
    %swap3A_62 = tpu.vector_load %arg13[%swap3A_61] {strides = array<i32>} : memref<80xi32, #tpu.memory_space<vmem>>, vector<16xi32>,
    %swap3A_63 = vector.shape_cast %swap3A_62 : vector<16xi32> to vector<16xi32>
    %swap3A_64 = vector.shape_cast %shift_right_arithmetic3A_60 : vector<16xi32> to vector<16xi32>
    tpu.vector_store %arg13[%swap3A_61], %swap3A_64 {strides = array<i32>} : memref<80xi32, #tpu.memory_space<vmem>>, vector<16xi32>,
    %get3A_65 = arith.constant 16 : index
    %get3A_66 = tpu.vector_load %arg8[%get3A_65] {strides = array<i32>} : memref<10000xi32, #tpu.memory_space<vmem>>, vector<16xi32>,
    %get3A_67 = vector.shape_cast %get3A_66 : vector<16xi32> to vector<16xi32>
    %and3A_68 = arith.constant 65535 : i32
    %and3A_69 = vector.broadcast %and3A_68 : i32 to vector<16xi32>
    %and3A_70 = arith.andi %get3A_67, %and3A_69 : vector<16xi32>
    %swap3A_71 = arith.constant 16 : index
    %swap3A_72 = tpu.vector_load %arg12[%swap3A_71] {strides = array<i32>} : memref<80xi32, #tpu.memory_space<vmem>>, vector<16xi32>,
    %swap3A_73 = vector.shape_cast %swap3A_72 : vector<16xi32> to vector<16xi32>
    %swap3A_74 = vector.shape_cast %and3A_70 : vector<16xi32> to vector<16xi32>
    tpu.vector_store %arg12[%swap3A_71], %swap3A_74 {strides = array<i32>} : memref<80xi32, #tpu.memory_space<vmem>>, vector<16xi32>,
    %shift_right_arithmetic3A_75 = arith.constant 16 : i32
    %shift_right_arithmetic3A_76 = vector.broadcast %shift_right_arithmetic3A_75 : i32 to vector<16xi32>
    %shift_right_arithmetic3A_77 = arith.shrsi %get3A_67, %shift_right_arithmetic3A_76 : vector<16xi32>
    %swap3A_78 = arith.constant 16 : index
    %swap3A_79 = tpu.vector_load %arg13[%swap3A_78] {strides = array<i32>} : memref<80xi32, #tpu.memory_space<vmem>>, vector<16xi32>,
    %swap3A_80 = vector.shape_cast %swap3A_79 : vector<16xi32> to vector<16xi32>
    %swap3A_81 = vector.shape_cast %shift_right_arithmetic3A_77 : vector<16xi32> to vector<16xi32>
    tpu.vector_store %arg13[%swap3A_78], %swap3A_81 {strides = array<i32>} : memref<80xi32, #tpu.memory_space<vmem>>, vector<16xi32>,
    %get3A_82 = arith.constant 32 : index
    %get3A_83 = tpu.vector_load %arg8[%get3A_82] {strides = array<i32>} : memref<10000xi32, #tpu.memory_space<vmem>>, vector<16xi32>,
    %get3A_84 = vector.shape_cast %get3A_83 : vector<16xi32> to vector<16xi32>
    %and3A_85 = arith.constant 65535 : i32
    %and3A_86 = vector.broadcast %and3A_85 : i32 to vector<16xi32>
    %and3A_87 = arith.andi %get3A_84, %and3A_86 : vector<16xi32>
    %swap3A_88 = arith.constant 32 : index
    %swap3A_89 = tpu.vector_load %arg12[%swap3A_88] {strides = array<i32>} : memref<80xi32, #tpu.memory_space<vmem>>, vector<16xi32>,
    %swap3A_90 = vector.shape_cast %swap3A_89 : vector<16xi32> to vector<16xi32>
    %swap3A_91 = vector.shape_cast %and3A_87 : vector<16xi32> to vector<16xi32>
    tpu.vector_store %arg12[%swap3A_88], %swap3A_91 {strides = array<i32>} : memref<80xi32, #tpu.memory_space<vmem>>, vector<16xi32>,
    %shift_right_arithmetic3A_92 = arith.constant 16 : i32
    %shift_right_arithmetic3A_93 = vector.broadcast %shift_right_arithmetic3A_92 : i32 to vector<16xi32>
    %shift_right_arithmetic3A_94 = arith.shrsi %get3A_84, %shift_right_arithmetic3A_93 : vector<16xi32>
    %swap3A_95 = arith.constant 32 : index
    %swap3A_96 = tpu.vector_load %arg13[%swap3A_95] {strides = array<i32>} : memref<80xi32, #tpu.memory_space<vmem>>, vector<16xi32>,
    %swap3A_97 = vector.shape_cast %swap3A_96 : vector<16xi32> to vector<16xi32>
    %swap3A_98 = vector.shape_cast %shift_right_arithmetic3A_94 : vector<16xi32> to vector<16xi32>
    tpu.vector_store %arg13[%swap3A_95], %swap3A_98 {strides = array<i32>} : memref<80xi32, #tpu.memory_space<vmem>>, vector<16xi32>,
    %get3A_99 = arith.constant 48 : index
    %get3A_100 = tpu.vector_load %arg8[%get3A_99] {strides = array<i32>} : memref<10000xi32, #tpu.memory_space<vmem>>, vector<16xi32>,
    %get3A_101 = vector.shape_cast %get3A_100 : vector<16xi32> to vector<16xi32>
    %and3A_102 = arith.constant 65535 : i32
    %and3A_103 = vector.broadcast %and3A_102 : i32 to vector<16xi32>
    %and3A_104 = arith.andi %get3A_101, %and3A_103 : vector<16xi32>
    %swap3A_105 = arith.constant 48 : index
    %swap3A_106 = tpu.vector_load %arg12[%swap3A_105] {strides = array<i32>} : memref<80xi32, #tpu.memory_space<vmem>>, vector<16xi32>,
    %swap3A_107 = vector.shape_cast %swap3A_106 : vector<16xi32> to vector<16xi32>
    %swap3A_108 = vector.shape_cast %and3A_104 : vector<16xi32> to vector<16xi32>
    tpu.vector_store %arg12[%swap3A_105], %swap3A_108 {strides = array<i32>} : memref<80xi32, #tpu.memory_space<vmem>>, vector<16xi32>,
    %shift_right_arithmetic3A_109 = arith.constant 16 : i32
    %shift_right_arithmetic3A_110 = vector.broadcast %shift_right_arithmetic3A_109 : i32 to vector<16xi32>
    %shift_right_arithmetic3A_111 = arith.shrsi %get3A_101, %shift_right_arithmetic3A_110 : vector<16xi32>
    %swap3A_112 = arith.constant 48 : index
    %swap3A_113 = tpu.vector_load %arg13[%swap3A_112] {strides = array<i32>} : memref<80xi32, #tpu.memory_space<vmem>>, vector<16xi32>,
    %swap3A_114 = vector.shape_cast %swap3A_113 : vector<16xi32> to vector<16xi32>
    %swap3A_115 = vector.shape_cast %shift_right_arithmetic3A_111 : vector<16xi32> to vector<16xi32>
    tpu.vector_store %arg13[%swap3A_112], %swap3A_115 {strides = array<i32>} : memref<80xi32, #tpu.memory_space<vmem>>, vector<16xi32>,
    %get3A_116 = arith.constant 64 : index
    %get3A_117 = tpu.vector_load %arg8[%get3A_116] {strides = array<i32>} : memref<10000xi32, #tpu.memory_space<vmem>>, vector<16xi32>,
    %get3A_118 = vector.shape_cast %get3A_117 : vector<16xi32> to vector<16xi32>
    %and3A_119 = arith.constant 65535 : i32
    %and3A_120 = vector.broadcast %and3A_119 : i32 to vector<16xi32>
    %and3A_121 = arith.andi %get3A_118, %and3A_120 : vector<16xi32>
    %swap3A_122 = arith.constant 64 : index
    %swap3A_123 = tpu.vector_load %arg12[%swap3A_122] {strides = array<i32>} : memref<80xi32, #tpu.memory_space<vmem>>, vector<16xi32>,
    %swap3A_124 = vector.shape_cast %swap3A_123 : vector<16xi32> to vector<16xi32>
    %swap3A_125 = vector.shape_cast %and3A_121 : vector<16xi32> to vector<16xi32>
    tpu.vector_store %arg12[%swap3A_122], %swap3A_125 {strides = array<i32>} : memref<80xi32, #tpu.memory_space<vmem>>, vector<16xi32>,
    %shift_right_arithmetic3A_126 = arith.constant 16 : i32
    %shift_right_arithmetic3A_127 = vector.broadcast %shift_right_arithmetic3A_126 : i32 to vector<16xi32>
    %shift_right_arithmetic3A_128 = arith.shrsi %get3A_118, %shift_right_arithmetic3A_127 : vector<16xi32>
    %swap3A_129 = arith.constant 64 : index
    %swap3A_130 = tpu.vector_load %arg13[%swap3A_129] {strides = array<i32>} : memref<80xi32, #tpu.memory_space<vmem>>, vector<16xi32>,
    %swap3A_131 = vector.shape_cast %swap3A_130 : vector<16xi32> to vector<16xi32>
    %swap3A_132 = vector.shape_cast %shift_right_arithmetic3A_128 : vector<16xi32> to vector<16xi32>
    tpu.vector_store %arg13[%swap3A_129], %swap3A_132 {strides = array<i32>} : memref<80xi32, #tpu.memory_space<vmem>>, vector<16xi32>,
    %get3A_133 = arith.constant 80 : index
    %get3A_134 = tpu.vector_load %arg8[%get3A_133] {strides = array<i32>} : memref<10000xi32, #tpu.memory_space<vmem>>, vector<16xi32>,
    %get3A_135 = vector.shape_cast %get3A_134 : vector<16xi32> to vector<16xi32>
    %and3A_136 = arith.constant 65535 : i32
    %and3A_137 = vector.broadcast %and3A_136 : i32 to vector<16xi32>
    %and3A_138 = arith.andi %get3A_135, %and3A_137 : vector<16xi32>
    %swap3A_139 = arith.constant 0 : index
    %swap3A_140 = tpu.vector_load %arg14[%swap3A_139] {strides = array<i32>} : memref<80xi32, #tpu.memory_space<vmem>>, vector<16xi32>,
    %swap3A_141 = vector.shape_cast %swap3A_140 : vector<16xi32> to vector<16xi32>
    %swap3A_142 = vector.shape_cast %and3A_138 : vector<16xi32> to vector<16xi32>
    tpu.vector_store %arg14[%swap3A_139], %swap3A_142 {strides = array<i32>} : memref<80xi32, #tpu.memory_space<vmem>>, vector<16xi32>,
    %shift_right_arithmetic3A_143 = arith.constant 16 : i32
    %shift_right_arithmetic3A_144 = vector.broadcast %shift_right_arithmetic3A_143 : i32 to vector<16xi32>
    %shift_right_arithmetic3A_145 = arith.shrsi %get3A_135, %shift_right_arithmetic3A_144 : vector<16xi32>
    %swap3A_146 = arith.constant 0 : index
    %swap3A_147 = tpu.vector_load %arg15[%swap3A_146] {strides = array<i32>} : memref<80xi32, #tpu.memory_space<vmem>>, vector<16xi32>,
    %swap3A_148 = vector.shape_cast %swap3A_147 : vector<16xi32> to vector<16xi32>
    %swap3A_149 = vector.shape_cast %shift_right_arithmetic3A_145 : vector<16xi32> to vector<16xi32>
    tpu.vector_store %arg15[%swap3A_146], %swap3A_149 {strides = array<i32>} : memref<80xi32, #tpu.memory_space<vmem>>, vector<16xi32>,
    %get3A_150 = arith.constant 96 : index
    %get3A_151 = tpu.vector_load %arg8[%get3A_150] {strides = array<i32>} : memref<10000xi32, #tpu.memory_space<vmem>>, vector<16xi32>,
    %get3A_152 = vector.shape_cast %get3A_151 : vector<16xi32> to vector<16xi32>
    %and3A_153 = arith.constant 65535 : i32
    %and3A_154 = vector.broadcast %and3A_153 : i32 to vector<16xi32>
    %and3A_155 = arith.andi %get3A_152, %and3A_154 : vector<16xi32>
    %swap3A_156 = arith.constant 16 : index
    %swap3A_157 = tpu.vector_load %arg14[%swap3A_156] {strides = array<i32>} : memref<80xi32, #tpu.memory_space<vmem>>, vector<16xi32>,
    %swap3A_158 = vector.shape_cast %swap3A_157 : vector<16xi32> to vector<16xi32>
    %swap3A_159 = vector.shape_cast %and3A_155 : vector<16xi32> to vector<16xi32>
    tpu.vector_store %arg14[%swap3A_156], %swap3A_159 {strides = array<i32>} : memref<80xi32, #tpu.memory_space<vmem>>, vector<16xi32>,
    %shift_right_arithmetic3A_160 = arith.constant 16 : i32
    %shift_right_arithmetic3A_161 = vector.broadcast %shift_right_arithmetic3A_160 : i32 to vector<16xi32>
    %shift_right_arithmetic3A_162 = arith.shrsi %get3A_152, %shift_right_arithmetic3A_161 : vector<16xi32>
    %swap3A_163 = arith.constant 16 : index
    %swap3A_164 = tpu.vector_load %arg15[%swap3A_163] {strides = array<i32>} : memref<80xi32, #tpu.memory_space<vmem>>, vector<16xi32>,
    %swap3A_165 = vector.shape_cast %swap3A_164 : vector<16xi32> to vector<16xi32>
    %swap3A_166 = vector.shape_cast %shift_right_arithmetic3A_162 : vector<16xi32> to vector<16xi32>
    tpu.vector_store %arg15[%swap3A_163], %swap3A_166 {strides = array<i32>} : memref<80xi32, #tpu.memory_space<vmem>>, vector<16xi32>,
    %get3A_167 = arith.constant 112 : index
    %get3A_168 = tpu.vector_load %arg8[%get3A_167] {strides = array<i32>} : memref<10000xi32, #tpu.memory_space<vmem>>, vector<16xi32>,
    %get3A_169 = vector.shape_cast %get3A_168 : vector<16xi32> to vector<16xi32>
    %and3A_170 = arith.constant 65535 : i32
    %and3A_171 = vector.broadcast %and3A_170 : i32 to vector<16xi32>
    %and3A_172 = arith.andi %get3A_169, %and3A_171 : vector<16xi32>
    %swap3A_173 = arith.constant 32 : index
    %swap3A_174 = tpu.vector_load %arg14[%swap3A_173] {strides = array<i32>} : memref<80xi32, #tpu.memory_space<vmem>>, vector<16xi32>,
    %swap3A_175 = vector.shape_cast %swap3A_174 : vector<16xi32> to vector<16xi32>
    %swap3A_176 = vector.shape_cast %and3A_172 : vector<16xi32> to vector<16xi32>
    tpu.vector_store %arg14[%swap3A_173], %swap3A_176 {strides = array<i32>} : memref<80xi32, #tpu.memory_space<vmem>>, vector<16xi32>,
    %shift_right_arithmetic3A_177 = arith.constant 16 : i32
    %shift_right_arithmetic3A_178 = vector.broadcast %shift_right_arithmetic3A_177 : i32 to vector<16xi32>
    %shift_right_arithmetic3A_179 = arith.shrsi %get3A_169, %shift_right_arithmetic3A_178 : vector<16xi32>
    %swap3A_180 = arith.constant 32 : index
    %swap3A_181 = tpu.vector_load %arg15[%swap3A_180] {strides = array<i32>} : memref<80xi32, #tpu.memory_space<vmem>>, vector<16xi32>,
    %swap3A_182 = vector.shape_cast %swap3A_181 : vector<16xi32> to vector<16xi32>
    %swap3A_183 = vector.shape_cast %shift_right_arithmetic3A_179 : vector<16xi32> to vector<16xi32>
    tpu.vector_store %arg15[%swap3A_180], %swap3A_183 {strides = array<i32>} : memref<80xi32, #tpu.memory_space<vmem>>, vector<16xi32>,
    %get3A_184 = arith.constant 128 : index
    %get3A_185 = tpu.vector_load %arg8[%get3A_184] {strides = array<i32>} : memref<10000xi32, #tpu.memory_space<vmem>>, vector<16xi32>,
    %get3A_186 = vector.shape_cast %get3A_185 : vector<16xi32> to vector<16xi32>
    %and3A_187 = arith.constant 65535 : i32
    %and3A_188 = vector.broadcast %and3A_187 : i32 to vector<16xi32>
    %and3A_189 = arith.andi %get3A_186, %and3A_188 : vector<16xi32>
    %swap3A_190 = arith.constant 48 : index
    %swap3A_191 = tpu.vector_load %arg14[%swap3A_190] {strides = array<i32>} : memref<80xi32, #tpu.memory_space<vmem>>, vector<16xi32>,
    %swap3A_192 = vector.shape_cast %swap3A_191 : vector<16xi32> to vector<16xi32>
    %swap3A_193 = vector.shape_cast %and3A_189 : vector<16xi32> to vector<16xi32>
    tpu.vector_store %arg14[%swap3A_190], %swap3A_193 {strides = array<i32>} : memref<80xi32, #tpu.memory_space<vmem>>, vector<16xi32>,
    %shift_right_arithmetic3A_194 = arith.constant 16 : i32
    %shift_right_arithmetic3A_195 = vector.broadcast %shift_right_arithmetic3A_194 : i32 to vector<16xi32>
    %shift_right_arithmetic3A_196 = arith.shrsi %get3A_186, %shift_right_arithmetic3A_195 : vector<16xi32>
    %swap3A_197 = arith.constant 48 : index
    %swap3A_198 = tpu.vector_load %arg15[%swap3A_197] {strides = array<i32>} : memref<80xi32, #tpu.memory_space<vmem>>, vector<16xi32>,
    %swap3A_199 = vector.shape_cast %swap3A_198 : vector<16xi32> to vector<16xi32>
    %swap3A_200 = vector.shape_cast %shift_right_arithmetic3A_196 : vector<16xi32> to vector<16xi32>
    tpu.vector_store %arg15[%swap3A_197], %swap3A_200 {strides = array<i32>} : memref<80xi32, #tpu.memory_space<vmem>>, vector<16xi32>,
    %get3A_201 = arith.constant 144 : index
    %get3A_202 = tpu.vector_load %arg8[%get3A_201] {strides = array<i32>} : memref<10000xi32, #tpu.memory_space<vmem>>, vector<16xi32>,
    %get3A_203 = vector.shape_cast %get3A_202 : vector<16xi32> to vector<16xi32>
    %and3A_204 = arith.constant 65535 : i32
    %and3A_205 = vector.broadcast %and3A_204 : i32 to vector<16xi32>
    %and3A_206 = arith.andi %get3A_203, %and3A_205 : vector<16xi32>
    %swap3A_207 = arith.constant 64 : index
    %swap3A_208 = tpu.vector_load %arg14[%swap3A_207] {strides = array<i32>} : memref<80xi32, #tpu.memory_space<vmem>>, vector<16xi32>,
    %swap3A_209 = vector.shape_cast %swap3A_208 : vector<16xi32> to vector<16xi32>
    %swap3A_210 = vector.shape_cast %and3A_206 : vector<16xi32> to vector<16xi32>
    tpu.vector_store %arg14[%swap3A_207], %swap3A_210 {strides = array<i32>} : memref<80xi32, #tpu.memory_space<vmem>>, vector<16xi32>,
    %shift_right_arithmetic3A_211 = arith.constant 16 : i32
    %shift_right_arithmetic3A_212 = vector.broadcast %shift_right_arithmetic3A_211 : i32 to vector<16xi32>
    %shift_right_arithmetic3A_213 = arith.shrsi %get3A_203, %shift_right_arithmetic3A_212 : vector<16xi32>
    %swap3A_214 = arith.constant 64 : index
    %swap3A_215 = tpu.vector_load %arg15[%swap3A_214] {strides = array<i32>} : memref<80xi32, #tpu.memory_space<vmem>>, vector<16xi32>,
    %swap3A_216 = vector.shape_cast %swap3A_215 : vector<16xi32> to vector<16xi32>
    %swap3A_217 = vector.shape_cast %shift_right_arithmetic3A_213 : vector<16xi32> to vector<16xi32>
    tpu.vector_store %arg15[%swap3A_214], %swap3A_217 {strides = array<i32>} : memref<80xi32, #tpu.memory_space<vmem>>, vector<16xi32>,
    %dma_start3A = arith.constant 0 : i32
    %dma_start3A_218 = arith.constant 0 : i32
    %dma_start3A_219 = tpu.memref_slice %arg2[%dma_start3A, %dma_start3A_218] : memref<10240x128xf32, #tpu.memory_space<hbm>> -> memref<10240x128xf32, #tpu.memory_space<hbm>>
    tpu.enqueue_indirect_dma source(%dma_start3A_219 : memref<10240x128xf32, #tpu.memory_space<hbm>>) target(%arg9 : memref<80x128xf32, #tpu.memory_space<vmem>>) offsets(%arg12 : memref<80xi32, #tpu.memory_space<vmem>>) semaphore(%arg20 : memref<!tpu.dma_semaphore, #tpu.memory_space<semaphore_mem>>)
    %dma_start3A_220 = arith.constant 0 : i32
    %dma_start3A_221 = arith.constant 0 : i32
    %dma_start3A_222 = tpu.memref_slice %arg2[%dma_start3A_220, %dma_start3A_221] : memref<10240x128xf32, #tpu.memory_space<hbm>> -> memref<10240x128xf32, #tpu.memory_space<hbm>>
    tpu.enqueue_indirect_dma source(%dma_start3A_222 : memref<10240x128xf32, #tpu.memory_space<hbm>>) target(%arg10 : memref<80x128xf32, #tpu.memory_space<vmem>>) offsets(%arg14 : memref<80xi32, #tpu.memory_space<vmem>>) semaphore(%arg21 : memref<!tpu.dma_semaphore, #tpu.memory_space<semaphore_mem>>)
    %barrier3A = arith.constant 0 : index
    tpu.barrier barrier_id(%barrier3A)
    %scan3A_223 = arith.constant 0 : i32
    %scan3A_224 = arith.constant 0 : i32
    %scan3A_225 = arith.constant 41 : i32
    %scan3A_226 = arith.addi %scan3A_224, %scan3A_225 : i32
    %scan3A_227 = arith.constant 1 : i32
    scf.for %scan3A_271 = %scan3A_224 to %scan3A_226 step %scan3A_227  : i32 {
      %mul3A_272 = arith.constant 3 : i32
      %mul3A_273 = arith.muli %mul3A_272, %scan3A_271 : i32
      %dma_wait3A_274 = arith.constant 0 : i32
      %dma_wait3A_275 = arith.constant 0 : i32
      %dma_wait3A_276 = tpu.memref_slice %arg2[%dma_wait3A_274, %dma_wait3A_275] : memref<10240x128xf32, #tpu.memory_space<hbm>> -> memref<10240x128xf32, #tpu.memory_space<hbm>>
      tpu.wait_indirect_dma semaphore(%arg20 : memref<!tpu.dma_semaphore, #tpu.memory_space<semaphore_mem>>) src(%dma_wait3A_276 : memref<10240x128xf32, #tpu.memory_space<hbm>>) dst(%arg9 : memref<80x128xf32, #tpu.memory_space<vmem>>)
      %dma_start3A_277 = arith.constant 0 : i32
      %dma_start3A_278 = arith.constant 0 : i32
      %dma_start3A_279 = tpu.memref_slice %arg6[%dma_start3A_277, %dma_start3A_278] : memref<10240x128xf32, #tpu.memory_space<vmem_shared>> -> memref<10240x128xf32, #tpu.memory_space<vmem_shared>>
      tpu.enqueue_indirect_dma source(%arg9 : memref<80x128xf32, #tpu.memory_space<vmem>>) target(%dma_start3A_279 : memref<10240x128xf32, #tpu.memory_space<vmem_shared>>) offsets(%arg13 : memref<80xi32, #tpu.memory_space<vmem>>) semaphore(%arg23 : memref<!tpu.dma_semaphore, #tpu.memory_space<semaphore_mem>>) {add = true}
      %dma_start3A_280 = arith.constant 0 : i32
      %dma_start3A_281 = tpu.memref_slice %arg7[%dma_start3A_280] : memref<10240xf32, #tpu.memory_space<vmem_shared>> -> memref<10240xf32, #tpu.memory_space<vmem_shared>>
      tpu.enqueue_indirect_dma source(%arg18 : memref<80xf32, #tpu.memory_space<vmem>>) target(%dma_start3A_281 : memref<10240xf32, #tpu.memory_space<vmem_shared>>) offsets(%arg13 : memref<80xi32, #tpu.memory_space<vmem>>) semaphore(%arg26 : memref<!tpu.dma_semaphore, #tpu.memory_space<semaphore_mem>>) {add = true}
      %gt3A = arith.constant 0 : i32
      %gt3A_282 = arith.cmpi sgt, %scan3A_271, %gt3A : i32
      %convert_element_type3A = arith.extui %gt3A_282 : i1 to i32
      %cond3A = arith.constant 0 : i32
      %cond3A_283 = arith.cmpi ne, %convert_element_type3A, %cond3A : i32
      scf.if %cond3A_283 {
        %dma_wait3A_640 = arith.constant 0 : i32
        %dma_wait3A_641 = arith.constant 0 : i32
        %dma_wait3A_642 = tpu.memref_slice %arg6[%dma_wait3A_640, %dma_wait3A_641] : memref<10240x128xf32, #tpu.memory_space<vmem_shared>> -> memref<10240x128xf32, #tpu.memory_space<vmem_shared>>
        tpu.wait_indirect_dma semaphore(%arg25 : memref<!tpu.dma_semaphore, #tpu.memory_space<semaphore_mem>>) src(%arg11 : memref<80x128xf32, #tpu.memory_space<vmem>>) dst(%dma_wait3A_642 : memref<10240x128xf32, #tpu.memory_space<vmem_shared>>)
        %dma_wait3A_643 = arith.constant 0 : i32
        %dma_wait3A_644 = tpu.memref_slice %arg7[%dma_wait3A_643] : memref<10240xf32, #tpu.memory_space<vmem_shared>> -> memref<10240xf32, #tpu.memory_space<vmem_shared>>
        tpu.wait_indirect_dma semaphore(%arg26 : memref<!tpu.dma_semaphore, #tpu.memory_space<semaphore_mem>>) src(%arg18 : memref<80xf32, #tpu.memory_space<vmem>>) dst(%dma_wait3A_644 : memref<10240xf32, #tpu.memory_space<vmem_shared>>)
      } else {
      }
      %add3A_284 = arith.constant 2 : i32
      %add3A_285 = arith.addi %mul3A_273, %add3A_284 : i32
      %mul3A_286 = arith.constant 80 : i32
      %mul3A_287 = arith.muli %add3A_285, %mul3A_286 : i32
      %add3A_288 = arith.constant 0 : i32
      %add3A_289 = arith.addi %mul3A_287, %add3A_288 : i32
      %get3A_290 = arith.index_cast %add3A_289 : i32 to index
      %get3A_291 = tpu.vector_load %arg8[%get3A_290] {strides = array<i32>} : memref<10000xi32, #tpu.memory_space<vmem>>, vector<16xi32>,
      %get3A_292 = vector.shape_cast %get3A_291 : vector<16xi32> to vector<16xi32>
      %and3A_293 = arith.constant 65535 : i32
      %and3A_294 = vector.broadcast %and3A_293 : i32 to vector<16xi32>
      %and3A_295 = arith.andi %get3A_292, %and3A_294 : vector<16xi32>
      %swap3A_296 = arith.constant 0 : index
      %swap3A_297 = tpu.vector_load %arg16[%swap3A_296] {strides = array<i32>} : memref<80xi32, #tpu.memory_space<vmem>>, vector<16xi32>,
      %swap3A_298 = vector.shape_cast %swap3A_297 : vector<16xi32> to vector<16xi32>
      %swap3A_299 = vector.shape_cast %and3A_295 : vector<16xi32> to vector<16xi32>
      tpu.vector_store %arg16[%swap3A_296], %swap3A_299 {strides = array<i32>} : memref<80xi32, #tpu.memory_space<vmem>>, vector<16xi32>,
      %shift_right_arithmetic3A_300 = arith.constant 16 : i32
      %shift_right_arithmetic3A_301 = vector.broadcast %shift_right_arithmetic3A_300 : i32 to vector<16xi32>
      %shift_right_arithmetic3A_302 = arith.shrsi %get3A_292, %shift_right_arithmetic3A_301 : vector<16xi32>
      %swap3A_303 = arith.constant 0 : index
      %swap3A_304 = tpu.vector_load %arg17[%swap3A_303] {strides = array<i32>} : memref<80xi32, #tpu.memory_space<vmem>>, vector<16xi32>,
      %swap3A_305 = vector.shape_cast %swap3A_304 : vector<16xi32> to vector<16xi32>
      %swap3A_306 = vector.shape_cast %shift_right_arithmetic3A_302 : vector<16xi32> to vector<16xi32>
      tpu.vector_store %arg17[%swap3A_303], %swap3A_306 {strides = array<i32>} : memref<80xi32, #tpu.memory_space<vmem>>, vector<16xi32>,
      %mul3A_307 = arith.constant 80 : i32
      %mul3A_308 = arith.muli %add3A_285, %mul3A_307 : i32
      %add3A_309 = arith.constant 16 : i32
      %add3A_310 = arith.addi %mul3A_308, %add3A_309 : i32
      %get3A_311 = arith.index_cast %add3A_310 : i32 to index
      %get3A_312 = tpu.vector_load %arg8[%get3A_311] {strides = array<i32>} : memref<10000xi32, #tpu.memory_space<vmem>>, vector<16xi32>,
      %get3A_313 = vector.shape_cast %get3A_312 : vector<16xi32> to vector<16xi32>
      %and3A_314 = arith.constant 65535 : i32
      %and3A_315 = vector.broadcast %and3A_314 : i32 to vector<16xi32>
      %and3A_316 = arith.andi %get3A_313, %and3A_315 : vector<16xi32>
      %swap3A_317 = arith.constant 16 : index
      %swap3A_318 = tpu.vector_load %arg16[%swap3A_317] {strides = array<i32>} : memref<80xi32, #tpu.memory_space<vmem>>, vector<16xi32>,
      %swap3A_319 = vector.shape_cast %swap3A_318 : vector<16xi32> to vector<16xi32>
      %swap3A_320 = vector.shape_cast %and3A_316 : vector<16xi32> to vector<16xi32>
      tpu.vector_store %arg16[%swap3A_317], %swap3A_320 {strides = array<i32>} : memref<80xi32, #tpu.memory_space<vmem>>, vector<16xi32>,
      %shift_right_arithmetic3A_321 = arith.constant 16 : i32
      %shift_right_arithmetic3A_322 = vector.broadcast %shift_right_arithmetic3A_321 : i32 to vector<16xi32>
      %shift_right_arithmetic3A_323 = arith.shrsi %get3A_313, %shift_right_arithmetic3A_322 : vector<16xi32>
      %swap3A_324 = arith.constant 16 : index
      %swap3A_325 = tpu.vector_load %arg17[%swap3A_324] {strides = array<i32>} : memref<80xi32, #tpu.memory_space<vmem>>, vector<16xi32>,
      %swap3A_326 = vector.shape_cast %swap3A_325 : vector<16xi32> to vector<16xi32>
      %swap3A_327 = vector.shape_cast %shift_right_arithmetic3A_323 : vector<16xi32> to vector<16xi32>
      tpu.vector_store %arg17[%swap3A_324], %swap3A_327 {strides = array<i32>} : memref<80xi32, #tpu.memory_space<vmem>>, vector<16xi32>,
      %mul3A_328 = arith.constant 80 : i32
      %mul3A_329 = arith.muli %add3A_285, %mul3A_328 : i32
      %add3A_330 = arith.constant 32 : i32
      %add3A_331 = arith.addi %mul3A_329, %add3A_330 : i32
      %get3A_332 = arith.index_cast %add3A_331 : i32 to index
      %get3A_333 = tpu.vector_load %arg8[%get3A_332] {strides = array<i32>} : memref<10000xi32, #tpu.memory_space<vmem>>, vector<16xi32>,
      %get3A_334 = vector.shape_cast %get3A_333 : vector<16xi32> to vector<16xi32>
      %and3A_335 = arith.constant 65535 : i32
      %and3A_336 = vector.broadcast %and3A_335 : i32 to vector<16xi32>
      %and3A_337 = arith.andi %get3A_334, %and3A_336 : vector<16xi32>
      %swap3A_338 = arith.constant 32 : index
      %swap3A_339 = tpu.vector_load %arg16[%swap3A_338] {strides = array<i32>} : memref<80xi32, #tpu.memory_space<vmem>>, vector<16xi32>,
      %swap3A_340 = vector.shape_cast %swap3A_339 : vector<16xi32> to vector<16xi32>
      %swap3A_341 = vector.shape_cast %and3A_337 : vector<16xi32> to vector<16xi32>
      tpu.vector_store %arg16[%swap3A_338], %swap3A_341 {strides = array<i32>} : memref<80xi32, #tpu.memory_space<vmem>>, vector<16xi32>,
      %shift_right_arithmetic3A_342 = arith.constant 16 : i32
      %shift_right_arithmetic3A_343 = vector.broadcast %shift_right_arithmetic3A_342 : i32 to vector<16xi32>
      %shift_right_arithmetic3A_344 = arith.shrsi %get3A_334, %shift_right_arithmetic3A_343 : vector<16xi32>
      %swap3A_345 = arith.constant 32 : index
      %swap3A_346 = tpu.vector_load %arg17[%swap3A_345] {strides = array<i32>} : memref<80xi32, #tpu.memory_space<vmem>>, vector<16xi32>,
      %swap3A_347 = vector.shape_cast %swap3A_346 : vector<16xi32> to vector<16xi32>
      %swap3A_348 = vector.shape_cast %shift_right_arithmetic3A_344 : vector<16xi32> to vector<16xi32>
      tpu.vector_store %arg17[%swap3A_345], %swap3A_348 {strides = array<i32>} : memref<80xi32, #tpu.memory_space<vmem>>, vector<16xi32>,
      %mul3A_349 = arith.constant 80 : i32
      %mul3A_350 = arith.muli %add3A_285, %mul3A_349 : i32
      %add3A_351 = arith.constant 48 : i32
      %add3A_352 = arith.addi %mul3A_350, %add3A_351 : i32
      %get3A_353 = arith.index_cast %add3A_352 : i32 to index
      %get3A_354 = tpu.vector_load %arg8[%get3A_353] {strides = array<i32>} : memref<10000xi32, #tpu.memory_space<vmem>>, vector<16xi32>,
      %get3A_355 = vector.shape_cast %get3A_354 : vector<16xi32> to vector<16xi32>
      %and3A_356 = arith.constant 65535 : i32
      %and3A_357 = vector.broadcast %and3A_356 : i32 to vector<16xi32>
      %and3A_358 = arith.andi %get3A_355, %and3A_357 : vector<16xi32>
      %swap3A_359 = arith.constant 48 : index
      %swap3A_360 = tpu.vector_load %arg16[%swap3A_359] {strides = array<i32>} : memref<80xi32, #tpu.memory_space<vmem>>, vector<16xi32>,
      %swap3A_361 = vector.shape_cast %swap3A_360 : vector<16xi32> to vector<16xi32>
      %swap3A_362 = vector.shape_cast %and3A_358 : vector<16xi32> to vector<16xi32>
      tpu.vector_store %arg16[%swap3A_359], %swap3A_362 {strides = array<i32>} : memref<80xi32, #tpu.memory_space<vmem>>, vector<16xi32>,
      %shift_right_arithmetic3A_363 = arith.constant 16 : i32
      %shift_right_arithmetic3A_364 = vector.broadcast %shift_right_arithmetic3A_363 : i32 to vector<16xi32>
      %shift_right_arithmetic3A_365 = arith.shrsi %get3A_355, %shift_right_arithmetic3A_364 : vector<16xi32>
      %swap3A_366 = arith.constant 48 : index
      %swap3A_367 = tpu.vector_load %arg17[%swap3A_366] {strides = array<i32>} : memref<80xi32, #tpu.memory_space<vmem>>, vector<16xi32>,
      %swap3A_368 = vector.shape_cast %swap3A_367 : vector<16xi32> to vector<16xi32>
      %swap3A_369 = vector.shape_cast %shift_right_arithmetic3A_365 : vector<16xi32> to vector<16xi32>
      tpu.vector_store %arg17[%swap3A_366], %swap3A_369 {strides = array<i32>} : memref<80xi32, #tpu.memory_space<vmem>>, vector<16xi32>,
      %mul3A_370 = arith.constant 80 : i32
      %mul3A_371 = arith.muli %add3A_285, %mul3A_370 : i32
      %add3A_372 = arith.constant 64 : i32
      %add3A_373 = arith.addi %mul3A_371, %add3A_372 : i32
      %get3A_374 = arith.index_cast %add3A_373 : i32 to index
      %get3A_375 = tpu.vector_load %arg8[%get3A_374] {strides = array<i32>} : memref<10000xi32, #tpu.memory_space<vmem>>, vector<16xi32>,
      %get3A_376 = vector.shape_cast %get3A_375 : vector<16xi32> to vector<16xi32>
      %and3A_377 = arith.constant 65535 : i32
      %and3A_378 = vector.broadcast %and3A_377 : i32 to vector<16xi32>
      %and3A_379 = arith.andi %get3A_376, %and3A_378 : vector<16xi32>
      %swap3A_380 = arith.constant 64 : index
      %swap3A_381 = tpu.vector_load %arg16[%swap3A_380] {strides = array<i32>} : memref<80xi32, #tpu.memory_space<vmem>>, vector<16xi32>,
      %swap3A_382 = vector.shape_cast %swap3A_381 : vector<16xi32> to vector<16xi32>
      %swap3A_383 = vector.shape_cast %and3A_379 : vector<16xi32> to vector<16xi32>
      tpu.vector_store %arg16[%swap3A_380], %swap3A_383 {strides = array<i32>} : memref<80xi32, #tpu.memory_space<vmem>>, vector<16xi32>,
      %shift_right_arithmetic3A_384 = arith.constant 16 : i32
      %shift_right_arithmetic3A_385 = vector.broadcast %shift_right_arithmetic3A_384 : i32 to vector<16xi32>
      %shift_right_arithmetic3A_386 = arith.shrsi %get3A_376, %shift_right_arithmetic3A_385 : vector<16xi32>
      %swap3A_387 = arith.constant 64 : index
      %swap3A_388 = tpu.vector_load %arg17[%swap3A_387] {strides = array<i32>} : memref<80xi32, #tpu.memory_space<vmem>>, vector<16xi32>,
      %swap3A_389 = vector.shape_cast %swap3A_388 : vector<16xi32> to vector<16xi32>
      %swap3A_390 = vector.shape_cast %shift_right_arithmetic3A_386 : vector<16xi32> to vector<16xi32>
      tpu.vector_store %arg17[%swap3A_387], %swap3A_390 {strides = array<i32>} : memref<80xi32, #tpu.memory_space<vmem>>, vector<16xi32>,
      %dma_start3A_391 = arith.constant 0 : i32
      %dma_start3A_392 = arith.constant 0 : i32
      %dma_start3A_393 = tpu.memref_slice %arg2[%dma_start3A_391, %dma_start3A_392] : memref<10240x128xf32, #tpu.memory_space<hbm>> -> memref<10240x128xf32, #tpu.memory_space<hbm>>
      tpu.enqueue_indirect_dma source(%dma_start3A_393 : memref<10240x128xf32, #tpu.memory_space<hbm>>) target(%arg11 : memref<80x128xf32, #tpu.memory_space<vmem>>) offsets(%arg16 : memref<80xi32, #tpu.memory_space<vmem>>) semaphore(%arg22 : memref<!tpu.dma_semaphore, #tpu.memory_space<semaphore_mem>>)
      %dma_wait3A_394 = arith.constant 0 : i32
      %dma_wait3A_395 = arith.constant 0 : i32
      %dma_wait3A_396 = tpu.memref_slice %arg2[%dma_wait3A_394, %dma_wait3A_395] : memref<10240x128xf32, #tpu.memory_space<hbm>> -> memref<10240x128xf32, #tpu.memory_space<hbm>>
      tpu.wait_indirect_dma semaphore(%arg21 : memref<!tpu.dma_semaphore, #tpu.memory_space<semaphore_mem>>) src(%dma_wait3A_396 : memref<10240x128xf32, #tpu.memory_space<hbm>>) dst(%arg10 : memref<80x128xf32, #tpu.memory_space<vmem>>)
      %dma_start3A_397 = arith.constant 0 : i32
      %dma_start3A_398 = arith.constant 0 : i32
      %dma_start3A_399 = tpu.memref_slice %arg6[%dma_start3A_397, %dma_start3A_398] : memref<10240x128xf32, #tpu.memory_space<vmem_shared>> -> memref<10240x128xf32, #tpu.memory_space<vmem_shared>>
      tpu.enqueue_indirect_dma source(%arg10 : memref<80x128xf32, #tpu.memory_space<vmem>>) target(%dma_start3A_399 : memref<10240x128xf32, #tpu.memory_space<vmem_shared>>) offsets(%arg15 : memref<80xi32, #tpu.memory_space<vmem>>) semaphore(%arg24 : memref<!tpu.dma_semaphore, #tpu.memory_space<semaphore_mem>>) {add = true}
      %dma_start3A_400 = arith.constant 0 : i32
      %dma_start3A_401 = tpu.memref_slice %arg7[%dma_start3A_400] : memref<10240xf32, #tpu.memory_space<vmem_shared>> -> memref<10240xf32, #tpu.memory_space<vmem_shared>>
      tpu.enqueue_indirect_dma source(%arg18 : memref<80xf32, #tpu.memory_space<vmem>>) target(%dma_start3A_401 : memref<10240xf32, #tpu.memory_space<vmem_shared>>) offsets(%arg15 : memref<80xi32, #tpu.memory_space<vmem>>) semaphore(%arg26 : memref<!tpu.dma_semaphore, #tpu.memory_space<semaphore_mem>>) {add = true}
      %dma_wait3A_402 = arith.constant 0 : i32
      %dma_wait3A_403 = arith.constant 0 : i32
      %dma_wait3A_404 = tpu.memref_slice %arg6[%dma_wait3A_402, %dma_wait3A_403] : memref<10240x128xf32, #tpu.memory_space<vmem_shared>> -> memref<10240x128xf32, #tpu.memory_space<vmem_shared>>
      tpu.wait_indirect_dma semaphore(%arg23 : memref<!tpu.dma_semaphore, #tpu.memory_space<semaphore_mem>>) src(%arg9 : memref<80x128xf32, #tpu.memory_space<vmem>>) dst(%dma_wait3A_404 : memref<10240x128xf32, #tpu.memory_space<vmem_shared>>)
      %dma_wait3A_405 = arith.constant 0 : i32
      %dma_wait3A_406 = tpu.memref_slice %arg7[%dma_wait3A_405] : memref<10240xf32, #tpu.memory_space<vmem_shared>> -> memref<10240xf32, #tpu.memory_space<vmem_shared>>
      tpu.wait_indirect_dma semaphore(%arg26 : memref<!tpu.dma_semaphore, #tpu.memory_space<semaphore_mem>>) src(%arg18 : memref<80xf32, #tpu.memory_space<vmem>>) dst(%dma_wait3A_406 : memref<10240xf32, #tpu.memory_space<vmem_shared>>)
      %add3A_407 = arith.constant 3 : i32
      %add3A_408 = arith.addi %mul3A_273, %add3A_407 : i32
      %mul3A_409 = arith.constant 80 : i32
      %mul3A_410 = arith.muli %add3A_408, %mul3A_409 : i32
      %add3A_411 = arith.constant 0 : i32
      %add3A_412 = arith.addi %mul3A_410, %add3A_411 : i32
      %get3A_413 = arith.index_cast %add3A_412 : i32 to index
      %get3A_414 = tpu.vector_load %arg8[%get3A_413] {strides = array<i32>} : memref<10000xi32, #tpu.memory_space<vmem>>, vector<16xi32>,
      %get3A_415 = vector.shape_cast %get3A_414 : vector<16xi32> to vector<16xi32>
      %and3A_416 = arith.constant 65535 : i32
      %and3A_417 = vector.broadcast %and3A_416 : i32 to vector<16xi32>
      %and3A_418 = arith.andi %get3A_415, %and3A_417 : vector<16xi32>
      %swap3A_419 = arith.constant 0 : index
      %swap3A_420 = tpu.vector_load %arg12[%swap3A_419] {strides = array<i32>} : memref<80xi32, #tpu.memory_space<vmem>>, vector<16xi32>,
      %swap3A_421 = vector.shape_cast %swap3A_420 : vector<16xi32> to vector<16xi32>
      %swap3A_422 = vector.shape_cast %and3A_418 : vector<16xi32> to vector<16xi32>
      tpu.vector_store %arg12[%swap3A_419], %swap3A_422 {strides = array<i32>} : memref<80xi32, #tpu.memory_space<vmem>>, vector<16xi32>,
      %shift_right_arithmetic3A_423 = arith.constant 16 : i32
      %shift_right_arithmetic3A_424 = vector.broadcast %shift_right_arithmetic3A_423 : i32 to vector<16xi32>
      %shift_right_arithmetic3A_425 = arith.shrsi %get3A_415, %shift_right_arithmetic3A_424 : vector<16xi32>
      %swap3A_426 = arith.constant 0 : index
      %swap3A_427 = tpu.vector_load %arg13[%swap3A_426] {strides = array<i32>} : memref<80xi32, #tpu.memory_space<vmem>>, vector<16xi32>,
      %swap3A_428 = vector.shape_cast %swap3A_427 : vector<16xi32> to vector<16xi32>
      %swap3A_429 = vector.shape_cast %shift_right_arithmetic3A_425 : vector<16xi32> to vector<16xi32>
      tpu.vector_store %arg13[%swap3A_426], %swap3A_429 {strides = array<i32>} : memref<80xi32, #tpu.memory_space<vmem>>, vector<16xi32>,
      %mul3A_430 = arith.constant 80 : i32
      %mul3A_431 = arith.muli %add3A_408, %mul3A_430 : i32
      %add3A_432 = arith.constant 16 : i32
      %add3A_433 = arith.addi %mul3A_431, %add3A_432 : i32
      %get3A_434 = arith.index_cast %add3A_433 : i32 to index
      %get3A_435 = tpu.vector_load %arg8[%get3A_434] {strides = array<i32>} : memref<10000xi32, #tpu.memory_space<vmem>>, vector<16xi32>,
      %get3A_436 = vector.shape_cast %get3A_435 : vector<16xi32> to vector<16xi32>
      %and3A_437 = arith.constant 65535 : i32
      %and3A_438 = vector.broadcast %and3A_437 : i32 to vector<16xi32>
      %and3A_439 = arith.andi %get3A_436, %and3A_438 : vector<16xi32>
      %swap3A_440 = arith.constant 16 : index
      %swap3A_441 = tpu.vector_load %arg12[%swap3A_440] {strides = array<i32>} : memref<80xi32, #tpu.memory_space<vmem>>, vector<16xi32>,
      %swap3A_442 = vector.shape_cast %swap3A_441 : vector<16xi32> to vector<16xi32>
      %swap3A_443 = vector.shape_cast %and3A_439 : vector<16xi32> to vector<16xi32>
      tpu.vector_store %arg12[%swap3A_440], %swap3A_443 {strides = array<i32>} : memref<80xi32, #tpu.memory_space<vmem>>, vector<16xi32>,
      %shift_right_arithmetic3A_444 = arith.constant 16 : i32
      %shift_right_arithmetic3A_445 = vector.broadcast %shift_right_arithmetic3A_444 : i32 to vector<16xi32>
      %shift_right_arithmetic3A_446 = arith.shrsi %get3A_436, %shift_right_arithmetic3A_445 : vector<16xi32>
      %swap3A_447 = arith.constant 16 : index
      %swap3A_448 = tpu.vector_load %arg13[%swap3A_447] {strides = array<i32>} : memref<80xi32, #tpu.memory_space<vmem>>, vector<16xi32>,
      %swap3A_449 = vector.shape_cast %swap3A_448 : vector<16xi32> to vector<16xi32>
      %swap3A_450 = vector.shape_cast %shift_right_arithmetic3A_446 : vector<16xi32> to vector<16xi32>
      tpu.vector_store %arg13[%swap3A_447], %swap3A_450 {strides = array<i32>} : memref<80xi32, #tpu.memory_space<vmem>>, vector<16xi32>,
      %mul3A_451 = arith.constant 80 : i32
      %mul3A_452 = arith.muli %add3A_408, %mul3A_451 : i32
      %add3A_453 = arith.constant 32 : i32
      %add3A_454 = arith.addi %mul3A_452, %add3A_453 : i32
      %get3A_455 = arith.index_cast %add3A_454 : i32 to index
      %get3A_456 = tpu.vector_load %arg8[%get3A_455] {strides = array<i32>} : memref<10000xi32, #tpu.memory_space<vmem>>, vector<16xi32>,
      %get3A_457 = vector.shape_cast %get3A_456 : vector<16xi32> to vector<16xi32>
      %and3A_458 = arith.constant 65535 : i32
      %and3A_459 = vector.broadcast %and3A_458 : i32 to vector<16xi32>
      %and3A_460 = arith.andi %get3A_457, %and3A_459 : vector<16xi32>
      %swap3A_461 = arith.constant 32 : index
      %swap3A_462 = tpu.vector_load %arg12[%swap3A_461] {strides = array<i32>} : memref<80xi32, #tpu.memory_space<vmem>>, vector<16xi32>,
      %swap3A_463 = vector.shape_cast %swap3A_462 : vector<16xi32> to vector<16xi32>
      %swap3A_464 = vector.shape_cast %and3A_460 : vector<16xi32> to vector<16xi32>
      tpu.vector_store %arg12[%swap3A_461], %swap3A_464 {strides = array<i32>} : memref<80xi32, #tpu.memory_space<vmem>>, vector<16xi32>,
      %shift_right_arithmetic3A_465 = arith.constant 16 : i32
      %shift_right_arithmetic3A_466 = vector.broadcast %shift_right_arithmetic3A_465 : i32 to vector<16xi32>
      %shift_right_arithmetic3A_467 = arith.shrsi %get3A_457, %shift_right_arithmetic3A_466 : vector<16xi32>
      %swap3A_468 = arith.constant 32 : index
      %swap3A_469 = tpu.vector_load %arg13[%swap3A_468] {strides = array<i32>} : memref<80xi32, #tpu.memory_space<vmem>>, vector<16xi32>,
      %swap3A_470 = vector.shape_cast %swap3A_469 : vector<16xi32> to vector<16xi32>
      %swap3A_471 = vector.shape_cast %shift_right_arithmetic3A_467 : vector<16xi32> to vector<16xi32>
      tpu.vector_store %arg13[%swap3A_468], %swap3A_471 {strides = array<i32>} : memref<80xi32, #tpu.memory_space<vmem>>, vector<16xi32>,
      %mul3A_472 = arith.constant 80 : i32
      %mul3A_473 = arith.muli %add3A_408, %mul3A_472 : i32
      %add3A_474 = arith.constant 48 : i32
      %add3A_475 = arith.addi %mul3A_473, %add3A_474 : i32
      %get3A_476 = arith.index_cast %add3A_475 : i32 to index
      %get3A_477 = tpu.vector_load %arg8[%get3A_476] {strides = array<i32>} : memref<10000xi32, #tpu.memory_space<vmem>>, vector<16xi32>,
      %get3A_478 = vector.shape_cast %get3A_477 : vector<16xi32> to vector<16xi32>
      %and3A_479 = arith.constant 65535 : i32
      %and3A_480 = vector.broadcast %and3A_479 : i32 to vector<16xi32>
      %and3A_481 = arith.andi %get3A_478, %and3A_480 : vector<16xi32>
      %swap3A_482 = arith.constant 48 : index
      %swap3A_483 = tpu.vector_load %arg12[%swap3A_482] {strides = array<i32>} : memref<80xi32, #tpu.memory_space<vmem>>, vector<16xi32>,
      %swap3A_484 = vector.shape_cast %swap3A_483 : vector<16xi32> to vector<16xi32>
      %swap3A_485 = vector.shape_cast %and3A_481 : vector<16xi32> to vector<16xi32>
      tpu.vector_store %arg12[%swap3A_482], %swap3A_485 {strides = array<i32>} : memref<80xi32, #tpu.memory_space<vmem>>, vector<16xi32>,
      %shift_right_arithmetic3A_486 = arith.constant 16 : i32
      %shift_right_arithmetic3A_487 = vector.broadcast %shift_right_arithmetic3A_486 : i32 to vector<16xi32>
      %shift_right_arithmetic3A_488 = arith.shrsi %get3A_478, %shift_right_arithmetic3A_487 : vector<16xi32>
      %swap3A_489 = arith.constant 48 : index
      %swap3A_490 = tpu.vector_load %arg13[%swap3A_489] {strides = array<i32>} : memref<80xi32, #tpu.memory_space<vmem>>, vector<16xi32>,
      %swap3A_491 = vector.shape_cast %swap3A_490 : vector<16xi32> to vector<16xi32>
      %swap3A_492 = vector.shape_cast %shift_right_arithmetic3A_488 : vector<16xi32> to vector<16xi32>
      tpu.vector_store %arg13[%swap3A_489], %swap3A_492 {strides = array<i32>} : memref<80xi32, #tpu.memory_space<vmem>>, vector<16xi32>,
      %mul3A_493 = arith.constant 80 : i32
      %mul3A_494 = arith.muli %add3A_408, %mul3A_493 : i32
      %add3A_495 = arith.constant 64 : i32
      %add3A_496 = arith.addi %mul3A_494, %add3A_495 : i32
      %get3A_497 = arith.index_cast %add3A_496 : i32 to index
      %get3A_498 = tpu.vector_load %arg8[%get3A_497] {strides = array<i32>} : memref<10000xi32, #tpu.memory_space<vmem>>, vector<16xi32>,
      %get3A_499 = vector.shape_cast %get3A_498 : vector<16xi32> to vector<16xi32>
      %and3A_500 = arith.constant 65535 : i32
      %and3A_501 = vector.broadcast %and3A_500 : i32 to vector<16xi32>
      %and3A_502 = arith.andi %get3A_499, %and3A_501 : vector<16xi32>
      %swap3A_503 = arith.constant 64 : index
      %swap3A_504 = tpu.vector_load %arg12[%swap3A_503] {strides = array<i32>} : memref<80xi32, #tpu.memory_space<vmem>>, vector<16xi32>,
      %swap3A_505 = vector.shape_cast %swap3A_504 : vector<16xi32> to vector<16xi32>
      %swap3A_506 = vector.shape_cast %and3A_502 : vector<16xi32> to vector<16xi32>
      tpu.vector_store %arg12[%swap3A_503], %swap3A_506 {strides = array<i32>} : memref<80xi32, #tpu.memory_space<vmem>>, vector<16xi32>,
      %shift_right_arithmetic3A_507 = arith.constant 16 : i32
      %shift_right_arithmetic3A_508 = vector.broadcast %shift_right_arithmetic3A_507 : i32 to vector<16xi32>
      %shift_right_arithmetic3A_509 = arith.shrsi %get3A_499, %shift_right_arithmetic3A_508 : vector<16xi32>
      %swap3A_510 = arith.constant 64 : index
      %swap3A_511 = tpu.vector_load %arg13[%swap3A_510] {strides = array<i32>} : memref<80xi32, #tpu.memory_space<vmem>>, vector<16xi32>,
      %swap3A_512 = vector.shape_cast %swap3A_511 : vector<16xi32> to vector<16xi32>
      %swap3A_513 = vector.shape_cast %shift_right_arithmetic3A_509 : vector<16xi32> to vector<16xi32>
      tpu.vector_store %arg13[%swap3A_510], %swap3A_513 {strides = array<i32>} : memref<80xi32, #tpu.memory_space<vmem>>, vector<16xi32>,
      %dma_start3A_514 = arith.constant 0 : i32
      %dma_start3A_515 = arith.constant 0 : i32
      %dma_start3A_516 = tpu.memref_slice %arg2[%dma_start3A_514, %dma_start3A_515] : memref<10240x128xf32, #tpu.memory_space<hbm>> -> memref<10240x128xf32, #tpu.memory_space<hbm>>
      tpu.enqueue_indirect_dma source(%dma_start3A_516 : memref<10240x128xf32, #tpu.memory_space<hbm>>) target(%arg9 : memref<80x128xf32, #tpu.memory_space<vmem>>) offsets(%arg12 : memref<80xi32, #tpu.memory_space<vmem>>) semaphore(%arg20 : memref<!tpu.dma_semaphore, #tpu.memory_space<semaphore_mem>>)
      %dma_wait3A_517 = arith.constant 0 : i32
      %dma_wait3A_518 = arith.constant 0 : i32
      %dma_wait3A_519 = tpu.memref_slice %arg2[%dma_wait3A_517, %dma_wait3A_518] : memref<10240x128xf32, #tpu.memory_space<hbm>> -> memref<10240x128xf32, #tpu.memory_space<hbm>>
      tpu.wait_indirect_dma semaphore(%arg22 : memref<!tpu.dma_semaphore, #tpu.memory_space<semaphore_mem>>) src(%dma_wait3A_519 : memref<10240x128xf32, #tpu.memory_space<hbm>>) dst(%arg11 : memref<80x128xf32, #tpu.memory_space<vmem>>)
      %dma_start3A_520 = arith.constant 0 : i32
      %dma_start3A_521 = arith.constant 0 : i32
      %dma_start3A_522 = tpu.memref_slice %arg6[%dma_start3A_520, %dma_start3A_521] : memref<10240x128xf32, #tpu.memory_space<vmem_shared>> -> memref<10240x128xf32, #tpu.memory_space<vmem_shared>>
      tpu.enqueue_indirect_dma source(%arg11 : memref<80x128xf32, #tpu.memory_space<vmem>>) target(%dma_start3A_522 : memref<10240x128xf32, #tpu.memory_space<vmem_shared>>) offsets(%arg17 : memref<80xi32, #tpu.memory_space<vmem>>) semaphore(%arg25 : memref<!tpu.dma_semaphore, #tpu.memory_space<semaphore_mem>>) {add = true}
      %dma_start3A_523 = arith.constant 0 : i32
      %dma_start3A_524 = tpu.memref_slice %arg7[%dma_start3A_523] : memref<10240xf32, #tpu.memory_space<vmem_shared>> -> memref<10240xf32, #tpu.memory_space<vmem_shared>>
      tpu.enqueue_indirect_dma source(%arg18 : memref<80xf32, #tpu.memory_space<vmem>>) target(%dma_start3A_524 : memref<10240xf32, #tpu.memory_space<vmem_shared>>) offsets(%arg17 : memref<80xi32, #tpu.memory_space<vmem>>) semaphore(%arg26 : memref<!tpu.dma_semaphore, #tpu.memory_space<semaphore_mem>>) {add = true}
      %dma_wait3A_525 = arith.constant 0 : i32
      %dma_wait3A_526 = arith.constant 0 : i32
      %dma_wait3A_527 = tpu.memref_slice %arg6[%dma_wait3A_525, %dma_wait3A_526] : memref<10240x128xf32, #tpu.memory_space<vmem_shared>> -> memref<10240x128xf32, #tpu.memory_space<vmem_shared>>
      tpu.wait_indirect_dma semaphore(%arg24 : memref<!tpu.dma_semaphore, #tpu.memory_space<semaphore_mem>>) src(%arg10 : memref<80x128xf32, #tpu.memory_space<vmem>>) dst(%dma_wait3A_527 : memref<10240x128xf32, #tpu.memory_space<vmem_shared>>)
      %dma_wait3A_528 = arith.constant 0 : i32
      %dma_wait3A_529 = tpu.memref_slice %arg7[%dma_wait3A_528] : memref<10240xf32, #tpu.memory_space<vmem_shared>> -> memref<10240xf32, #tpu.memory_space<vmem_shared>>
      tpu.wait_indirect_dma semaphore(%arg26 : memref<!tpu.dma_semaphore, #tpu.memory_space<semaphore_mem>>) src(%arg18 : memref<80xf32, #tpu.memory_space<vmem>>) dst(%dma_wait3A_529 : memref<10240xf32, #tpu.memory_space<vmem_shared>>)
      %add3A_530 = arith.constant 4 : i32
      %add3A_531 = arith.addi %mul3A_273, %add3A_530 : i32
      %mul3A_532 = arith.constant 80 : i32
      %mul3A_533 = arith.muli %add3A_531, %mul3A_532 : i32
      %add3A_534 = arith.constant 0 : i32
      %add3A_535 = arith.addi %mul3A_533, %add3A_534 : i32
      %get3A_536 = arith.index_cast %add3A_535 : i32 to index
      %get3A_537 = tpu.vector_load %arg8[%get3A_536] {strides = array<i32>} : memref<10000xi32, #tpu.memory_space<vmem>>, vector<16xi32>,
      %get3A_538 = vector.shape_cast %get3A_537 : vector<16xi32> to vector<16xi32>
      %and3A_539 = arith.constant 65535 : i32
      %and3A_540 = vector.broadcast %and3A_539 : i32 to vector<16xi32>
      %and3A_541 = arith.andi %get3A_538, %and3A_540 : vector<16xi32>
      %swap3A_542 = arith.constant 0 : index
      %swap3A_543 = tpu.vector_load %arg14[%swap3A_542] {strides = array<i32>} : memref<80xi32, #tpu.memory_space<vmem>>, vector<16xi32>,
      %swap3A_544 = vector.shape_cast %swap3A_543 : vector<16xi32> to vector<16xi32>
      %swap3A_545 = vector.shape_cast %and3A_541 : vector<16xi32> to vector<16xi32>
      tpu.vector_store %arg14[%swap3A_542], %swap3A_545 {strides = array<i32>} : memref<80xi32, #tpu.memory_space<vmem>>, vector<16xi32>,
      %shift_right_arithmetic3A_546 = arith.constant 16 : i32
      %shift_right_arithmetic3A_547 = vector.broadcast %shift_right_arithmetic3A_546 : i32 to vector<16xi32>
      %shift_right_arithmetic3A_548 = arith.shrsi %get3A_538, %shift_right_arithmetic3A_547 : vector<16xi32>
      %swap3A_549 = arith.constant 0 : index
      %swap3A_550 = tpu.vector_load %arg15[%swap3A_549] {strides = array<i32>} : memref<80xi32, #tpu.memory_space<vmem>>, vector<16xi32>,
      %swap3A_551 = vector.shape_cast %swap3A_550 : vector<16xi32> to vector<16xi32>
      %swap3A_552 = vector.shape_cast %shift_right_arithmetic3A_548 : vector<16xi32> to vector<16xi32>
      tpu.vector_store %arg15[%swap3A_549], %swap3A_552 {strides = array<i32>} : memref<80xi32, #tpu.memory_space<vmem>>, vector<16xi32>,
      %mul3A_553 = arith.constant 80 : i32
      %mul3A_554 = arith.muli %add3A_531, %mul3A_553 : i32
      %add3A_555 = arith.constant 16 : i32
      %add3A_556 = arith.addi %mul3A_554, %add3A_555 : i32
      %get3A_557 = arith.index_cast %add3A_556 : i32 to index
      %get3A_558 = tpu.vector_load %arg8[%get3A_557] {strides = array<i32>} : memref<10000xi32, #tpu.memory_space<vmem>>, vector<16xi32>,
      %get3A_559 = vector.shape_cast %get3A_558 : vector<16xi32> to vector<16xi32>
      %and3A_560 = arith.constant 65535 : i32
      %and3A_561 = vector.broadcast %and3A_560 : i32 to vector<16xi32>
      %and3A_562 = arith.andi %get3A_559, %and3A_561 : vector<16xi32>
      %swap3A_563 = arith.constant 16 : index
      %swap3A_564 = tpu.vector_load %arg14[%swap3A_563] {strides = array<i32>} : memref<80xi32, #tpu.memory_space<vmem>>, vector<16xi32>,
      %swap3A_565 = vector.shape_cast %swap3A_564 : vector<16xi32> to vector<16xi32>
      %swap3A_566 = vector.shape_cast %and3A_562 : vector<16xi32> to vector<16xi32>
      tpu.vector_store %arg14[%swap3A_563], %swap3A_566 {strides = array<i32>} : memref<80xi32, #tpu.memory_space<vmem>>, vector<16xi32>,
      %shift_right_arithmetic3A_567 = arith.constant 16 : i32
      %shift_right_arithmetic3A_568 = vector.broadcast %shift_right_arithmetic3A_567 : i32 to vector<16xi32>
      %shift_right_arithmetic3A_569 = arith.shrsi %get3A_559, %shift_right_arithmetic3A_568 : vector<16xi32>
      %swap3A_570 = arith.constant 16 : index
      %swap3A_571 = tpu.vector_load %arg15[%swap3A_570] {strides = array<i32>} : memref<80xi32, #tpu.memory_space<vmem>>, vector<16xi32>,
      %swap3A_572 = vector.shape_cast %swap3A_571 : vector<16xi32> to vector<16xi32>
      %swap3A_573 = vector.shape_cast %shift_right_arithmetic3A_569 : vector<16xi32> to vector<16xi32>
      tpu.vector_store %arg15[%swap3A_570], %swap3A_573 {strides = array<i32>} : memref<80xi32, #tpu.memory_space<vmem>>, vector<16xi32>,
      %mul3A_574 = arith.constant 80 : i32
      %mul3A_575 = arith.muli %add3A_531, %mul3A_574 : i32
      %add3A_576 = arith.constant 32 : i32
      %add3A_577 = arith.addi %mul3A_575, %add3A_576 : i32
      %get3A_578 = arith.index_cast %add3A_577 : i32 to index
      %get3A_579 = tpu.vector_load %arg8[%get3A_578] {strides = array<i32>} : memref<10000xi32, #tpu.memory_space<vmem>>, vector<16xi32>,
      %get3A_580 = vector.shape_cast %get3A_579 : vector<16xi32> to vector<16xi32>
      %and3A_581 = arith.constant 65535 : i32
      %and3A_582 = vector.broadcast %and3A_581 : i32 to vector<16xi32>
      %and3A_583 = arith.andi %get3A_580, %and3A_582 : vector<16xi32>
      %swap3A_584 = arith.constant 32 : index
      %swap3A_585 = tpu.vector_load %arg14[%swap3A_584] {strides = array<i32>} : memref<80xi32, #tpu.memory_space<vmem>>, vector<16xi32>,
      %swap3A_586 = vector.shape_cast %swap3A_585 : vector<16xi32> to vector<16xi32>
      %swap3A_587 = vector.shape_cast %and3A_583 : vector<16xi32> to vector<16xi32>
      tpu.vector_store %arg14[%swap3A_584], %swap3A_587 {strides = array<i32>} : memref<80xi32, #tpu.memory_space<vmem>>, vector<16xi32>,
      %shift_right_arithmetic3A_588 = arith.constant 16 : i32
      %shift_right_arithmetic3A_589 = vector.broadcast %shift_right_arithmetic3A_588 : i32 to vector<16xi32>
      %shift_right_arithmetic3A_590 = arith.shrsi %get3A_580, %shift_right_arithmetic3A_589 : vector<16xi32>
      %swap3A_591 = arith.constant 32 : index
      %swap3A_592 = tpu.vector_load %arg15[%swap3A_591] {strides = array<i32>} : memref<80xi32, #tpu.memory_space<vmem>>, vector<16xi32>,
      %swap3A_593 = vector.shape_cast %swap3A_592 : vector<16xi32> to vector<16xi32>
      %swap3A_594 = vector.shape_cast %shift_right_arithmetic3A_590 : vector<16xi32> to vector<16xi32>
      tpu.vector_store %arg15[%swap3A_591], %swap3A_594 {strides = array<i32>} : memref<80xi32, #tpu.memory_space<vmem>>, vector<16xi32>,
      %mul3A_595 = arith.constant 80 : i32
      %mul3A_596 = arith.muli %add3A_531, %mul3A_595 : i32
      %add3A_597 = arith.constant 48 : i32
      %add3A_598 = arith.addi %mul3A_596, %add3A_597 : i32
      %get3A_599 = arith.index_cast %add3A_598 : i32 to index
      %get3A_600 = tpu.vector_load %arg8[%get3A_599] {strides = array<i32>} : memref<10000xi32, #tpu.memory_space<vmem>>, vector<16xi32>,
      %get3A_601 = vector.shape_cast %get3A_600 : vector<16xi32> to vector<16xi32>
      %and3A_602 = arith.constant 65535 : i32
      %and3A_603 = vector.broadcast %and3A_602 : i32 to vector<16xi32>
      %and3A_604 = arith.andi %get3A_601, %and3A_603 : vector<16xi32>
      %swap3A_605 = arith.constant 48 : index
      %swap3A_606 = tpu.vector_load %arg14[%swap3A_605] {strides = array<i32>} : memref<80xi32, #tpu.memory_space<vmem>>, vector<16xi32>,
      %swap3A_607 = vector.shape_cast %swap3A_606 : vector<16xi32> to vector<16xi32>
      %swap3A_608 = vector.shape_cast %and3A_604 : vector<16xi32> to vector<16xi32>
      tpu.vector_store %arg14[%swap3A_605], %swap3A_608 {strides = array<i32>} : memref<80xi32, #tpu.memory_space<vmem>>, vector<16xi32>,
      %shift_right_arithmetic3A_609 = arith.constant 16 : i32
      %shift_right_arithmetic3A_610 = vector.broadcast %shift_right_arithmetic3A_609 : i32 to vector<16xi32>
      %shift_right_arithmetic3A_611 = arith.shrsi %get3A_601, %shift_right_arithmetic3A_610 : vector<16xi32>
      %swap3A_612 = arith.constant 48 : index
      %swap3A_613 = tpu.vector_load %arg15[%swap3A_612] {strides = array<i32>} : memref<80xi32, #tpu.memory_space<vmem>>, vector<16xi32>,
      %swap3A_614 = vector.shape_cast %swap3A_613 : vector<16xi32> to vector<16xi32>
      %swap3A_615 = vector.shape_cast %shift_right_arithmetic3A_611 : vector<16xi32> to vector<16xi32>
      tpu.vector_store %arg15[%swap3A_612], %swap3A_615 {strides = array<i32>} : memref<80xi32, #tpu.memory_space<vmem>>, vector<16xi32>,
      %mul3A_616 = arith.constant 80 : i32
      %mul3A_617 = arith.muli %add3A_531, %mul3A_616 : i32
      %add3A_618 = arith.constant 64 : i32
      %add3A_619 = arith.addi %mul3A_617, %add3A_618 : i32
      %get3A_620 = arith.index_cast %add3A_619 : i32 to index
      %get3A_621 = tpu.vector_load %arg8[%get3A_620] {strides = array<i32>} : memref<10000xi32, #tpu.memory_space<vmem>>, vector<16xi32>,
      %get3A_622 = vector.shape_cast %get3A_621 : vector<16xi32> to vector<16xi32>
      %and3A_623 = arith.constant 65535 : i32
      %and3A_624 = vector.broadcast %and3A_623 : i32 to vector<16xi32>
      %and3A_625 = arith.andi %get3A_622, %and3A_624 : vector<16xi32>
      %swap3A_626 = arith.constant 64 : index
      %swap3A_627 = tpu.vector_load %arg14[%swap3A_626] {strides = array<i32>} : memref<80xi32, #tpu.memory_space<vmem>>, vector<16xi32>,
      %swap3A_628 = vector.shape_cast %swap3A_627 : vector<16xi32> to vector<16xi32>
      %swap3A_629 = vector.shape_cast %and3A_625 : vector<16xi32> to vector<16xi32>
      tpu.vector_store %arg14[%swap3A_626], %swap3A_629 {strides = array<i32>} : memref<80xi32, #tpu.memory_space<vmem>>, vector<16xi32>,
      %shift_right_arithmetic3A_630 = arith.constant 16 : i32
      %shift_right_arithmetic3A_631 = vector.broadcast %shift_right_arithmetic3A_630 : i32 to vector<16xi32>
      %shift_right_arithmetic3A_632 = arith.shrsi %get3A_622, %shift_right_arithmetic3A_631 : vector<16xi32>
      %swap3A_633 = arith.constant 64 : index
      %swap3A_634 = tpu.vector_load %arg15[%swap3A_633] {strides = array<i32>} : memref<80xi32, #tpu.memory_space<vmem>>, vector<16xi32>,
      %swap3A_635 = vector.shape_cast %swap3A_634 : vector<16xi32> to vector<16xi32>
      %swap3A_636 = vector.shape_cast %shift_right_arithmetic3A_632 : vector<16xi32> to vector<16xi32>
      tpu.vector_store %arg15[%swap3A_633], %swap3A_636 {strides = array<i32>} : memref<80xi32, #tpu.memory_space<vmem>>, vector<16xi32>,
      %dma_start3A_637 = arith.constant 0 : i32
      %dma_start3A_638 = arith.constant 0 : i32
      %dma_start3A_639 = tpu.memref_slice %arg2[%dma_start3A_637, %dma_start3A_638] : memref<10240x128xf32, #tpu.memory_space<hbm>> -> memref<10240x128xf32, #tpu.memory_space<hbm>>
      tpu.enqueue_indirect_dma source(%dma_start3A_639 : memref<10240x128xf32, #tpu.memory_space<hbm>>) target(%arg10 : memref<80x128xf32, #tpu.memory_space<vmem>>) offsets(%arg14 : memref<80xi32, #tpu.memory_space<vmem>>) semaphore(%arg21 : memref<!tpu.dma_semaphore, #tpu.memory_space<semaphore_mem>>)
    }
    %scan3A_228 = arith.constant 41 : i32
    %dma_wait3A = arith.constant 0 : i32
    %dma_wait3A_229 = arith.constant 0 : i32
    %dma_wait3A_230 = tpu.memref_slice %arg2[%dma_wait3A, %dma_wait3A_229] : memref<10240x128xf32, #tpu.memory_space<hbm>> -> memref<10240x128xf32, #tpu.memory_space<hbm>>
    tpu.wait_indirect_dma semaphore(%arg20 : memref<!tpu.dma_semaphore, #tpu.memory_space<semaphore_mem>>) src(%dma_wait3A_230 : memref<10240x128xf32, #tpu.memory_space<hbm>>) dst(%arg9 : memref<80x128xf32, #tpu.memory_space<vmem>>)
    %dma_start3A_231 = arith.constant 0 : i32
    %dma_start3A_232 = arith.constant 0 : i32
    %dma_start3A_233 = tpu.memref_slice %arg6[%dma_start3A_231, %dma_start3A_232] : memref<10240x128xf32, #tpu.memory_space<vmem_shared>> -> memref<10240x128xf32, #tpu.memory_space<vmem_shared>>
    tpu.enqueue_indirect_dma source(%arg9 : memref<80x128xf32, #tpu.memory_space<vmem>>) target(%dma_start3A_233 : memref<10240x128xf32, #tpu.memory_space<vmem_shared>>) offsets(%arg13 : memref<80xi32, #tpu.memory_space<vmem>>) semaphore(%arg23 : memref<!tpu.dma_semaphore, #tpu.memory_space<semaphore_mem>>) {add = true}
    %dma_start3A_234 = arith.constant 0 : i32
    %dma_start3A_235 = tpu.memref_slice %arg7[%dma_start3A_234] : memref<10240xf32, #tpu.memory_space<vmem_shared>> -> memref<10240xf32, #tpu.memory_space<vmem_shared>>
    tpu.enqueue_indirect_dma source(%arg18 : memref<80xf32, #tpu.memory_space<vmem>>) target(%dma_start3A_235 : memref<10240xf32, #tpu.memory_space<vmem_shared>>) offsets(%arg13 : memref<80xi32, #tpu.memory_space<vmem>>) semaphore(%arg26 : memref<!tpu.dma_semaphore, #tpu.memory_space<semaphore_mem>>) {add = true}
    %dma_wait3A_236 = arith.constant 0 : i32
    %dma_wait3A_237 = arith.constant 0 : i32
    %dma_wait3A_238 = tpu.memref_slice %arg6[%dma_wait3A_236, %dma_wait3A_237] : memref<10240x128xf32, #tpu.memory_space<vmem_shared>> -> memref<10240x128xf32, #tpu.memory_space<vmem_shared>>
    tpu.wait_indirect_dma semaphore(%arg25 : memref<!tpu.dma_semaphore, #tpu.memory_space<semaphore_mem>>) src(%arg11 : memref<80x128xf32, #tpu.memory_space<vmem>>) dst(%dma_wait3A_238 : memref<10240x128xf32, #tpu.memory_space<vmem_shared>>)
    %dma_wait3A_239 = arith.constant 0 : i32
    %dma_wait3A_240 = tpu.memref_slice %arg7[%dma_wait3A_239] : memref<10240xf32, #tpu.memory_space<vmem_shared>> -> memref<10240xf32, #tpu.memory_space<vmem_shared>>
    tpu.wait_indirect_dma semaphore(%arg26 : memref<!tpu.dma_semaphore, #tpu.memory_space<semaphore_mem>>) src(%arg18 : memref<80xf32, #tpu.memory_space<vmem>>) dst(%dma_wait3A_240 : memref<10240xf32, #tpu.memory_space<vmem_shared>>)
    %dma_wait3A_241 = arith.constant 0 : i32
    %dma_wait3A_242 = arith.constant 0 : i32
    %dma_wait3A_243 = tpu.memref_slice %arg2[%dma_wait3A_241, %dma_wait3A_242] : memref<10240x128xf32, #tpu.memory_space<hbm>> -> memref<10240x128xf32, #tpu.memory_space<hbm>>
    tpu.wait_indirect_dma semaphore(%arg21 : memref<!tpu.dma_semaphore, #tpu.memory_space<semaphore_mem>>) src(%dma_wait3A_243 : memref<10240x128xf32, #tpu.memory_space<hbm>>) dst(%arg10 : memref<80x128xf32, #tpu.memory_space<vmem>>)
    %dma_start3A_244 = arith.constant 0 : i32
    %dma_start3A_245 = arith.constant 0 : i32
    %dma_start3A_246 = tpu.memref_slice %arg6[%dma_start3A_244, %dma_start3A_245] : memref<10240x128xf32, #tpu.memory_space<vmem_shared>> -> memref<10240x128xf32, #tpu.memory_space<vmem_shared>>
    tpu.enqueue_indirect_dma source(%arg10 : memref<80x128xf32, #tpu.memory_space<vmem>>) target(%dma_start3A_246 : memref<10240x128xf32, #tpu.memory_space<vmem_shared>>) offsets(%arg15 : memref<80xi32, #tpu.memory_space<vmem>>) semaphore(%arg24 : memref<!tpu.dma_semaphore, #tpu.memory_space<semaphore_mem>>) {add = true}
    %dma_start3A_247 = arith.constant 0 : i32
    %dma_start3A_248 = tpu.memref_slice %arg7[%dma_start3A_247] : memref<10240xf32, #tpu.memory_space<vmem_shared>> -> memref<10240xf32, #tpu.memory_space<vmem_shared>>
    tpu.enqueue_indirect_dma source(%arg18 : memref<80xf32, #tpu.memory_space<vmem>>) target(%dma_start3A_248 : memref<10240xf32, #tpu.memory_space<vmem_shared>>) offsets(%arg15 : memref<80xi32, #tpu.memory_space<vmem>>) semaphore(%arg26 : memref<!tpu.dma_semaphore, #tpu.memory_space<semaphore_mem>>) {add = true}
    %dma_wait3A_249 = arith.constant 0 : i32
    %dma_wait3A_250 = arith.constant 0 : i32
    %dma_wait3A_251 = tpu.memref_slice %arg6[%dma_wait3A_249, %dma_wait3A_250] : memref<10240x128xf32, #tpu.memory_space<vmem_shared>> -> memref<10240x128xf32, #tpu.memory_space<vmem_shared>>
    tpu.wait_indirect_dma semaphore(%arg23 : memref<!tpu.dma_semaphore, #tpu.memory_space<semaphore_mem>>) src(%arg9 : memref<80x128xf32, #tpu.memory_space<vmem>>) dst(%dma_wait3A_251 : memref<10240x128xf32, #tpu.memory_space<vmem_shared>>)
    %dma_wait3A_252 = arith.constant 0 : i32
    %dma_wait3A_253 = tpu.memref_slice %arg7[%dma_wait3A_252] : memref<10240xf32, #tpu.memory_space<vmem_shared>> -> memref<10240xf32, #tpu.memory_space<vmem_shared>>
    tpu.wait_indirect_dma semaphore(%arg26 : memref<!tpu.dma_semaphore, #tpu.memory_space<semaphore_mem>>) src(%arg18 : memref<80xf32, #tpu.memory_space<vmem>>) dst(%dma_wait3A_253 : memref<10240xf32, #tpu.memory_space<vmem_shared>>)
    %dma_wait3A_254 = arith.constant 0 : i32
    %dma_wait3A_255 = arith.constant 0 : i32
    %dma_wait3A_256 = tpu.memref_slice %arg6[%dma_wait3A_254, %dma_wait3A_255] : memref<10240x128xf32, #tpu.memory_space<vmem_shared>> -> memref<10240x128xf32, #tpu.memory_space<vmem_shared>>
    tpu.wait_indirect_dma semaphore(%arg24 : memref<!tpu.dma_semaphore, #tpu.memory_space<semaphore_mem>>) src(%arg10 : memref<80x128xf32, #tpu.memory_space<vmem>>) dst(%dma_wait3A_256 : memref<10240x128xf32, #tpu.memory_space<vmem_shared>>)
    %dma_wait3A_257 = arith.constant 0 : i32
    %dma_wait3A_258 = tpu.memref_slice %arg7[%dma_wait3A_257] : memref<10240xf32, #tpu.memory_space<vmem_shared>> -> memref<10240xf32, #tpu.memory_space<vmem_shared>>
    tpu.wait_indirect_dma semaphore(%arg26 : memref<!tpu.dma_semaphore, #tpu.memory_space<semaphore_mem>>) src(%arg18 : memref<80xf32, #tpu.memory_space<vmem>>) dst(%dma_wait3A_258 : memref<10240xf32, #tpu.memory_space<vmem_shared>>)
    %barrier3A_259 = arith.constant 0 : index
    tpu.barrier barrier_id(%barrier3A_259)
    %mul3A_260 = arith.constant 640 : i32
    %mul3A_261 = arith.muli %arg1, %mul3A_260 : i32
    %mul3A_262 = arith.constant 10240 : i32
    %mul3A_263 = arith.muli %arg0, %mul3A_262 : i32
    %mul3A_264 = arith.constant 640 : i32
    %mul3A_265 = arith.muli %arg1, %mul3A_264 : i32
    %add3A_266 = arith.addi %mul3A_263, %mul3A_265 : i32
    "tpu.region"() ({
      %run_scoped3A = tpu.sem_alloc : memref<!tpu.dma_semaphore, #tpu.memory_space<semaphore_mem>>
      %dma_start3A_271 = arith.constant 0 : i32
      %dma_start3A_272 = tpu.memref_slice %arg4[%add3A_266, %dma_start3A_271] : memref<20480x128xf32, #tpu.memory_space<hbm>> -> memref<640x128xf32, #tpu.memory_space<hbm>>
      %dma_start3A_273 = arith.constant 0 : i32
      %dma_start3A_274 = tpu.memref_slice %arg6[%mul3A_261, %dma_start3A_273] : memref<10240x128xf32, #tpu.memory_space<vmem_shared>> -> memref<640x128xf32, #tpu.memory_space<vmem_shared>>
      tpu.enqueue_dma source(%dma_start3A_274 : memref<640x128xf32, #tpu.memory_space<vmem_shared>>) target(%dma_start3A_272 : memref<640x128xf32, #tpu.memory_space<hbm>>) target_semaphore(%run_scoped3A : memref<!tpu.dma_semaphore, #tpu.memory_space<semaphore_mem>>)
      %dma_wait3A_275 = arith.constant 0 : i32
      %dma_wait3A_276 = tpu.memref_slice %arg4[%add3A_266, %dma_wait3A_275] : memref<20480x128xf32, #tpu.memory_space<hbm>> -> memref<640x128xf32, #tpu.memory_space<hbm>>
      %dma_wait3A_277 = arith.constant 0 : i32
      %dma_wait3A_278 = tpu.memref_slice %arg6[%mul3A_261, %dma_wait3A_277] : memref<10240x128xf32, #tpu.memory_space<vmem_shared>> -> memref<640x128xf32, #tpu.memory_space<vmem_shared>>
      tpu.wait_dma2 semaphore(%run_scoped3A : memref<!tpu.dma_semaphore, #tpu.memory_space<semaphore_mem>>) src(%dma_wait3A_278 : memref<640x128xf32, #tpu.memory_space<vmem_shared>>) dst(%dma_wait3A_276 : memref<640x128xf32, #tpu.memory_space<hbm>>)
      tpu.yield
    }) : () -> ()
    %mul3A_267 = arith.constant 640 : i32
    %mul3A_268 = arith.muli %arg1, %mul3A_267 : i32
    %mul3A_269 = arith.constant 640 : i32
    %mul3A_270 = arith.muli %arg1, %mul3A_269 : i32
    "tpu.region"() ({
      %run_scoped3A = tpu.sem_alloc : memref<!tpu.dma_semaphore, #tpu.memory_space<semaphore_mem>>
      %dma_start3A_271 = tpu.memref_slice %arg5[%arg0, %mul3A_270] : memref<2x10240xf32, #tpu.memory_space<hbm>> -> memref<1x640xf32, #tpu.memory_space<hbm>>
      %dma_start3A_272 = tpu.memref_squeeze %dma_start3A_271 : memref<1x640xf32, #tpu.memory_space<hbm>> -> memref<640xf32, #tpu.memory_space<hbm>>
      %dma_start3A_273 = tpu.memref_slice %arg7[%mul3A_268] : memref<10240xf32, #tpu.memory_space<vmem_shared>> -> memref<640xf32, #tpu.memory_space<vmem_shared>>
      tpu.enqueue_dma source(%dma_start3A_273 : memref<640xf32, #tpu.memory_space<vmem_shared>>) target(%dma_start3A_272 : memref<640xf32, #tpu.memory_space<hbm>>) target_semaphore(%run_scoped3A : memref<!tpu.dma_semaphore, #tpu.memory_space<semaphore_mem>>)
      %dma_wait3A_274 = tpu.memref_slice %arg5[%arg0, %mul3A_270] : memref<2x10240xf32, #tpu.memory_space<hbm>> -> memref<1x640xf32, #tpu.memory_space<hbm>>
      %dma_wait3A_275 = tpu.memref_squeeze %dma_wait3A_274 : memref<1x640xf32, #tpu.memory_space<hbm>> -> memref<640xf32, #tpu.memory_space<hbm>>
      %dma_wait3A_276 = tpu.memref_slice %arg7[%mul3A_268] : memref<10240xf32, #tpu.memory_space<vmem_shared>> -> memref<640xf32, #tpu.memory_space<vmem_shared>>
      tpu.wait_dma2 semaphore(%run_scoped3A : memref<!tpu.dma_semaphore, #tpu.memory_space<semaphore_mem>>) src(%dma_wait3A_276 : memref<640xf32, #tpu.memory_space<vmem_shared>>) dst(%dma_wait3A_275 : memref<640xf32, #tpu.memory_space<hbm>>)
      tpu.yield
    }) : () -> ()
    return
  }
}

#map = affine_map<(d0, d1) -> (0, 0)>
module attributes {stable_mosaic.version = 14 : i64} {
  func.func @_sc_body(%arg0: i32, %arg1: i32, %arg2: memref<10240x128xf32, #tpu.memory_space<hbm>>, %arg3: memref<32x10000xi32, #tpu.memory_space<hbm>>, %arg4: memref<20480x128xf32, #tpu.memory_space<hbm>>, %arg5: memref<2x10240xf32, #tpu.memory_space<hbm>>, %arg6: memref<10240x128xf32, #tpu.memory_space<vmem_shared>>, %arg7: memref<10240xf32, #tpu.memory_space<vmem_shared>>, %arg8: memref<10000xi32, #tpu.memory_space<vmem>>, %arg9: memref<80x128xf32, #tpu.memory_space<vmem>>, %arg10: memref<80x128xf32, #tpu.memory_space<vmem>>, %arg11: memref<80x128xf32, #tpu.memory_space<vmem>>, %arg12: memref<80xi32, #tpu.memory_space<vmem>>, %arg13: memref<80xi32, #tpu.memory_space<vmem>>, %arg14: memref<80xi32, #tpu.memory_space<vmem>>, %arg15: memref<80xi32, #tpu.memory_space<vmem>>, %arg16: memref<80xi32, #tpu.memory_space<vmem>>, %arg17: memref<80xi32, #tpu.memory_space<vmem>>, %arg18: memref<80xf32, #tpu.memory_space<vmem>>, %arg19: memref<640xf32, #tpu.memory_space<vmem>>, %arg20: memref<!tpu.dma_semaphore, #tpu.memory_space<semaphore_mem>>, %arg21: memref<!tpu.dma_semaphore, #tpu.memory_space<semaphore_mem>>, %arg22: memref<!tpu.dma_semaphore, #tpu.memory_space<semaphore_mem>>, %arg23: memref<!tpu.dma_semaphore, #tpu.memory_space<semaphore_mem>>, %arg24: memref<!tpu.dma_semaphore, #tpu.memory_space<semaphore_mem>>, %arg25: memref<!tpu.dma_semaphore, #tpu.memory_space<semaphore_mem>>, %arg26: memref<!tpu.dma_semaphore, #tpu.memory_space<semaphore_mem>>) attributes {dimension_semantics = [#tpu.dimension_semantics<core_parallel>, #tpu.dimension_semantics<subcore_parallel>], iteration_bounds = array<i64: 2, 16>, scalar_prefetch = 0 : i64, scratch_operands = 21 : i64, tpu.core_type = #tpu.core_type<sc_vector_subcore>, window_params = [{transform_indices = #map}, {transform_indices = #map}, {transform_indices = #map}, {transform_indices = #map}]} {
    %mul3A = arith.constant 16 : i32
    %mul3A_0 = arith.muli %arg0, %mul3A : i32
    %add3A = arith.addi %mul3A_0, %arg1 : i32
    "tpu.region"() ({
      %run_scoped3A = tpu.sem_alloc : memref<!tpu.dma_semaphore, #tpu.memory_space<semaphore_mem>>
      %dma_start3A_249 = arith.constant 0 : i32
      %dma_start3A_250 = tpu.memref_slice %arg3[%add3A, %dma_start3A_249] : memref<32x10000xi32, #tpu.memory_space<hbm>> -> memref<1x10000xi32, #tpu.memory_space<hbm>>
      %dma_start3A_251 = tpu.memref_squeeze %dma_start3A_250 : memref<1x10000xi32, #tpu.memory_space<hbm>> -> memref<10000xi32, #tpu.memory_space<hbm>>
      %dma_start3A_252 = arith.constant 0 : i32
      %dma_start3A_253 = tpu.memref_slice %arg3[%add3A, %dma_start3A_252] : memref<32x10000xi32, #tpu.memory_space<hbm>> -> memref<1x10000xi32, #tpu.memory_space<hbm>>
      %dma_start3A_254 = tpu.memref_squeeze %dma_start3A_253 : memref<1x10000xi32, #tpu.memory_space<hbm>> -> memref<10000xi32, #tpu.memory_space<hbm>>
      tpu.enqueue_dma source(%dma_start3A_254 : memref<10000xi32, #tpu.memory_space<hbm>>) target(%arg8 : memref<10000xi32, #tpu.memory_space<vmem>>) target_semaphore(%run_scoped3A : memref<!tpu.dma_semaphore, #tpu.memory_space<semaphore_mem>>)
      %dma_wait3A_255 = arith.constant 0 : i32
      %dma_wait3A_256 = tpu.memref_slice %arg3[%add3A, %dma_wait3A_255] : memref<32x10000xi32, #tpu.memory_space<hbm>> -> memref<1x10000xi32, #tpu.memory_space<hbm>>
      %dma_wait3A_257 = tpu.memref_squeeze %dma_wait3A_256 : memref<1x10000xi32, #tpu.memory_space<hbm>> -> memref<10000xi32, #tpu.memory_space<hbm>>
      %dma_wait3A_258 = arith.constant 0 : i32
      %dma_wait3A_259 = tpu.memref_slice %arg3[%add3A, %dma_wait3A_258] : memref<32x10000xi32, #tpu.memory_space<hbm>> -> memref<1x10000xi32, #tpu.memory_space<hbm>>
      %dma_wait3A_260 = tpu.memref_squeeze %dma_wait3A_259 : memref<1x10000xi32, #tpu.memory_space<hbm>> -> memref<10000xi32, #tpu.memory_space<hbm>>
      tpu.wait_dma2 semaphore(%run_scoped3A : memref<!tpu.dma_semaphore, #tpu.memory_space<semaphore_mem>>) src(%dma_wait3A_260 : memref<10000xi32, #tpu.memory_space<hbm>>) dst(%arg8 : memref<10000xi32, #tpu.memory_space<vmem>>)
      tpu.yield
    }) : () -> ()
    %scan3A = arith.constant 0 : i32
    %scan3A_1 = arith.constant 0 : i32
    %scan3A_2 = arith.constant 80 : i32
    %scan3A_3 = arith.addi %scan3A_1, %scan3A_2 : i32
    %scan3A_4 = arith.constant 1 : i32
    scf.for %scan3A_249 = %scan3A_1 to %scan3A_3 step %scan3A_4  : i32 {
      %broadcast_in_dim3A = arith.constant 0.000000e+00 : f32
      %broadcast_in_dim3A_250 = vector.broadcast %broadcast_in_dim3A : f32 to vector<16xf32>
      %swap3A_251 = arith.index_cast %scan3A_249 : i32 to index
      %swap3A_252 = arith.constant 0 : index
      %swap3A_253 = tpu.vector_load %arg9[%swap3A_251, %swap3A_252] {strides = array<i32>} : memref<80x128xf32, #tpu.memory_space<vmem>>, vector<1x16xf32>,
      %swap3A_254 = vector.shape_cast %swap3A_253 : vector<1x16xf32> to vector<16xf32>
      %swap3A_255 = vector.shape_cast %broadcast_in_dim3A_250 : vector<16xf32> to vector<1x16xf32>
      tpu.vector_store %arg9[%swap3A_251, %swap3A_252], %swap3A_255 {strides = array<i32>} : memref<80x128xf32, #tpu.memory_space<vmem>>, vector<1x16xf32>,
      %broadcast_in_dim3A_256 = arith.constant 0.000000e+00 : f32
      %broadcast_in_dim3A_257 = vector.broadcast %broadcast_in_dim3A_256 : f32 to vector<16xf32>
      %swap3A_258 = arith.index_cast %scan3A_249 : i32 to index
      %swap3A_259 = arith.constant 16 : index
      %swap3A_260 = tpu.vector_load %arg9[%swap3A_258, %swap3A_259] {strides = array<i32>} : memref<80x128xf32, #tpu.memory_space<vmem>>, vector<1x16xf32>,
      %swap3A_261 = vector.shape_cast %swap3A_260 : vector<1x16xf32> to vector<16xf32>
      %swap3A_262 = vector.shape_cast %broadcast_in_dim3A_257 : vector<16xf32> to vector<1x16xf32>
      tpu.vector_store %arg9[%swap3A_258, %swap3A_259], %swap3A_262 {strides = array<i32>} : memref<80x128xf32, #tpu.memory_space<vmem>>, vector<1x16xf32>,
      %broadcast_in_dim3A_263 = arith.constant 0.000000e+00 : f32
      %broadcast_in_dim3A_264 = vector.broadcast %broadcast_in_dim3A_263 : f32 to vector<16xf32>
      %swap3A_265 = arith.index_cast %scan3A_249 : i32 to index
      %swap3A_266 = arith.constant 32 : index
      %swap3A_267 = tpu.vector_load %arg9[%swap3A_265, %swap3A_266] {strides = array<i32>} : memref<80x128xf32, #tpu.memory_space<vmem>>, vector<1x16xf32>,
      %swap3A_268 = vector.shape_cast %swap3A_267 : vector<1x16xf32> to vector<16xf32>
      %swap3A_269 = vector.shape_cast %broadcast_in_dim3A_264 : vector<16xf32> to vector<1x16xf32>
      tpu.vector_store %arg9[%swap3A_265, %swap3A_266], %swap3A_269 {strides = array<i32>} : memref<80x128xf32, #tpu.memory_space<vmem>>, vector<1x16xf32>,
      %broadcast_in_dim3A_270 = arith.constant 0.000000e+00 : f32
      %broadcast_in_dim3A_271 = vector.broadcast %broadcast_in_dim3A_270 : f32 to vector<16xf32>
      %swap3A_272 = arith.index_cast %scan3A_249 : i32 to index
      %swap3A_273 = arith.constant 48 : index
      %swap3A_274 = tpu.vector_load %arg9[%swap3A_272, %swap3A_273] {strides = array<i32>} : memref<80x128xf32, #tpu.memory_space<vmem>>, vector<1x16xf32>,
      %swap3A_275 = vector.shape_cast %swap3A_274 : vector<1x16xf32> to vector<16xf32>
      %swap3A_276 = vector.shape_cast %broadcast_in_dim3A_271 : vector<16xf32> to vector<1x16xf32>
      tpu.vector_store %arg9[%swap3A_272, %swap3A_273], %swap3A_276 {strides = array<i32>} : memref<80x128xf32, #tpu.memory_space<vmem>>, vector<1x16xf32>,
      %broadcast_in_dim3A_277 = arith.constant 0.000000e+00 : f32
      %broadcast_in_dim3A_278 = vector.broadcast %broadcast_in_dim3A_277 : f32 to vector<16xf32>
      %swap3A_279 = arith.index_cast %scan3A_249 : i32 to index
      %swap3A_280 = arith.constant 64 : index
      %swap3A_281 = tpu.vector_load %arg9[%swap3A_279, %swap3A_280] {strides = array<i32>} : memref<80x128xf32, #tpu.memory_space<vmem>>, vector<1x16xf32>,
      %swap3A_282 = vector.shape_cast %swap3A_281 : vector<1x16xf32> to vector<16xf32>
      %swap3A_283 = vector.shape_cast %broadcast_in_dim3A_278 : vector<16xf32> to vector<1x16xf32>
      tpu.vector_store %arg9[%swap3A_279, %swap3A_280], %swap3A_283 {strides = array<i32>} : memref<80x128xf32, #tpu.memory_space<vmem>>, vector<1x16xf32>,
      %broadcast_in_dim3A_284 = arith.constant 0.000000e+00 : f32
      %broadcast_in_dim3A_285 = vector.broadcast %broadcast_in_dim3A_284 : f32 to vector<16xf32>
      %swap3A_286 = arith.index_cast %scan3A_249 : i32 to index
      %swap3A_287 = arith.constant 80 : index
      %swap3A_288 = tpu.vector_load %arg9[%swap3A_286, %swap3A_287] {strides = array<i32>} : memref<80x128xf32, #tpu.memory_space<vmem>>, vector<1x16xf32>,
      %swap3A_289 = vector.shape_cast %swap3A_288 : vector<1x16xf32> to vector<16xf32>
      %swap3A_290 = vector.shape_cast %broadcast_in_dim3A_285 : vector<16xf32> to vector<1x16xf32>
      tpu.vector_store %arg9[%swap3A_286, %swap3A_287], %swap3A_290 {strides = array<i32>} : memref<80x128xf32, #tpu.memory_space<vmem>>, vector<1x16xf32>,
      %broadcast_in_dim3A_291 = arith.constant 0.000000e+00 : f32
      %broadcast_in_dim3A_292 = vector.broadcast %broadcast_in_dim3A_291 : f32 to vector<16xf32>
      %swap3A_293 = arith.index_cast %scan3A_249 : i32 to index
      %swap3A_294 = arith.constant 96 : index
      %swap3A_295 = tpu.vector_load %arg9[%swap3A_293, %swap3A_294] {strides = array<i32>} : memref<80x128xf32, #tpu.memory_space<vmem>>, vector<1x16xf32>,
      %swap3A_296 = vector.shape_cast %swap3A_295 : vector<1x16xf32> to vector<16xf32>
      %swap3A_297 = vector.shape_cast %broadcast_in_dim3A_292 : vector<16xf32> to vector<1x16xf32>
      tpu.vector_store %arg9[%swap3A_293, %swap3A_294], %swap3A_297 {strides = array<i32>} : memref<80x128xf32, #tpu.memory_space<vmem>>, vector<1x16xf32>,
      %broadcast_in_dim3A_298 = arith.constant 0.000000e+00 : f32
      %broadcast_in_dim3A_299 = vector.broadcast %broadcast_in_dim3A_298 : f32 to vector<16xf32>
      %swap3A_300 = arith.index_cast %scan3A_249 : i32 to index
      %swap3A_301 = arith.constant 112 : index
      %swap3A_302 = tpu.vector_load %arg9[%swap3A_300, %swap3A_301] {strides = array<i32>} : memref<80x128xf32, #tpu.memory_space<vmem>>, vector<1x16xf32>,
      %swap3A_303 = vector.shape_cast %swap3A_302 : vector<1x16xf32> to vector<16xf32>
      %swap3A_304 = vector.shape_cast %broadcast_in_dim3A_299 : vector<16xf32> to vector<1x16xf32>
      tpu.vector_store %arg9[%swap3A_300, %swap3A_301], %swap3A_304 {strides = array<i32>} : memref<80x128xf32, #tpu.memory_space<vmem>>, vector<1x16xf32>,
    }
    %scan3A_5 = arith.constant 80 : i32
    %scan3A_6 = arith.constant 0 : i32
    %scan3A_7 = arith.constant 0 : i32
    %scan3A_8 = arith.constant 40 : i32
    %scan3A_9 = arith.addi %scan3A_7, %scan3A_8 : i32
    %scan3A_10 = arith.constant 1 : i32
    scf.for %scan3A_249 = %scan3A_7 to %scan3A_9 step %scan3A_10  : i32 {
      %broadcast_in_dim3A = arith.constant 0.000000e+00 : f32
      %broadcast_in_dim3A_250 = vector.broadcast %broadcast_in_dim3A : f32 to vector<16xf32>
      %mul3A_251 = arith.constant 16 : i32
      %mul3A_252 = arith.muli %scan3A_249, %mul3A_251 : i32
      %swap3A_253 = arith.index_cast %mul3A_252 : i32 to index
      %swap3A_254 = tpu.vector_load %arg19[%swap3A_253] {strides = array<i32>} : memref<640xf32, #tpu.memory_space<vmem>>, vector<16xf32>,
      %swap3A_255 = vector.shape_cast %swap3A_254 : vector<16xf32> to vector<16xf32>
      %swap3A_256 = vector.shape_cast %broadcast_in_dim3A_250 : vector<16xf32> to vector<16xf32>
      tpu.vector_store %arg19[%swap3A_253], %swap3A_256 {strides = array<i32>} : memref<640xf32, #tpu.memory_space<vmem>>, vector<16xf32>,
    }
    %scan3A_11 = arith.constant 40 : i32
    %mul3A_12 = arith.constant 640 : i32
    %mul3A_13 = arith.muli %arg1, %mul3A_12 : i32
    %add3A_14 = arith.constant 0 : i32
    %add3A_15 = arith.addi %mul3A_13, %add3A_14 : i32
    "tpu.region"() ({
      %run_scoped3A = tpu.sem_alloc : memref<!tpu.dma_semaphore, #tpu.memory_space<semaphore_mem>>
      %dma_start3A_249 = arith.constant 0 : i32
      %dma_start3A_250 = arith.constant 0 : i32
      %dma_start3A_251 = tpu.memref_slice %arg9[%dma_start3A_249, %dma_start3A_250] : memref<80x128xf32, #tpu.memory_space<vmem>> -> memref<80x128xf32, #tpu.memory_space<vmem>>
      %dma_start3A_252 = arith.constant 0 : i32
      %dma_start3A_253 = tpu.memref_slice %arg6[%add3A_15, %dma_start3A_252] : memref<10240x128xf32, #tpu.memory_space<vmem_shared>> -> memref<80x128xf32, #tpu.memory_space<vmem_shared>>
      %dma_start3A_254 = arith.constant 0 : i32
      %dma_start3A_255 = tpu.memref_slice %arg6[%add3A_15, %dma_start3A_254] : memref<10240x128xf32, #tpu.memory_space<vmem_shared>> -> memref<80x128xf32, #tpu.memory_space<vmem_shared>>
      %dma_start3A_256 = arith.constant 0 : i32
      %dma_start3A_257 = arith.constant 0 : i32
      %dma_start3A_258 = tpu.memref_slice %arg9[%dma_start3A_256, %dma_start3A_257] : memref<80x128xf32, #tpu.memory_space<vmem>> -> memref<80x128xf32, #tpu.memory_space<vmem>>
      tpu.enqueue_dma source(%dma_start3A_258 : memref<80x128xf32, #tpu.memory_space<vmem>>) target(%dma_start3A_255 : memref<80x128xf32, #tpu.memory_space<vmem_shared>>) target_semaphore(%run_scoped3A : memref<!tpu.dma_semaphore, #tpu.memory_space<semaphore_mem>>)
      %dma_wait3A_259 = arith.constant 0 : i32
      %dma_wait3A_260 = arith.constant 0 : i32
      %dma_wait3A_261 = tpu.memref_slice %arg9[%dma_wait3A_259, %dma_wait3A_260] : memref<80x128xf32, #tpu.memory_space<vmem>> -> memref<80x128xf32, #tpu.memory_space<vmem>>
      %dma_wait3A_262 = arith.constant 0 : i32
      %dma_wait3A_263 = tpu.memref_slice %arg6[%add3A_15, %dma_wait3A_262] : memref<10240x128xf32, #tpu.memory_space<vmem_shared>> -> memref<80x128xf32, #tpu.memory_space<vmem_shared>>
      %dma_wait3A_264 = arith.constant 0 : i32
      %dma_wait3A_265 = tpu.memref_slice %arg6[%add3A_15, %dma_wait3A_264] : memref<10240x128xf32, #tpu.memory_space<vmem_shared>> -> memref<80x128xf32, #tpu.memory_space<vmem_shared>>
      %dma_wait3A_266 = arith.constant 0 : i32
      %dma_wait3A_267 = arith.constant 0 : i32
      %dma_wait3A_268 = tpu.memref_slice %arg9[%dma_wait3A_266, %dma_wait3A_267] : memref<80x128xf32, #tpu.memory_space<vmem>> -> memref<80x128xf32, #tpu.memory_space<vmem>>
      tpu.wait_dma2 semaphore(%run_scoped3A : memref<!tpu.dma_semaphore, #tpu.memory_space<semaphore_mem>>) src(%dma_wait3A_268 : memref<80x128xf32, #tpu.memory_space<vmem>>) dst(%dma_wait3A_265 : memref<80x128xf32, #tpu.memory_space<vmem_shared>>)
      tpu.yield
    }) : () -> ()
    %mul3A_16 = arith.constant 640 : i32
    %mul3A_17 = arith.muli %arg1, %mul3A_16 : i32
    %add3A_18 = arith.constant 80 : i32
    %add3A_19 = arith.addi %mul3A_17, %add3A_18 : i32
    "tpu.region"() ({
      %run_scoped3A = tpu.sem_alloc : memref<!tpu.dma_semaphore, #tpu.memory_space<semaphore_mem>>
      %dma_start3A_249 = arith.constant 0 : i32
      %dma_start3A_250 = arith.constant 0 : i32
      %dma_start3A_251 = tpu.memref_slice %arg9[%dma_start3A_249, %dma_start3A_250] : memref<80x128xf32, #tpu.memory_space<vmem>> -> memref<80x128xf32, #tpu.memory_space<vmem>>
      %dma_start3A_252 = arith.constant 0 : i32
      %dma_start3A_253 = tpu.memref_slice %arg6[%add3A_19, %dma_start3A_252] : memref<10240x128xf32, #tpu.memory_space<vmem_shared>> -> memref<80x128xf32, #tpu.memory_space<vmem_shared>>
      %dma_start3A_254 = arith.constant 0 : i32
      %dma_start3A_255 = tpu.memref_slice %arg6[%add3A_19, %dma_start3A_254] : memref<10240x128xf32, #tpu.memory_space<vmem_shared>> -> memref<80x128xf32, #tpu.memory_space<vmem_shared>>
      %dma_start3A_256 = arith.constant 0 : i32
      %dma_start3A_257 = arith.constant 0 : i32
      %dma_start3A_258 = tpu.memref_slice %arg9[%dma_start3A_256, %dma_start3A_257] : memref<80x128xf32, #tpu.memory_space<vmem>> -> memref<80x128xf32, #tpu.memory_space<vmem>>
      tpu.enqueue_dma source(%dma_start3A_258 : memref<80x128xf32, #tpu.memory_space<vmem>>) target(%dma_start3A_255 : memref<80x128xf32, #tpu.memory_space<vmem_shared>>) target_semaphore(%run_scoped3A : memref<!tpu.dma_semaphore, #tpu.memory_space<semaphore_mem>>)
      %dma_wait3A_259 = arith.constant 0 : i32
      %dma_wait3A_260 = arith.constant 0 : i32
      %dma_wait3A_261 = tpu.memref_slice %arg9[%dma_wait3A_259, %dma_wait3A_260] : memref<80x128xf32, #tpu.memory_space<vmem>> -> memref<80x128xf32, #tpu.memory_space<vmem>>
      %dma_wait3A_262 = arith.constant 0 : i32
      %dma_wait3A_263 = tpu.memref_slice %arg6[%add3A_19, %dma_wait3A_262] : memref<10240x128xf32, #tpu.memory_space<vmem_shared>> -> memref<80x128xf32, #tpu.memory_space<vmem_shared>>
      %dma_wait3A_264 = arith.constant 0 : i32
      %dma_wait3A_265 = tpu.memref_slice %arg6[%add3A_19, %dma_wait3A_264] : memref<10240x128xf32, #tpu.memory_space<vmem_shared>> -> memref<80x128xf32, #tpu.memory_space<vmem_shared>>
      %dma_wait3A_266 = arith.constant 0 : i32
      %dma_wait3A_267 = arith.constant 0 : i32
      %dma_wait3A_268 = tpu.memref_slice %arg9[%dma_wait3A_266, %dma_wait3A_267] : memref<80x128xf32, #tpu.memory_space<vmem>> -> memref<80x128xf32, #tpu.memory_space<vmem>>
      tpu.wait_dma2 semaphore(%run_scoped3A : memref<!tpu.dma_semaphore, #tpu.memory_space<semaphore_mem>>) src(%dma_wait3A_268 : memref<80x128xf32, #tpu.memory_space<vmem>>) dst(%dma_wait3A_265 : memref<80x128xf32, #tpu.memory_space<vmem_shared>>)
      tpu.yield
    }) : () -> ()
    %mul3A_20 = arith.constant 640 : i32
    %mul3A_21 = arith.muli %arg1, %mul3A_20 : i32
    %add3A_22 = arith.constant 160 : i32
    %add3A_23 = arith.addi %mul3A_21, %add3A_22 : i32
    "tpu.region"() ({
      %run_scoped3A = tpu.sem_alloc : memref<!tpu.dma_semaphore, #tpu.memory_space<semaphore_mem>>
      %dma_start3A_249 = arith.constant 0 : i32
      %dma_start3A_250 = arith.constant 0 : i32
      %dma_start3A_251 = tpu.memref_slice %arg9[%dma_start3A_249, %dma_start3A_250] : memref<80x128xf32, #tpu.memory_space<vmem>> -> memref<80x128xf32, #tpu.memory_space<vmem>>
      %dma_start3A_252 = arith.constant 0 : i32
      %dma_start3A_253 = tpu.memref_slice %arg6[%add3A_23, %dma_start3A_252] : memref<10240x128xf32, #tpu.memory_space<vmem_shared>> -> memref<80x128xf32, #tpu.memory_space<vmem_shared>>
      %dma_start3A_254 = arith.constant 0 : i32
      %dma_start3A_255 = tpu.memref_slice %arg6[%add3A_23, %dma_start3A_254] : memref<10240x128xf32, #tpu.memory_space<vmem_shared>> -> memref<80x128xf32, #tpu.memory_space<vmem_shared>>
      %dma_start3A_256 = arith.constant 0 : i32
      %dma_start3A_257 = arith.constant 0 : i32
      %dma_start3A_258 = tpu.memref_slice %arg9[%dma_start3A_256, %dma_start3A_257] : memref<80x128xf32, #tpu.memory_space<vmem>> -> memref<80x128xf32, #tpu.memory_space<vmem>>
      tpu.enqueue_dma source(%dma_start3A_258 : memref<80x128xf32, #tpu.memory_space<vmem>>) target(%dma_start3A_255 : memref<80x128xf32, #tpu.memory_space<vmem_shared>>) target_semaphore(%run_scoped3A : memref<!tpu.dma_semaphore, #tpu.memory_space<semaphore_mem>>)
      %dma_wait3A_259 = arith.constant 0 : i32
      %dma_wait3A_260 = arith.constant 0 : i32
      %dma_wait3A_261 = tpu.memref_slice %arg9[%dma_wait3A_259, %dma_wait3A_260] : memref<80x128xf32, #tpu.memory_space<vmem>> -> memref<80x128xf32, #tpu.memory_space<vmem>>
      %dma_wait3A_262 = arith.constant 0 : i32
      %dma_wait3A_263 = tpu.memref_slice %arg6[%add3A_23, %dma_wait3A_262] : memref<10240x128xf32, #tpu.memory_space<vmem_shared>> -> memref<80x128xf32, #tpu.memory_space<vmem_shared>>
      %dma_wait3A_264 = arith.constant 0 : i32
      %dma_wait3A_265 = tpu.memref_slice %arg6[%add3A_23, %dma_wait3A_264] : memref<10240x128xf32, #tpu.memory_space<vmem_shared>> -> memref<80x128xf32, #tpu.memory_space<vmem_shared>>
      %dma_wait3A_266 = arith.constant 0 : i32
      %dma_wait3A_267 = arith.constant 0 : i32
      %dma_wait3A_268 = tpu.memref_slice %arg9[%dma_wait3A_266, %dma_wait3A_267] : memref<80x128xf32, #tpu.memory_space<vmem>> -> memref<80x128xf32, #tpu.memory_space<vmem>>
      tpu.wait_dma2 semaphore(%run_scoped3A : memref<!tpu.dma_semaphore, #tpu.memory_space<semaphore_mem>>) src(%dma_wait3A_268 : memref<80x128xf32, #tpu.memory_space<vmem>>) dst(%dma_wait3A_265 : memref<80x128xf32, #tpu.memory_space<vmem_shared>>)
      tpu.yield
    }) : () -> ()
    %mul3A_24 = arith.constant 640 : i32
    %mul3A_25 = arith.muli %arg1, %mul3A_24 : i32
    %add3A_26 = arith.constant 240 : i32
    %add3A_27 = arith.addi %mul3A_25, %add3A_26 : i32
    "tpu.region"() ({
      %run_scoped3A = tpu.sem_alloc : memref<!tpu.dma_semaphore, #tpu.memory_space<semaphore_mem>>
      %dma_start3A_249 = arith.constant 0 : i32
      %dma_start3A_250 = arith.constant 0 : i32
      %dma_start3A_251 = tpu.memref_slice %arg9[%dma_start3A_249, %dma_start3A_250] : memref<80x128xf32, #tpu.memory_space<vmem>> -> memref<80x128xf32, #tpu.memory_space<vmem>>
      %dma_start3A_252 = arith.constant 0 : i32
      %dma_start3A_253 = tpu.memref_slice %arg6[%add3A_27, %dma_start3A_252] : memref<10240x128xf32, #tpu.memory_space<vmem_shared>> -> memref<80x128xf32, #tpu.memory_space<vmem_shared>>
      %dma_start3A_254 = arith.constant 0 : i32
      %dma_start3A_255 = tpu.memref_slice %arg6[%add3A_27, %dma_start3A_254] : memref<10240x128xf32, #tpu.memory_space<vmem_shared>> -> memref<80x128xf32, #tpu.memory_space<vmem_shared>>
      %dma_start3A_256 = arith.constant 0 : i32
      %dma_start3A_257 = arith.constant 0 : i32
      %dma_start3A_258 = tpu.memref_slice %arg9[%dma_start3A_256, %dma_start3A_257] : memref<80x128xf32, #tpu.memory_space<vmem>> -> memref<80x128xf32, #tpu.memory_space<vmem>>
      tpu.enqueue_dma source(%dma_start3A_258 : memref<80x128xf32, #tpu.memory_space<vmem>>) target(%dma_start3A_255 : memref<80x128xf32, #tpu.memory_space<vmem_shared>>) target_semaphore(%run_scoped3A : memref<!tpu.dma_semaphore, #tpu.memory_space<semaphore_mem>>)
      %dma_wait3A_259 = arith.constant 0 : i32
      %dma_wait3A_260 = arith.constant 0 : i32
      %dma_wait3A_261 = tpu.memref_slice %arg9[%dma_wait3A_259, %dma_wait3A_260] : memref<80x128xf32, #tpu.memory_space<vmem>> -> memref<80x128xf32, #tpu.memory_space<vmem>>
      %dma_wait3A_262 = arith.constant 0 : i32
      %dma_wait3A_263 = tpu.memref_slice %arg6[%add3A_27, %dma_wait3A_262] : memref<10240x128xf32, #tpu.memory_space<vmem_shared>> -> memref<80x128xf32, #tpu.memory_space<vmem_shared>>
      %dma_wait3A_264 = arith.constant 0 : i32
      %dma_wait3A_265 = tpu.memref_slice %arg6[%add3A_27, %dma_wait3A_264] : memref<10240x128xf32, #tpu.memory_space<vmem_shared>> -> memref<80x128xf32, #tpu.memory_space<vmem_shared>>
      %dma_wait3A_266 = arith.constant 0 : i32
      %dma_wait3A_267 = arith.constant 0 : i32
      %dma_wait3A_268 = tpu.memref_slice %arg9[%dma_wait3A_266, %dma_wait3A_267] : memref<80x128xf32, #tpu.memory_space<vmem>> -> memref<80x128xf32, #tpu.memory_space<vmem>>
      tpu.wait_dma2 semaphore(%run_scoped3A : memref<!tpu.dma_semaphore, #tpu.memory_space<semaphore_mem>>) src(%dma_wait3A_268 : memref<80x128xf32, #tpu.memory_space<vmem>>) dst(%dma_wait3A_265 : memref<80x128xf32, #tpu.memory_space<vmem_shared>>)
      tpu.yield
    }) : () -> ()
    %mul3A_28 = arith.constant 640 : i32
    %mul3A_29 = arith.muli %arg1, %mul3A_28 : i32
    %add3A_30 = arith.constant 320 : i32
    %add3A_31 = arith.addi %mul3A_29, %add3A_30 : i32
    "tpu.region"() ({
      %run_scoped3A = tpu.sem_alloc : memref<!tpu.dma_semaphore, #tpu.memory_space<semaphore_mem>>
      %dma_start3A_249 = arith.constant 0 : i32
      %dma_start3A_250 = arith.constant 0 : i32
      %dma_start3A_251 = tpu.memref_slice %arg9[%dma_start3A_249, %dma_start3A_250] : memref<80x128xf32, #tpu.memory_space<vmem>> -> memref<80x128xf32, #tpu.memory_space<vmem>>
      %dma_start3A_252 = arith.constant 0 : i32
      %dma_start3A_253 = tpu.memref_slice %arg6[%add3A_31, %dma_start3A_252] : memref<10240x128xf32, #tpu.memory_space<vmem_shared>> -> memref<80x128xf32, #tpu.memory_space<vmem_shared>>
      %dma_start3A_254 = arith.constant 0 : i32
      %dma_start3A_255 = tpu.memref_slice %arg6[%add3A_31, %dma_start3A_254] : memref<10240x128xf32, #tpu.memory_space<vmem_shared>> -> memref<80x128xf32, #tpu.memory_space<vmem_shared>>
      %dma_start3A_256 = arith.constant 0 : i32
      %dma_start3A_257 = arith.constant 0 : i32
      %dma_start3A_258 = tpu.memref_slice %arg9[%dma_start3A_256, %dma_start3A_257] : memref<80x128xf32, #tpu.memory_space<vmem>> -> memref<80x128xf32, #tpu.memory_space<vmem>>
      tpu.enqueue_dma source(%dma_start3A_258 : memref<80x128xf32, #tpu.memory_space<vmem>>) target(%dma_start3A_255 : memref<80x128xf32, #tpu.memory_space<vmem_shared>>) target_semaphore(%run_scoped3A : memref<!tpu.dma_semaphore, #tpu.memory_space<semaphore_mem>>)
      %dma_wait3A_259 = arith.constant 0 : i32
      %dma_wait3A_260 = arith.constant 0 : i32
      %dma_wait3A_261 = tpu.memref_slice %arg9[%dma_wait3A_259, %dma_wait3A_260] : memref<80x128xf32, #tpu.memory_space<vmem>> -> memref<80x128xf32, #tpu.memory_space<vmem>>
      %dma_wait3A_262 = arith.constant 0 : i32
      %dma_wait3A_263 = tpu.memref_slice %arg6[%add3A_31, %dma_wait3A_262] : memref<10240x128xf32, #tpu.memory_space<vmem_shared>> -> memref<80x128xf32, #tpu.memory_space<vmem_shared>>
      %dma_wait3A_264 = arith.constant 0 : i32
      %dma_wait3A_265 = tpu.memref_slice %arg6[%add3A_31, %dma_wait3A_264] : memref<10240x128xf32, #tpu.memory_space<vmem_shared>> -> memref<80x128xf32, #tpu.memory_space<vmem_shared>>
      %dma_wait3A_266 = arith.constant 0 : i32
      %dma_wait3A_267 = arith.constant 0 : i32
      %dma_wait3A_268 = tpu.memref_slice %arg9[%dma_wait3A_266, %dma_wait3A_267] : memref<80x128xf32, #tpu.memory_space<vmem>> -> memref<80x128xf32, #tpu.memory_space<vmem>>
      tpu.wait_dma2 semaphore(%run_scoped3A : memref<!tpu.dma_semaphore, #tpu.memory_space<semaphore_mem>>) src(%dma_wait3A_268 : memref<80x128xf32, #tpu.memory_space<vmem>>) dst(%dma_wait3A_265 : memref<80x128xf32, #tpu.memory_space<vmem_shared>>)
      tpu.yield
    }) : () -> ()
    %mul3A_32 = arith.constant 640 : i32
    %mul3A_33 = arith.muli %arg1, %mul3A_32 : i32
    %add3A_34 = arith.constant 400 : i32
    %add3A_35 = arith.addi %mul3A_33, %add3A_34 : i32
    "tpu.region"() ({
      %run_scoped3A = tpu.sem_alloc : memref<!tpu.dma_semaphore, #tpu.memory_space<semaphore_mem>>
      %dma_start3A_249 = arith.constant 0 : i32
      %dma_start3A_250 = arith.constant 0 : i32
      %dma_start3A_251 = tpu.memref_slice %arg9[%dma_start3A_249, %dma_start3A_250] : memref<80x128xf32, #tpu.memory_space<vmem>> -> memref<80x128xf32, #tpu.memory_space<vmem>>
      %dma_start3A_252 = arith.constant 0 : i32
      %dma_start3A_253 = tpu.memref_slice %arg6[%add3A_35, %dma_start3A_252] : memref<10240x128xf32, #tpu.memory_space<vmem_shared>> -> memref<80x128xf32, #tpu.memory_space<vmem_shared>>
      %dma_start3A_254 = arith.constant 0 : i32
      %dma_start3A_255 = tpu.memref_slice %arg6[%add3A_35, %dma_start3A_254] : memref<10240x128xf32, #tpu.memory_space<vmem_shared>> -> memref<80x128xf32, #tpu.memory_space<vmem_shared>>
      %dma_start3A_256 = arith.constant 0 : i32
      %dma_start3A_257 = arith.constant 0 : i32
      %dma_start3A_258 = tpu.memref_slice %arg9[%dma_start3A_256, %dma_start3A_257] : memref<80x128xf32, #tpu.memory_space<vmem>> -> memref<80x128xf32, #tpu.memory_space<vmem>>
      tpu.enqueue_dma source(%dma_start3A_258 : memref<80x128xf32, #tpu.memory_space<vmem>>) target(%dma_start3A_255 : memref<80x128xf32, #tpu.memory_space<vmem_shared>>) target_semaphore(%run_scoped3A : memref<!tpu.dma_semaphore, #tpu.memory_space<semaphore_mem>>)
      %dma_wait3A_259 = arith.constant 0 : i32
      %dma_wait3A_260 = arith.constant 0 : i32
      %dma_wait3A_261 = tpu.memref_slice %arg9[%dma_wait3A_259, %dma_wait3A_260] : memref<80x128xf32, #tpu.memory_space<vmem>> -> memref<80x128xf32, #tpu.memory_space<vmem>>
      %dma_wait3A_262 = arith.constant 0 : i32
      %dma_wait3A_263 = tpu.memref_slice %arg6[%add3A_35, %dma_wait3A_262] : memref<10240x128xf32, #tpu.memory_space<vmem_shared>> -> memref<80x128xf32, #tpu.memory_space<vmem_shared>>
      %dma_wait3A_264 = arith.constant 0 : i32
      %dma_wait3A_265 = tpu.memref_slice %arg6[%add3A_35, %dma_wait3A_264] : memref<10240x128xf32, #tpu.memory_space<vmem_shared>> -> memref<80x128xf32, #tpu.memory_space<vmem_shared>>
      %dma_wait3A_266 = arith.constant 0 : i32
      %dma_wait3A_267 = arith.constant 0 : i32
      %dma_wait3A_268 = tpu.memref_slice %arg9[%dma_wait3A_266, %dma_wait3A_267] : memref<80x128xf32, #tpu.memory_space<vmem>> -> memref<80x128xf32, #tpu.memory_space<vmem>>
      tpu.wait_dma2 semaphore(%run_scoped3A : memref<!tpu.dma_semaphore, #tpu.memory_space<semaphore_mem>>) src(%dma_wait3A_268 : memref<80x128xf32, #tpu.memory_space<vmem>>) dst(%dma_wait3A_265 : memref<80x128xf32, #tpu.memory_space<vmem_shared>>)
      tpu.yield
    }) : () -> ()
    %mul3A_36 = arith.constant 640 : i32
    %mul3A_37 = arith.muli %arg1, %mul3A_36 : i32
    %add3A_38 = arith.constant 480 : i32
    %add3A_39 = arith.addi %mul3A_37, %add3A_38 : i32
    "tpu.region"() ({
      %run_scoped3A = tpu.sem_alloc : memref<!tpu.dma_semaphore, #tpu.memory_space<semaphore_mem>>
      %dma_start3A_249 = arith.constant 0 : i32
      %dma_start3A_250 = arith.constant 0 : i32
      %dma_start3A_251 = tpu.memref_slice %arg9[%dma_start3A_249, %dma_start3A_250] : memref<80x128xf32, #tpu.memory_space<vmem>> -> memref<80x128xf32, #tpu.memory_space<vmem>>
      %dma_start3A_252 = arith.constant 0 : i32
      %dma_start3A_253 = tpu.memref_slice %arg6[%add3A_39, %dma_start3A_252] : memref<10240x128xf32, #tpu.memory_space<vmem_shared>> -> memref<80x128xf32, #tpu.memory_space<vmem_shared>>
      %dma_start3A_254 = arith.constant 0 : i32
      %dma_start3A_255 = tpu.memref_slice %arg6[%add3A_39, %dma_start3A_254] : memref<10240x128xf32, #tpu.memory_space<vmem_shared>> -> memref<80x128xf32, #tpu.memory_space<vmem_shared>>
      %dma_start3A_256 = arith.constant 0 : i32
      %dma_start3A_257 = arith.constant 0 : i32
      %dma_start3A_258 = tpu.memref_slice %arg9[%dma_start3A_256, %dma_start3A_257] : memref<80x128xf32, #tpu.memory_space<vmem>> -> memref<80x128xf32, #tpu.memory_space<vmem>>
      tpu.enqueue_dma source(%dma_start3A_258 : memref<80x128xf32, #tpu.memory_space<vmem>>) target(%dma_start3A_255 : memref<80x128xf32, #tpu.memory_space<vmem_shared>>) target_semaphore(%run_scoped3A : memref<!tpu.dma_semaphore, #tpu.memory_space<semaphore_mem>>)
      %dma_wait3A_259 = arith.constant 0 : i32
      %dma_wait3A_260 = arith.constant 0 : i32
      %dma_wait3A_261 = tpu.memref_slice %arg9[%dma_wait3A_259, %dma_wait3A_260] : memref<80x128xf32, #tpu.memory_space<vmem>> -> memref<80x128xf32, #tpu.memory_space<vmem>>
      %dma_wait3A_262 = arith.constant 0 : i32
      %dma_wait3A_263 = tpu.memref_slice %arg6[%add3A_39, %dma_wait3A_262] : memref<10240x128xf32, #tpu.memory_space<vmem_shared>> -> memref<80x128xf32, #tpu.memory_space<vmem_shared>>
      %dma_wait3A_264 = arith.constant 0 : i32
      %dma_wait3A_265 = tpu.memref_slice %arg6[%add3A_39, %dma_wait3A_264] : memref<10240x128xf32, #tpu.memory_space<vmem_shared>> -> memref<80x128xf32, #tpu.memory_space<vmem_shared>>
      %dma_wait3A_266 = arith.constant 0 : i32
      %dma_wait3A_267 = arith.constant 0 : i32
      %dma_wait3A_268 = tpu.memref_slice %arg9[%dma_wait3A_266, %dma_wait3A_267] : memref<80x128xf32, #tpu.memory_space<vmem>> -> memref<80x128xf32, #tpu.memory_space<vmem>>
      tpu.wait_dma2 semaphore(%run_scoped3A : memref<!tpu.dma_semaphore, #tpu.memory_space<semaphore_mem>>) src(%dma_wait3A_268 : memref<80x128xf32, #tpu.memory_space<vmem>>) dst(%dma_wait3A_265 : memref<80x128xf32, #tpu.memory_space<vmem_shared>>)
      tpu.yield
    }) : () -> ()
    %mul3A_40 = arith.constant 640 : i32
    %mul3A_41 = arith.muli %arg1, %mul3A_40 : i32
    %add3A_42 = arith.constant 560 : i32
    %add3A_43 = arith.addi %mul3A_41, %add3A_42 : i32
    "tpu.region"() ({
      %run_scoped3A = tpu.sem_alloc : memref<!tpu.dma_semaphore, #tpu.memory_space<semaphore_mem>>
      %dma_start3A_249 = arith.constant 0 : i32
      %dma_start3A_250 = arith.constant 0 : i32
      %dma_start3A_251 = tpu.memref_slice %arg9[%dma_start3A_249, %dma_start3A_250] : memref<80x128xf32, #tpu.memory_space<vmem>> -> memref<80x128xf32, #tpu.memory_space<vmem>>
      %dma_start3A_252 = arith.constant 0 : i32
      %dma_start3A_253 = tpu.memref_slice %arg6[%add3A_43, %dma_start3A_252] : memref<10240x128xf32, #tpu.memory_space<vmem_shared>> -> memref<80x128xf32, #tpu.memory_space<vmem_shared>>
      %dma_start3A_254 = arith.constant 0 : i32
      %dma_start3A_255 = tpu.memref_slice %arg6[%add3A_43, %dma_start3A_254] : memref<10240x128xf32, #tpu.memory_space<vmem_shared>> -> memref<80x128xf32, #tpu.memory_space<vmem_shared>>
      %dma_start3A_256 = arith.constant 0 : i32
      %dma_start3A_257 = arith.constant 0 : i32
      %dma_start3A_258 = tpu.memref_slice %arg9[%dma_start3A_256, %dma_start3A_257] : memref<80x128xf32, #tpu.memory_space<vmem>> -> memref<80x128xf32, #tpu.memory_space<vmem>>
      tpu.enqueue_dma source(%dma_start3A_258 : memref<80x128xf32, #tpu.memory_space<vmem>>) target(%dma_start3A_255 : memref<80x128xf32, #tpu.memory_space<vmem_shared>>) target_semaphore(%run_scoped3A : memref<!tpu.dma_semaphore, #tpu.memory_space<semaphore_mem>>)
      %dma_wait3A_259 = arith.constant 0 : i32
      %dma_wait3A_260 = arith.constant 0 : i32
      %dma_wait3A_261 = tpu.memref_slice %arg9[%dma_wait3A_259, %dma_wait3A_260] : memref<80x128xf32, #tpu.memory_space<vmem>> -> memref<80x128xf32, #tpu.memory_space<vmem>>
      %dma_wait3A_262 = arith.constant 0 : i32
      %dma_wait3A_263 = tpu.memref_slice %arg6[%add3A_43, %dma_wait3A_262] : memref<10240x128xf32, #tpu.memory_space<vmem_shared>> -> memref<80x128xf32, #tpu.memory_space<vmem_shared>>
      %dma_wait3A_264 = arith.constant 0 : i32
      %dma_wait3A_265 = tpu.memref_slice %arg6[%add3A_43, %dma_wait3A_264] : memref<10240x128xf32, #tpu.memory_space<vmem_shared>> -> memref<80x128xf32, #tpu.memory_space<vmem_shared>>
      %dma_wait3A_266 = arith.constant 0 : i32
      %dma_wait3A_267 = arith.constant 0 : i32
      %dma_wait3A_268 = tpu.memref_slice %arg9[%dma_wait3A_266, %dma_wait3A_267] : memref<80x128xf32, #tpu.memory_space<vmem>> -> memref<80x128xf32, #tpu.memory_space<vmem>>
      tpu.wait_dma2 semaphore(%run_scoped3A : memref<!tpu.dma_semaphore, #tpu.memory_space<semaphore_mem>>) src(%dma_wait3A_268 : memref<80x128xf32, #tpu.memory_space<vmem>>) dst(%dma_wait3A_265 : memref<80x128xf32, #tpu.memory_space<vmem_shared>>)
      tpu.yield
    }) : () -> ()
    %get3A = arith.constant 0 : index
    %get3A_44 = tpu.vector_load %arg8[%get3A] {strides = array<i32>} : memref<10000xi32, #tpu.memory_space<vmem>>, vector<16xi32>,
    %get3A_45 = vector.shape_cast %get3A_44 : vector<16xi32> to vector<16xi32>
    %and3A = arith.constant 65535 : i32
    %and3A_46 = vector.broadcast %and3A : i32 to vector<16xi32>
    %and3A_47 = arith.andi %get3A_45, %and3A_46 : vector<16xi32>
    %swap3A = arith.constant 0 : index
    %swap3A_48 = tpu.vector_load %arg12[%swap3A] {strides = array<i32>} : memref<80xi32, #tpu.memory_space<vmem>>, vector<16xi32>,
    %swap3A_49 = vector.shape_cast %swap3A_48 : vector<16xi32> to vector<16xi32>
    %swap3A_50 = vector.shape_cast %and3A_47 : vector<16xi32> to vector<16xi32>
    tpu.vector_store %arg12[%swap3A], %swap3A_50 {strides = array<i32>} : memref<80xi32, #tpu.memory_space<vmem>>, vector<16xi32>,
    %shift_right_arithmetic3A = arith.constant 16 : i32
    %shift_right_arithmetic3A_51 = vector.broadcast %shift_right_arithmetic3A : i32 to vector<16xi32>
    %shift_right_arithmetic3A_52 = arith.shrsi %get3A_45, %shift_right_arithmetic3A_51 : vector<16xi32>
    %swap3A_53 = arith.constant 0 : index
    %swap3A_54 = tpu.vector_load %arg13[%swap3A_53] {strides = array<i32>} : memref<80xi32, #tpu.memory_space<vmem>>, vector<16xi32>,
    %swap3A_55 = vector.shape_cast %swap3A_54 : vector<16xi32> to vector<16xi32>
    %swap3A_56 = vector.shape_cast %shift_right_arithmetic3A_52 : vector<16xi32> to vector<16xi32>
    tpu.vector_store %arg13[%swap3A_53], %swap3A_56 {strides = array<i32>} : memref<80xi32, #tpu.memory_space<vmem>>, vector<16xi32>,
    %get3A_57 = arith.constant 16 : index
    %get3A_58 = tpu.vector_load %arg8[%get3A_57] {strides = array<i32>} : memref<10000xi32, #tpu.memory_space<vmem>>, vector<16xi32>,
    %get3A_59 = vector.shape_cast %get3A_58 : vector<16xi32> to vector<16xi32>
    %and3A_60 = arith.constant 65535 : i32
    %and3A_61 = vector.broadcast %and3A_60 : i32 to vector<16xi32>
    %and3A_62 = arith.andi %get3A_59, %and3A_61 : vector<16xi32>
    %swap3A_63 = arith.constant 16 : index
    %swap3A_64 = tpu.vector_load %arg12[%swap3A_63] {strides = array<i32>} : memref<80xi32, #tpu.memory_space<vmem>>, vector<16xi32>,
    %swap3A_65 = vector.shape_cast %swap3A_64 : vector<16xi32> to vector<16xi32>
    %swap3A_66 = vector.shape_cast %and3A_62 : vector<16xi32> to vector<16xi32>
    tpu.vector_store %arg12[%swap3A_63], %swap3A_66 {strides = array<i32>} : memref<80xi32, #tpu.memory_space<vmem>>, vector<16xi32>,
    %shift_right_arithmetic3A_67 = arith.constant 16 : i32
    %shift_right_arithmetic3A_68 = vector.broadcast %shift_right_arithmetic3A_67 : i32 to vector<16xi32>
    %shift_right_arithmetic3A_69 = arith.shrsi %get3A_59, %shift_right_arithmetic3A_68 : vector<16xi32>
    %swap3A_70 = arith.constant 16 : index
    %swap3A_71 = tpu.vector_load %arg13[%swap3A_70] {strides = array<i32>} : memref<80xi32, #tpu.memory_space<vmem>>, vector<16xi32>,
    %swap3A_72 = vector.shape_cast %swap3A_71 : vector<16xi32> to vector<16xi32>
    %swap3A_73 = vector.shape_cast %shift_right_arithmetic3A_69 : vector<16xi32> to vector<16xi32>
    tpu.vector_store %arg13[%swap3A_70], %swap3A_73 {strides = array<i32>} : memref<80xi32, #tpu.memory_space<vmem>>, vector<16xi32>,
    %get3A_74 = arith.constant 32 : index
    %get3A_75 = tpu.vector_load %arg8[%get3A_74] {strides = array<i32>} : memref<10000xi32, #tpu.memory_space<vmem>>, vector<16xi32>,
    %get3A_76 = vector.shape_cast %get3A_75 : vector<16xi32> to vector<16xi32>
    %and3A_77 = arith.constant 65535 : i32
    %and3A_78 = vector.broadcast %and3A_77 : i32 to vector<16xi32>
    %and3A_79 = arith.andi %get3A_76, %and3A_78 : vector<16xi32>
    %swap3A_80 = arith.constant 32 : index
    %swap3A_81 = tpu.vector_load %arg12[%swap3A_80] {strides = array<i32>} : memref<80xi32, #tpu.memory_space<vmem>>, vector<16xi32>,
    %swap3A_82 = vector.shape_cast %swap3A_81 : vector<16xi32> to vector<16xi32>
    %swap3A_83 = vector.shape_cast %and3A_79 : vector<16xi32> to vector<16xi32>
    tpu.vector_store %arg12[%swap3A_80], %swap3A_83 {strides = array<i32>} : memref<80xi32, #tpu.memory_space<vmem>>, vector<16xi32>,
    %shift_right_arithmetic3A_84 = arith.constant 16 : i32
    %shift_right_arithmetic3A_85 = vector.broadcast %shift_right_arithmetic3A_84 : i32 to vector<16xi32>
    %shift_right_arithmetic3A_86 = arith.shrsi %get3A_76, %shift_right_arithmetic3A_85 : vector<16xi32>
    %swap3A_87 = arith.constant 32 : index
    %swap3A_88 = tpu.vector_load %arg13[%swap3A_87] {strides = array<i32>} : memref<80xi32, #tpu.memory_space<vmem>>, vector<16xi32>,
    %swap3A_89 = vector.shape_cast %swap3A_88 : vector<16xi32> to vector<16xi32>
    %swap3A_90 = vector.shape_cast %shift_right_arithmetic3A_86 : vector<16xi32> to vector<16xi32>
    tpu.vector_store %arg13[%swap3A_87], %swap3A_90 {strides = array<i32>} : memref<80xi32, #tpu.memory_space<vmem>>, vector<16xi32>,
    %get3A_91 = arith.constant 48 : index
    %get3A_92 = tpu.vector_load %arg8[%get3A_91] {strides = array<i32>} : memref<10000xi32, #tpu.memory_space<vmem>>, vector<16xi32>,
    %get3A_93 = vector.shape_cast %get3A_92 : vector<16xi32> to vector<16xi32>
    %and3A_94 = arith.constant 65535 : i32
    %and3A_95 = vector.broadcast %and3A_94 : i32 to vector<16xi32>
    %and3A_96 = arith.andi %get3A_93, %and3A_95 : vector<16xi32>
    %swap3A_97 = arith.constant 48 : index
    %swap3A_98 = tpu.vector_load %arg12[%swap3A_97] {strides = array<i32>} : memref<80xi32, #tpu.memory_space<vmem>>, vector<16xi32>,
    %swap3A_99 = vector.shape_cast %swap3A_98 : vector<16xi32> to vector<16xi32>
    %swap3A_100 = vector.shape_cast %and3A_96 : vector<16xi32> to vector<16xi32>
    tpu.vector_store %arg12[%swap3A_97], %swap3A_100 {strides = array<i32>} : memref<80xi32, #tpu.memory_space<vmem>>, vector<16xi32>,
    %shift_right_arithmetic3A_101 = arith.constant 16 : i32
    %shift_right_arithmetic3A_102 = vector.broadcast %shift_right_arithmetic3A_101 : i32 to vector<16xi32>
    %shift_right_arithmetic3A_103 = arith.shrsi %get3A_93, %shift_right_arithmetic3A_102 : vector<16xi32>
    %swap3A_104 = arith.constant 48 : index
    %swap3A_105 = tpu.vector_load %arg13[%swap3A_104] {strides = array<i32>} : memref<80xi32, #tpu.memory_space<vmem>>, vector<16xi32>,
    %swap3A_106 = vector.shape_cast %swap3A_105 : vector<16xi32> to vector<16xi32>
    %swap3A_107 = vector.shape_cast %shift_right_arithmetic3A_103 : vector<16xi32> to vector<16xi32>
    tpu.vector_store %arg13[%swap3A_104], %swap3A_107 {strides = array<i32>} : memref<80xi32, #tpu.memory_space<vmem>>, vector<16xi32>,
    %get3A_108 = arith.constant 64 : index
    %get3A_109 = tpu.vector_load %arg8[%get3A_108] {strides = array<i32>} : memref<10000xi32, #tpu.memory_space<vmem>>, vector<16xi32>,
    %get3A_110 = vector.shape_cast %get3A_109 : vector<16xi32> to vector<16xi32>
    %and3A_111 = arith.constant 65535 : i32
    %and3A_112 = vector.broadcast %and3A_111 : i32 to vector<16xi32>
    %and3A_113 = arith.andi %get3A_110, %and3A_112 : vector<16xi32>
    %swap3A_114 = arith.constant 64 : index
    %swap3A_115 = tpu.vector_load %arg12[%swap3A_114] {strides = array<i32>} : memref<80xi32, #tpu.memory_space<vmem>>, vector<16xi32>,
    %swap3A_116 = vector.shape_cast %swap3A_115 : vector<16xi32> to vector<16xi32>
    %swap3A_117 = vector.shape_cast %and3A_113 : vector<16xi32> to vector<16xi32>
    tpu.vector_store %arg12[%swap3A_114], %swap3A_117 {strides = array<i32>} : memref<80xi32, #tpu.memory_space<vmem>>, vector<16xi32>,
    %shift_right_arithmetic3A_118 = arith.constant 16 : i32
    %shift_right_arithmetic3A_119 = vector.broadcast %shift_right_arithmetic3A_118 : i32 to vector<16xi32>
    %shift_right_arithmetic3A_120 = arith.shrsi %get3A_110, %shift_right_arithmetic3A_119 : vector<16xi32>
    %swap3A_121 = arith.constant 64 : index
    %swap3A_122 = tpu.vector_load %arg13[%swap3A_121] {strides = array<i32>} : memref<80xi32, #tpu.memory_space<vmem>>, vector<16xi32>,
    %swap3A_123 = vector.shape_cast %swap3A_122 : vector<16xi32> to vector<16xi32>
    %swap3A_124 = vector.shape_cast %shift_right_arithmetic3A_120 : vector<16xi32> to vector<16xi32>
    tpu.vector_store %arg13[%swap3A_121], %swap3A_124 {strides = array<i32>} : memref<80xi32, #tpu.memory_space<vmem>>, vector<16xi32>,
    %get3A_125 = arith.constant 80 : index
    %get3A_126 = tpu.vector_load %arg8[%get3A_125] {strides = array<i32>} : memref<10000xi32, #tpu.memory_space<vmem>>, vector<16xi32>,
    %get3A_127 = vector.shape_cast %get3A_126 : vector<16xi32> to vector<16xi32>
    %and3A_128 = arith.constant 65535 : i32
    %and3A_129 = vector.broadcast %and3A_128 : i32 to vector<16xi32>
    %and3A_130 = arith.andi %get3A_127, %and3A_129 : vector<16xi32>
    %swap3A_131 = arith.constant 0 : index
    %swap3A_132 = tpu.vector_load %arg14[%swap3A_131] {strides = array<i32>} : memref<80xi32, #tpu.memory_space<vmem>>, vector<16xi32>,
    %swap3A_133 = vector.shape_cast %swap3A_132 : vector<16xi32> to vector<16xi32>
    %swap3A_134 = vector.shape_cast %and3A_130 : vector<16xi32> to vector<16xi32>
    tpu.vector_store %arg14[%swap3A_131], %swap3A_134 {strides = array<i32>} : memref<80xi32, #tpu.memory_space<vmem>>, vector<16xi32>,
    %shift_right_arithmetic3A_135 = arith.constant 16 : i32
    %shift_right_arithmetic3A_136 = vector.broadcast %shift_right_arithmetic3A_135 : i32 to vector<16xi32>
    %shift_right_arithmetic3A_137 = arith.shrsi %get3A_127, %shift_right_arithmetic3A_136 : vector<16xi32>
    %swap3A_138 = arith.constant 0 : index
    %swap3A_139 = tpu.vector_load %arg15[%swap3A_138] {strides = array<i32>} : memref<80xi32, #tpu.memory_space<vmem>>, vector<16xi32>,
    %swap3A_140 = vector.shape_cast %swap3A_139 : vector<16xi32> to vector<16xi32>
    %swap3A_141 = vector.shape_cast %shift_right_arithmetic3A_137 : vector<16xi32> to vector<16xi32>
    tpu.vector_store %arg15[%swap3A_138], %swap3A_141 {strides = array<i32>} : memref<80xi32, #tpu.memory_space<vmem>>, vector<16xi32>,
    %get3A_142 = arith.constant 96 : index
    %get3A_143 = tpu.vector_load %arg8[%get3A_142] {strides = array<i32>} : memref<10000xi32, #tpu.memory_space<vmem>>, vector<16xi32>,
    %get3A_144 = vector.shape_cast %get3A_143 : vector<16xi32> to vector<16xi32>
    %and3A_145 = arith.constant 65535 : i32
    %and3A_146 = vector.broadcast %and3A_145 : i32 to vector<16xi32>
    %and3A_147 = arith.andi %get3A_144, %and3A_146 : vector<16xi32>
    %swap3A_148 = arith.constant 16 : index
    %swap3A_149 = tpu.vector_load %arg14[%swap3A_148] {strides = array<i32>} : memref<80xi32, #tpu.memory_space<vmem>>, vector<16xi32>,
    %swap3A_150 = vector.shape_cast %swap3A_149 : vector<16xi32> to vector<16xi32>
    %swap3A_151 = vector.shape_cast %and3A_147 : vector<16xi32> to vector<16xi32>
    tpu.vector_store %arg14[%swap3A_148], %swap3A_151 {strides = array<i32>} : memref<80xi32, #tpu.memory_space<vmem>>, vector<16xi32>,
    %shift_right_arithmetic3A_152 = arith.constant 16 : i32
    %shift_right_arithmetic3A_153 = vector.broadcast %shift_right_arithmetic3A_152 : i32 to vector<16xi32>
    %shift_right_arithmetic3A_154 = arith.shrsi %get3A_144, %shift_right_arithmetic3A_153 : vector<16xi32>
    %swap3A_155 = arith.constant 16 : index
    %swap3A_156 = tpu.vector_load %arg15[%swap3A_155] {strides = array<i32>} : memref<80xi32, #tpu.memory_space<vmem>>, vector<16xi32>,
    %swap3A_157 = vector.shape_cast %swap3A_156 : vector<16xi32> to vector<16xi32>
    %swap3A_158 = vector.shape_cast %shift_right_arithmetic3A_154 : vector<16xi32> to vector<16xi32>
    tpu.vector_store %arg15[%swap3A_155], %swap3A_158 {strides = array<i32>} : memref<80xi32, #tpu.memory_space<vmem>>, vector<16xi32>,
    %get3A_159 = arith.constant 112 : index
    %get3A_160 = tpu.vector_load %arg8[%get3A_159] {strides = array<i32>} : memref<10000xi32, #tpu.memory_space<vmem>>, vector<16xi32>,
    %get3A_161 = vector.shape_cast %get3A_160 : vector<16xi32> to vector<16xi32>
    %and3A_162 = arith.constant 65535 : i32
    %and3A_163 = vector.broadcast %and3A_162 : i32 to vector<16xi32>
    %and3A_164 = arith.andi %get3A_161, %and3A_163 : vector<16xi32>
    %swap3A_165 = arith.constant 32 : index
    %swap3A_166 = tpu.vector_load %arg14[%swap3A_165] {strides = array<i32>} : memref<80xi32, #tpu.memory_space<vmem>>, vector<16xi32>,
    %swap3A_167 = vector.shape_cast %swap3A_166 : vector<16xi32> to vector<16xi32>
    %swap3A_168 = vector.shape_cast %and3A_164 : vector<16xi32> to vector<16xi32>
    tpu.vector_store %arg14[%swap3A_165], %swap3A_168 {strides = array<i32>} : memref<80xi32, #tpu.memory_space<vmem>>, vector<16xi32>,
    %shift_right_arithmetic3A_169 = arith.constant 16 : i32
    %shift_right_arithmetic3A_170 = vector.broadcast %shift_right_arithmetic3A_169 : i32 to vector<16xi32>
    %shift_right_arithmetic3A_171 = arith.shrsi %get3A_161, %shift_right_arithmetic3A_170 : vector<16xi32>
    %swap3A_172 = arith.constant 32 : index
    %swap3A_173 = tpu.vector_load %arg15[%swap3A_172] {strides = array<i32>} : memref<80xi32, #tpu.memory_space<vmem>>, vector<16xi32>,
    %swap3A_174 = vector.shape_cast %swap3A_173 : vector<16xi32> to vector<16xi32>
    %swap3A_175 = vector.shape_cast %shift_right_arithmetic3A_171 : vector<16xi32> to vector<16xi32>
    tpu.vector_store %arg15[%swap3A_172], %swap3A_175 {strides = array<i32>} : memref<80xi32, #tpu.memory_space<vmem>>, vector<16xi32>,
    %get3A_176 = arith.constant 128 : index
    %get3A_177 = tpu.vector_load %arg8[%get3A_176] {strides = array<i32>} : memref<10000xi32, #tpu.memory_space<vmem>>, vector<16xi32>,
    %get3A_178 = vector.shape_cast %get3A_177 : vector<16xi32> to vector<16xi32>
    %and3A_179 = arith.constant 65535 : i32
    %and3A_180 = vector.broadcast %and3A_179 : i32 to vector<16xi32>
    %and3A_181 = arith.andi %get3A_178, %and3A_180 : vector<16xi32>
    %swap3A_182 = arith.constant 48 : index
    %swap3A_183 = tpu.vector_load %arg14[%swap3A_182] {strides = array<i32>} : memref<80xi32, #tpu.memory_space<vmem>>, vector<16xi32>,
    %swap3A_184 = vector.shape_cast %swap3A_183 : vector<16xi32> to vector<16xi32>
    %swap3A_185 = vector.shape_cast %and3A_181 : vector<16xi32> to vector<16xi32>
    tpu.vector_store %arg14[%swap3A_182], %swap3A_185 {strides = array<i32>} : memref<80xi32, #tpu.memory_space<vmem>>, vector<16xi32>,
    %shift_right_arithmetic3A_186 = arith.constant 16 : i32
    %shift_right_arithmetic3A_187 = vector.broadcast %shift_right_arithmetic3A_186 : i32 to vector<16xi32>
    %shift_right_arithmetic3A_188 = arith.shrsi %get3A_178, %shift_right_arithmetic3A_187 : vector<16xi32>
    %swap3A_189 = arith.constant 48 : index
    %swap3A_190 = tpu.vector_load %arg15[%swap3A_189] {strides = array<i32>} : memref<80xi32, #tpu.memory_space<vmem>>, vector<16xi32>,
    %swap3A_191 = vector.shape_cast %swap3A_190 : vector<16xi32> to vector<16xi32>
    %swap3A_192 = vector.shape_cast %shift_right_arithmetic3A_188 : vector<16xi32> to vector<16xi32>
    tpu.vector_store %arg15[%swap3A_189], %swap3A_192 {strides = array<i32>} : memref<80xi32, #tpu.memory_space<vmem>>, vector<16xi32>,
    %get3A_193 = arith.constant 144 : index
    %get3A_194 = tpu.vector_load %arg8[%get3A_193] {strides = array<i32>} : memref<10000xi32, #tpu.memory_space<vmem>>, vector<16xi32>,
    %get3A_195 = vector.shape_cast %get3A_194 : vector<16xi32> to vector<16xi32>
    %and3A_196 = arith.constant 65535 : i32
    %and3A_197 = vector.broadcast %and3A_196 : i32 to vector<16xi32>
    %and3A_198 = arith.andi %get3A_195, %and3A_197 : vector<16xi32>
    %swap3A_199 = arith.constant 64 : index
    %swap3A_200 = tpu.vector_load %arg14[%swap3A_199] {strides = array<i32>} : memref<80xi32, #tpu.memory_space<vmem>>, vector<16xi32>,
    %swap3A_201 = vector.shape_cast %swap3A_200 : vector<16xi32> to vector<16xi32>
    %swap3A_202 = vector.shape_cast %and3A_198 : vector<16xi32> to vector<16xi32>
    tpu.vector_store %arg14[%swap3A_199], %swap3A_202 {strides = array<i32>} : memref<80xi32, #tpu.memory_space<vmem>>, vector<16xi32>,
    %shift_right_arithmetic3A_203 = arith.constant 16 : i32
    %shift_right_arithmetic3A_204 = vector.broadcast %shift_right_arithmetic3A_203 : i32 to vector<16xi32>
    %shift_right_arithmetic3A_205 = arith.shrsi %get3A_195, %shift_right_arithmetic3A_204 : vector<16xi32>
    %swap3A_206 = arith.constant 64 : index
    %swap3A_207 = tpu.vector_load %arg15[%swap3A_206] {strides = array<i32>} : memref<80xi32, #tpu.memory_space<vmem>>, vector<16xi32>,
    %swap3A_208 = vector.shape_cast %swap3A_207 : vector<16xi32> to vector<16xi32>
    %swap3A_209 = vector.shape_cast %shift_right_arithmetic3A_205 : vector<16xi32> to vector<16xi32>
    tpu.vector_store %arg15[%swap3A_206], %swap3A_209 {strides = array<i32>} : memref<80xi32, #tpu.memory_space<vmem>>, vector<16xi32>,
    %dma_start3A = arith.constant 0 : i32
    %dma_start3A_210 = arith.constant 0 : i32
    %dma_start3A_211 = tpu.memref_slice %arg2[%dma_start3A, %dma_start3A_210] : memref<10240x128xf32, #tpu.memory_space<hbm>> -> memref<10240x128xf32, #tpu.memory_space<hbm>>
    tpu.enqueue_indirect_dma source(%dma_start3A_211 : memref<10240x128xf32, #tpu.memory_space<hbm>>) target(%arg9 : memref<80x128xf32, #tpu.memory_space<vmem>>) offsets(%arg12 : memref<80xi32, #tpu.memory_space<vmem>>) semaphore(%arg20 : memref<!tpu.dma_semaphore, #tpu.memory_space<semaphore_mem>>)
    %dma_start3A_212 = arith.constant 0 : i32
    %dma_start3A_213 = arith.constant 0 : i32
    %dma_start3A_214 = tpu.memref_slice %arg2[%dma_start3A_212, %dma_start3A_213] : memref<10240x128xf32, #tpu.memory_space<hbm>> -> memref<10240x128xf32, #tpu.memory_space<hbm>>
    tpu.enqueue_indirect_dma source(%dma_start3A_214 : memref<10240x128xf32, #tpu.memory_space<hbm>>) target(%arg10 : memref<80x128xf32, #tpu.memory_space<vmem>>) offsets(%arg14 : memref<80xi32, #tpu.memory_space<vmem>>) semaphore(%arg21 : memref<!tpu.dma_semaphore, #tpu.memory_space<semaphore_mem>>)
    %barrier3A = arith.constant 0 : index
    tpu.barrier barrier_id(%barrier3A)
    %scan3A_215 = arith.constant 0 : i32
    %scan3A_216 = arith.constant 0 : i32
    %scan3A_217 = arith.constant 41 : i32
    %scan3A_218 = arith.addi %scan3A_216, %scan3A_217 : i32
    %scan3A_219 = arith.constant 1 : i32
    scf.for %scan3A_249 = %scan3A_216 to %scan3A_218 step %scan3A_219  : i32 {
      %mul3A_250 = arith.constant 3 : i32
      %mul3A_251 = arith.muli %mul3A_250, %scan3A_249 : i32
      %dma_wait3A_252 = arith.constant 0 : i32
      %dma_wait3A_253 = arith.constant 0 : i32
      %dma_wait3A_254 = tpu.memref_slice %arg2[%dma_wait3A_252, %dma_wait3A_253] : memref<10240x128xf32, #tpu.memory_space<hbm>> -> memref<10240x128xf32, #tpu.memory_space<hbm>>
      tpu.wait_indirect_dma semaphore(%arg20 : memref<!tpu.dma_semaphore, #tpu.memory_space<semaphore_mem>>) src(%dma_wait3A_254 : memref<10240x128xf32, #tpu.memory_space<hbm>>) dst(%arg9 : memref<80x128xf32, #tpu.memory_space<vmem>>)
      %dma_start3A_255 = arith.constant 0 : i32
      %dma_start3A_256 = arith.constant 0 : i32
      %dma_start3A_257 = tpu.memref_slice %arg6[%dma_start3A_255, %dma_start3A_256] : memref<10240x128xf32, #tpu.memory_space<vmem_shared>> -> memref<10240x128xf32, #tpu.memory_space<vmem_shared>>
      tpu.enqueue_indirect_dma source(%arg9 : memref<80x128xf32, #tpu.memory_space<vmem>>) target(%dma_start3A_257 : memref<10240x128xf32, #tpu.memory_space<vmem_shared>>) offsets(%arg13 : memref<80xi32, #tpu.memory_space<vmem>>) semaphore(%arg23 : memref<!tpu.dma_semaphore, #tpu.memory_space<semaphore_mem>>) {add = true}
      %gt3A = arith.constant 0 : i32
      %gt3A_258 = arith.cmpi sgt, %scan3A_249, %gt3A : i32
      %convert_element_type3A = arith.extui %gt3A_258 : i1 to i32
      %cond3A = arith.constant 0 : i32
      %cond3A_259 = arith.cmpi ne, %convert_element_type3A, %cond3A : i32
      scf.if %cond3A_259 {
        %dma_wait3A_608 = arith.constant 0 : i32
        %dma_wait3A_609 = arith.constant 0 : i32
        %dma_wait3A_610 = tpu.memref_slice %arg6[%dma_wait3A_608, %dma_wait3A_609] : memref<10240x128xf32, #tpu.memory_space<vmem_shared>> -> memref<10240x128xf32, #tpu.memory_space<vmem_shared>>
        tpu.wait_indirect_dma semaphore(%arg25 : memref<!tpu.dma_semaphore, #tpu.memory_space<semaphore_mem>>) src(%arg11 : memref<80x128xf32, #tpu.memory_space<vmem>>) dst(%dma_wait3A_610 : memref<10240x128xf32, #tpu.memory_space<vmem_shared>>)
      } else {
      }
      %add3A_260 = arith.constant 2 : i32
      %add3A_261 = arith.addi %mul3A_251, %add3A_260 : i32
      %mul3A_262 = arith.constant 80 : i32
      %mul3A_263 = arith.muli %add3A_261, %mul3A_262 : i32
      %add3A_264 = arith.constant 0 : i32
      %add3A_265 = arith.addi %mul3A_263, %add3A_264 : i32
      %get3A_266 = arith.index_cast %add3A_265 : i32 to index
      %get3A_267 = tpu.vector_load %arg8[%get3A_266] {strides = array<i32>} : memref<10000xi32, #tpu.memory_space<vmem>>, vector<16xi32>,
      %get3A_268 = vector.shape_cast %get3A_267 : vector<16xi32> to vector<16xi32>
      %and3A_269 = arith.constant 65535 : i32
      %and3A_270 = vector.broadcast %and3A_269 : i32 to vector<16xi32>
      %and3A_271 = arith.andi %get3A_268, %and3A_270 : vector<16xi32>
      %swap3A_272 = arith.constant 0 : index
      %swap3A_273 = tpu.vector_load %arg16[%swap3A_272] {strides = array<i32>} : memref<80xi32, #tpu.memory_space<vmem>>, vector<16xi32>,
      %swap3A_274 = vector.shape_cast %swap3A_273 : vector<16xi32> to vector<16xi32>
      %swap3A_275 = vector.shape_cast %and3A_271 : vector<16xi32> to vector<16xi32>
      tpu.vector_store %arg16[%swap3A_272], %swap3A_275 {strides = array<i32>} : memref<80xi32, #tpu.memory_space<vmem>>, vector<16xi32>,
      %shift_right_arithmetic3A_276 = arith.constant 16 : i32
      %shift_right_arithmetic3A_277 = vector.broadcast %shift_right_arithmetic3A_276 : i32 to vector<16xi32>
      %shift_right_arithmetic3A_278 = arith.shrsi %get3A_268, %shift_right_arithmetic3A_277 : vector<16xi32>
      %swap3A_279 = arith.constant 0 : index
      %swap3A_280 = tpu.vector_load %arg17[%swap3A_279] {strides = array<i32>} : memref<80xi32, #tpu.memory_space<vmem>>, vector<16xi32>,
      %swap3A_281 = vector.shape_cast %swap3A_280 : vector<16xi32> to vector<16xi32>
      %swap3A_282 = vector.shape_cast %shift_right_arithmetic3A_278 : vector<16xi32> to vector<16xi32>
      tpu.vector_store %arg17[%swap3A_279], %swap3A_282 {strides = array<i32>} : memref<80xi32, #tpu.memory_space<vmem>>, vector<16xi32>,
      %mul3A_283 = arith.constant 80 : i32
      %mul3A_284 = arith.muli %add3A_261, %mul3A_283 : i32
      %add3A_285 = arith.constant 16 : i32
      %add3A_286 = arith.addi %mul3A_284, %add3A_285 : i32
      %get3A_287 = arith.index_cast %add3A_286 : i32 to index
      %get3A_288 = tpu.vector_load %arg8[%get3A_287] {strides = array<i32>} : memref<10000xi32, #tpu.memory_space<vmem>>, vector<16xi32>,
      %get3A_289 = vector.shape_cast %get3A_288 : vector<16xi32> to vector<16xi32>
      %and3A_290 = arith.constant 65535 : i32
      %and3A_291 = vector.broadcast %and3A_290 : i32 to vector<16xi32>
      %and3A_292 = arith.andi %get3A_289, %and3A_291 : vector<16xi32>
      %swap3A_293 = arith.constant 16 : index
      %swap3A_294 = tpu.vector_load %arg16[%swap3A_293] {strides = array<i32>} : memref<80xi32, #tpu.memory_space<vmem>>, vector<16xi32>,
      %swap3A_295 = vector.shape_cast %swap3A_294 : vector<16xi32> to vector<16xi32>
      %swap3A_296 = vector.shape_cast %and3A_292 : vector<16xi32> to vector<16xi32>
      tpu.vector_store %arg16[%swap3A_293], %swap3A_296 {strides = array<i32>} : memref<80xi32, #tpu.memory_space<vmem>>, vector<16xi32>,
      %shift_right_arithmetic3A_297 = arith.constant 16 : i32
      %shift_right_arithmetic3A_298 = vector.broadcast %shift_right_arithmetic3A_297 : i32 to vector<16xi32>
      %shift_right_arithmetic3A_299 = arith.shrsi %get3A_289, %shift_right_arithmetic3A_298 : vector<16xi32>
      %swap3A_300 = arith.constant 16 : index
      %swap3A_301 = tpu.vector_load %arg17[%swap3A_300] {strides = array<i32>} : memref<80xi32, #tpu.memory_space<vmem>>, vector<16xi32>,
      %swap3A_302 = vector.shape_cast %swap3A_301 : vector<16xi32> to vector<16xi32>
      %swap3A_303 = vector.shape_cast %shift_right_arithmetic3A_299 : vector<16xi32> to vector<16xi32>
      tpu.vector_store %arg17[%swap3A_300], %swap3A_303 {strides = array<i32>} : memref<80xi32, #tpu.memory_space<vmem>>, vector<16xi32>,
      %mul3A_304 = arith.constant 80 : i32
      %mul3A_305 = arith.muli %add3A_261, %mul3A_304 : i32
      %add3A_306 = arith.constant 32 : i32
      %add3A_307 = arith.addi %mul3A_305, %add3A_306 : i32
      %get3A_308 = arith.index_cast %add3A_307 : i32 to index
      %get3A_309 = tpu.vector_load %arg8[%get3A_308] {strides = array<i32>} : memref<10000xi32, #tpu.memory_space<vmem>>, vector<16xi32>,
      %get3A_310 = vector.shape_cast %get3A_309 : vector<16xi32> to vector<16xi32>
      %and3A_311 = arith.constant 65535 : i32
      %and3A_312 = vector.broadcast %and3A_311 : i32 to vector<16xi32>
      %and3A_313 = arith.andi %get3A_310, %and3A_312 : vector<16xi32>
      %swap3A_314 = arith.constant 32 : index
      %swap3A_315 = tpu.vector_load %arg16[%swap3A_314] {strides = array<i32>} : memref<80xi32, #tpu.memory_space<vmem>>, vector<16xi32>,
      %swap3A_316 = vector.shape_cast %swap3A_315 : vector<16xi32> to vector<16xi32>
      %swap3A_317 = vector.shape_cast %and3A_313 : vector<16xi32> to vector<16xi32>
      tpu.vector_store %arg16[%swap3A_314], %swap3A_317 {strides = array<i32>} : memref<80xi32, #tpu.memory_space<vmem>>, vector<16xi32>,
      %shift_right_arithmetic3A_318 = arith.constant 16 : i32
      %shift_right_arithmetic3A_319 = vector.broadcast %shift_right_arithmetic3A_318 : i32 to vector<16xi32>
      %shift_right_arithmetic3A_320 = arith.shrsi %get3A_310, %shift_right_arithmetic3A_319 : vector<16xi32>
      %swap3A_321 = arith.constant 32 : index
      %swap3A_322 = tpu.vector_load %arg17[%swap3A_321] {strides = array<i32>} : memref<80xi32, #tpu.memory_space<vmem>>, vector<16xi32>,
      %swap3A_323 = vector.shape_cast %swap3A_322 : vector<16xi32> to vector<16xi32>
      %swap3A_324 = vector.shape_cast %shift_right_arithmetic3A_320 : vector<16xi32> to vector<16xi32>
      tpu.vector_store %arg17[%swap3A_321], %swap3A_324 {strides = array<i32>} : memref<80xi32, #tpu.memory_space<vmem>>, vector<16xi32>,
      %mul3A_325 = arith.constant 80 : i32
      %mul3A_326 = arith.muli %add3A_261, %mul3A_325 : i32
      %add3A_327 = arith.constant 48 : i32
      %add3A_328 = arith.addi %mul3A_326, %add3A_327 : i32
      %get3A_329 = arith.index_cast %add3A_328 : i32 to index
      %get3A_330 = tpu.vector_load %arg8[%get3A_329] {strides = array<i32>} : memref<10000xi32, #tpu.memory_space<vmem>>, vector<16xi32>,
      %get3A_331 = vector.shape_cast %get3A_330 : vector<16xi32> to vector<16xi32>
      %and3A_332 = arith.constant 65535 : i32
      %and3A_333 = vector.broadcast %and3A_332 : i32 to vector<16xi32>
      %and3A_334 = arith.andi %get3A_331, %and3A_333 : vector<16xi32>
      %swap3A_335 = arith.constant 48 : index
      %swap3A_336 = tpu.vector_load %arg16[%swap3A_335] {strides = array<i32>} : memref<80xi32, #tpu.memory_space<vmem>>, vector<16xi32>,
      %swap3A_337 = vector.shape_cast %swap3A_336 : vector<16xi32> to vector<16xi32>
      %swap3A_338 = vector.shape_cast %and3A_334 : vector<16xi32> to vector<16xi32>
      tpu.vector_store %arg16[%swap3A_335], %swap3A_338 {strides = array<i32>} : memref<80xi32, #tpu.memory_space<vmem>>, vector<16xi32>,
      %shift_right_arithmetic3A_339 = arith.constant 16 : i32
      %shift_right_arithmetic3A_340 = vector.broadcast %shift_right_arithmetic3A_339 : i32 to vector<16xi32>
      %shift_right_arithmetic3A_341 = arith.shrsi %get3A_331, %shift_right_arithmetic3A_340 : vector<16xi32>
      %swap3A_342 = arith.constant 48 : index
      %swap3A_343 = tpu.vector_load %arg17[%swap3A_342] {strides = array<i32>} : memref<80xi32, #tpu.memory_space<vmem>>, vector<16xi32>,
      %swap3A_344 = vector.shape_cast %swap3A_343 : vector<16xi32> to vector<16xi32>
      %swap3A_345 = vector.shape_cast %shift_right_arithmetic3A_341 : vector<16xi32> to vector<16xi32>
      tpu.vector_store %arg17[%swap3A_342], %swap3A_345 {strides = array<i32>} : memref<80xi32, #tpu.memory_space<vmem>>, vector<16xi32>,
      %mul3A_346 = arith.constant 80 : i32
      %mul3A_347 = arith.muli %add3A_261, %mul3A_346 : i32
      %add3A_348 = arith.constant 64 : i32
      %add3A_349 = arith.addi %mul3A_347, %add3A_348 : i32
      %get3A_350 = arith.index_cast %add3A_349 : i32 to index
      %get3A_351 = tpu.vector_load %arg8[%get3A_350] {strides = array<i32>} : memref<10000xi32, #tpu.memory_space<vmem>>, vector<16xi32>,
      %get3A_352 = vector.shape_cast %get3A_351 : vector<16xi32> to vector<16xi32>
      %and3A_353 = arith.constant 65535 : i32
      %and3A_354 = vector.broadcast %and3A_353 : i32 to vector<16xi32>
      %and3A_355 = arith.andi %get3A_352, %and3A_354 : vector<16xi32>
      %swap3A_356 = arith.constant 64 : index
      %swap3A_357 = tpu.vector_load %arg16[%swap3A_356] {strides = array<i32>} : memref<80xi32, #tpu.memory_space<vmem>>, vector<16xi32>,
      %swap3A_358 = vector.shape_cast %swap3A_357 : vector<16xi32> to vector<16xi32>
      %swap3A_359 = vector.shape_cast %and3A_355 : vector<16xi32> to vector<16xi32>
      tpu.vector_store %arg16[%swap3A_356], %swap3A_359 {strides = array<i32>} : memref<80xi32, #tpu.memory_space<vmem>>, vector<16xi32>,
      %shift_right_arithmetic3A_360 = arith.constant 16 : i32
      %shift_right_arithmetic3A_361 = vector.broadcast %shift_right_arithmetic3A_360 : i32 to vector<16xi32>
      %shift_right_arithmetic3A_362 = arith.shrsi %get3A_352, %shift_right_arithmetic3A_361 : vector<16xi32>
      %swap3A_363 = arith.constant 64 : index
      %swap3A_364 = tpu.vector_load %arg17[%swap3A_363] {strides = array<i32>} : memref<80xi32, #tpu.memory_space<vmem>>, vector<16xi32>,
      %swap3A_365 = vector.shape_cast %swap3A_364 : vector<16xi32> to vector<16xi32>
      %swap3A_366 = vector.shape_cast %shift_right_arithmetic3A_362 : vector<16xi32> to vector<16xi32>
      tpu.vector_store %arg17[%swap3A_363], %swap3A_366 {strides = array<i32>} : memref<80xi32, #tpu.memory_space<vmem>>, vector<16xi32>,
      %dma_start3A_367 = arith.constant 0 : i32
      %dma_start3A_368 = arith.constant 0 : i32
      %dma_start3A_369 = tpu.memref_slice %arg2[%dma_start3A_367, %dma_start3A_368] : memref<10240x128xf32, #tpu.memory_space<hbm>> -> memref<10240x128xf32, #tpu.memory_space<hbm>>
      tpu.enqueue_indirect_dma source(%dma_start3A_369 : memref<10240x128xf32, #tpu.memory_space<hbm>>) target(%arg11 : memref<80x128xf32, #tpu.memory_space<vmem>>) offsets(%arg16 : memref<80xi32, #tpu.memory_space<vmem>>) semaphore(%arg22 : memref<!tpu.dma_semaphore, #tpu.memory_space<semaphore_mem>>)
      %dma_wait3A_370 = arith.constant 0 : i32
      %dma_wait3A_371 = arith.constant 0 : i32
      %dma_wait3A_372 = tpu.memref_slice %arg2[%dma_wait3A_370, %dma_wait3A_371] : memref<10240x128xf32, #tpu.memory_space<hbm>> -> memref<10240x128xf32, #tpu.memory_space<hbm>>
      tpu.wait_indirect_dma semaphore(%arg21 : memref<!tpu.dma_semaphore, #tpu.memory_space<semaphore_mem>>) src(%dma_wait3A_372 : memref<10240x128xf32, #tpu.memory_space<hbm>>) dst(%arg10 : memref<80x128xf32, #tpu.memory_space<vmem>>)
      %dma_start3A_373 = arith.constant 0 : i32
      %dma_start3A_374 = arith.constant 0 : i32
      %dma_start3A_375 = tpu.memref_slice %arg6[%dma_start3A_373, %dma_start3A_374] : memref<10240x128xf32, #tpu.memory_space<vmem_shared>> -> memref<10240x128xf32, #tpu.memory_space<vmem_shared>>
      tpu.enqueue_indirect_dma source(%arg10 : memref<80x128xf32, #tpu.memory_space<vmem>>) target(%dma_start3A_375 : memref<10240x128xf32, #tpu.memory_space<vmem_shared>>) offsets(%arg15 : memref<80xi32, #tpu.memory_space<vmem>>) semaphore(%arg24 : memref<!tpu.dma_semaphore, #tpu.memory_space<semaphore_mem>>) {add = true}
      %dma_wait3A_376 = arith.constant 0 : i32
      %dma_wait3A_377 = arith.constant 0 : i32
      %dma_wait3A_378 = tpu.memref_slice %arg6[%dma_wait3A_376, %dma_wait3A_377] : memref<10240x128xf32, #tpu.memory_space<vmem_shared>> -> memref<10240x128xf32, #tpu.memory_space<vmem_shared>>
      tpu.wait_indirect_dma semaphore(%arg23 : memref<!tpu.dma_semaphore, #tpu.memory_space<semaphore_mem>>) src(%arg9 : memref<80x128xf32, #tpu.memory_space<vmem>>) dst(%dma_wait3A_378 : memref<10240x128xf32, #tpu.memory_space<vmem_shared>>)
      %add3A_379 = arith.constant 3 : i32
      %add3A_380 = arith.addi %mul3A_251, %add3A_379 : i32
      %mul3A_381 = arith.constant 80 : i32
      %mul3A_382 = arith.muli %add3A_380, %mul3A_381 : i32
      %add3A_383 = arith.constant 0 : i32
      %add3A_384 = arith.addi %mul3A_382, %add3A_383 : i32
      %get3A_385 = arith.index_cast %add3A_384 : i32 to index
      %get3A_386 = tpu.vector_load %arg8[%get3A_385] {strides = array<i32>} : memref<10000xi32, #tpu.memory_space<vmem>>, vector<16xi32>,
      %get3A_387 = vector.shape_cast %get3A_386 : vector<16xi32> to vector<16xi32>
      %and3A_388 = arith.constant 65535 : i32
      %and3A_389 = vector.broadcast %and3A_388 : i32 to vector<16xi32>
      %and3A_390 = arith.andi %get3A_387, %and3A_389 : vector<16xi32>
      %swap3A_391 = arith.constant 0 : index
      %swap3A_392 = tpu.vector_load %arg12[%swap3A_391] {strides = array<i32>} : memref<80xi32, #tpu.memory_space<vmem>>, vector<16xi32>,
      %swap3A_393 = vector.shape_cast %swap3A_392 : vector<16xi32> to vector<16xi32>
      %swap3A_394 = vector.shape_cast %and3A_390 : vector<16xi32> to vector<16xi32>
      tpu.vector_store %arg12[%swap3A_391], %swap3A_394 {strides = array<i32>} : memref<80xi32, #tpu.memory_space<vmem>>, vector<16xi32>,
      %shift_right_arithmetic3A_395 = arith.constant 16 : i32
      %shift_right_arithmetic3A_396 = vector.broadcast %shift_right_arithmetic3A_395 : i32 to vector<16xi32>
      %shift_right_arithmetic3A_397 = arith.shrsi %get3A_387, %shift_right_arithmetic3A_396 : vector<16xi32>
      %swap3A_398 = arith.constant 0 : index
      %swap3A_399 = tpu.vector_load %arg13[%swap3A_398] {strides = array<i32>} : memref<80xi32, #tpu.memory_space<vmem>>, vector<16xi32>,
      %swap3A_400 = vector.shape_cast %swap3A_399 : vector<16xi32> to vector<16xi32>
      %swap3A_401 = vector.shape_cast %shift_right_arithmetic3A_397 : vector<16xi32> to vector<16xi32>
      tpu.vector_store %arg13[%swap3A_398], %swap3A_401 {strides = array<i32>} : memref<80xi32, #tpu.memory_space<vmem>>, vector<16xi32>,
      %mul3A_402 = arith.constant 80 : i32
      %mul3A_403 = arith.muli %add3A_380, %mul3A_402 : i32
      %add3A_404 = arith.constant 16 : i32
      %add3A_405 = arith.addi %mul3A_403, %add3A_404 : i32
      %get3A_406 = arith.index_cast %add3A_405 : i32 to index
      %get3A_407 = tpu.vector_load %arg8[%get3A_406] {strides = array<i32>} : memref<10000xi32, #tpu.memory_space<vmem>>, vector<16xi32>,
      %get3A_408 = vector.shape_cast %get3A_407 : vector<16xi32> to vector<16xi32>
      %and3A_409 = arith.constant 65535 : i32
      %and3A_410 = vector.broadcast %and3A_409 : i32 to vector<16xi32>
      %and3A_411 = arith.andi %get3A_408, %and3A_410 : vector<16xi32>
      %swap3A_412 = arith.constant 16 : index
      %swap3A_413 = tpu.vector_load %arg12[%swap3A_412] {strides = array<i32>} : memref<80xi32, #tpu.memory_space<vmem>>, vector<16xi32>,
      %swap3A_414 = vector.shape_cast %swap3A_413 : vector<16xi32> to vector<16xi32>
      %swap3A_415 = vector.shape_cast %and3A_411 : vector<16xi32> to vector<16xi32>
      tpu.vector_store %arg12[%swap3A_412], %swap3A_415 {strides = array<i32>} : memref<80xi32, #tpu.memory_space<vmem>>, vector<16xi32>,
      %shift_right_arithmetic3A_416 = arith.constant 16 : i32
      %shift_right_arithmetic3A_417 = vector.broadcast %shift_right_arithmetic3A_416 : i32 to vector<16xi32>
      %shift_right_arithmetic3A_418 = arith.shrsi %get3A_408, %shift_right_arithmetic3A_417 : vector<16xi32>
      %swap3A_419 = arith.constant 16 : index
      %swap3A_420 = tpu.vector_load %arg13[%swap3A_419] {strides = array<i32>} : memref<80xi32, #tpu.memory_space<vmem>>, vector<16xi32>,
      %swap3A_421 = vector.shape_cast %swap3A_420 : vector<16xi32> to vector<16xi32>
      %swap3A_422 = vector.shape_cast %shift_right_arithmetic3A_418 : vector<16xi32> to vector<16xi32>
      tpu.vector_store %arg13[%swap3A_419], %swap3A_422 {strides = array<i32>} : memref<80xi32, #tpu.memory_space<vmem>>, vector<16xi32>,
      %mul3A_423 = arith.constant 80 : i32
      %mul3A_424 = arith.muli %add3A_380, %mul3A_423 : i32
      %add3A_425 = arith.constant 32 : i32
      %add3A_426 = arith.addi %mul3A_424, %add3A_425 : i32
      %get3A_427 = arith.index_cast %add3A_426 : i32 to index
      %get3A_428 = tpu.vector_load %arg8[%get3A_427] {strides = array<i32>} : memref<10000xi32, #tpu.memory_space<vmem>>, vector<16xi32>,
      %get3A_429 = vector.shape_cast %get3A_428 : vector<16xi32> to vector<16xi32>
      %and3A_430 = arith.constant 65535 : i32
      %and3A_431 = vector.broadcast %and3A_430 : i32 to vector<16xi32>
      %and3A_432 = arith.andi %get3A_429, %and3A_431 : vector<16xi32>
      %swap3A_433 = arith.constant 32 : index
      %swap3A_434 = tpu.vector_load %arg12[%swap3A_433] {strides = array<i32>} : memref<80xi32, #tpu.memory_space<vmem>>, vector<16xi32>,
      %swap3A_435 = vector.shape_cast %swap3A_434 : vector<16xi32> to vector<16xi32>
      %swap3A_436 = vector.shape_cast %and3A_432 : vector<16xi32> to vector<16xi32>
      tpu.vector_store %arg12[%swap3A_433], %swap3A_436 {strides = array<i32>} : memref<80xi32, #tpu.memory_space<vmem>>, vector<16xi32>,
      %shift_right_arithmetic3A_437 = arith.constant 16 : i32
      %shift_right_arithmetic3A_438 = vector.broadcast %shift_right_arithmetic3A_437 : i32 to vector<16xi32>
      %shift_right_arithmetic3A_439 = arith.shrsi %get3A_429, %shift_right_arithmetic3A_438 : vector<16xi32>
      %swap3A_440 = arith.constant 32 : index
      %swap3A_441 = tpu.vector_load %arg13[%swap3A_440] {strides = array<i32>} : memref<80xi32, #tpu.memory_space<vmem>>, vector<16xi32>,
      %swap3A_442 = vector.shape_cast %swap3A_441 : vector<16xi32> to vector<16xi32>
      %swap3A_443 = vector.shape_cast %shift_right_arithmetic3A_439 : vector<16xi32> to vector<16xi32>
      tpu.vector_store %arg13[%swap3A_440], %swap3A_443 {strides = array<i32>} : memref<80xi32, #tpu.memory_space<vmem>>, vector<16xi32>,
      %mul3A_444 = arith.constant 80 : i32
      %mul3A_445 = arith.muli %add3A_380, %mul3A_444 : i32
      %add3A_446 = arith.constant 48 : i32
      %add3A_447 = arith.addi %mul3A_445, %add3A_446 : i32
      %get3A_448 = arith.index_cast %add3A_447 : i32 to index
      %get3A_449 = tpu.vector_load %arg8[%get3A_448] {strides = array<i32>} : memref<10000xi32, #tpu.memory_space<vmem>>, vector<16xi32>,
      %get3A_450 = vector.shape_cast %get3A_449 : vector<16xi32> to vector<16xi32>
      %and3A_451 = arith.constant 65535 : i32
      %and3A_452 = vector.broadcast %and3A_451 : i32 to vector<16xi32>
      %and3A_453 = arith.andi %get3A_450, %and3A_452 : vector<16xi32>
      %swap3A_454 = arith.constant 48 : index
      %swap3A_455 = tpu.vector_load %arg12[%swap3A_454] {strides = array<i32>} : memref<80xi32, #tpu.memory_space<vmem>>, vector<16xi32>,
      %swap3A_456 = vector.shape_cast %swap3A_455 : vector<16xi32> to vector<16xi32>
      %swap3A_457 = vector.shape_cast %and3A_453 : vector<16xi32> to vector<16xi32>
      tpu.vector_store %arg12[%swap3A_454], %swap3A_457 {strides = array<i32>} : memref<80xi32, #tpu.memory_space<vmem>>, vector<16xi32>,
      %shift_right_arithmetic3A_458 = arith.constant 16 : i32
      %shift_right_arithmetic3A_459 = vector.broadcast %shift_right_arithmetic3A_458 : i32 to vector<16xi32>
      %shift_right_arithmetic3A_460 = arith.shrsi %get3A_450, %shift_right_arithmetic3A_459 : vector<16xi32>
      %swap3A_461 = arith.constant 48 : index
      %swap3A_462 = tpu.vector_load %arg13[%swap3A_461] {strides = array<i32>} : memref<80xi32, #tpu.memory_space<vmem>>, vector<16xi32>,
      %swap3A_463 = vector.shape_cast %swap3A_462 : vector<16xi32> to vector<16xi32>
      %swap3A_464 = vector.shape_cast %shift_right_arithmetic3A_460 : vector<16xi32> to vector<16xi32>
      tpu.vector_store %arg13[%swap3A_461], %swap3A_464 {strides = array<i32>} : memref<80xi32, #tpu.memory_space<vmem>>, vector<16xi32>,
      %mul3A_465 = arith.constant 80 : i32
      %mul3A_466 = arith.muli %add3A_380, %mul3A_465 : i32
      %add3A_467 = arith.constant 64 : i32
      %add3A_468 = arith.addi %mul3A_466, %add3A_467 : i32
      %get3A_469 = arith.index_cast %add3A_468 : i32 to index
      %get3A_470 = tpu.vector_load %arg8[%get3A_469] {strides = array<i32>} : memref<10000xi32, #tpu.memory_space<vmem>>, vector<16xi32>,
      %get3A_471 = vector.shape_cast %get3A_470 : vector<16xi32> to vector<16xi32>
      %and3A_472 = arith.constant 65535 : i32
      %and3A_473 = vector.broadcast %and3A_472 : i32 to vector<16xi32>
      %and3A_474 = arith.andi %get3A_471, %and3A_473 : vector<16xi32>
      %swap3A_475 = arith.constant 64 : index
      %swap3A_476 = tpu.vector_load %arg12[%swap3A_475] {strides = array<i32>} : memref<80xi32, #tpu.memory_space<vmem>>, vector<16xi32>,
      %swap3A_477 = vector.shape_cast %swap3A_476 : vector<16xi32> to vector<16xi32>
      %swap3A_478 = vector.shape_cast %and3A_474 : vector<16xi32> to vector<16xi32>
      tpu.vector_store %arg12[%swap3A_475], %swap3A_478 {strides = array<i32>} : memref<80xi32, #tpu.memory_space<vmem>>, vector<16xi32>,
      %shift_right_arithmetic3A_479 = arith.constant 16 : i32
      %shift_right_arithmetic3A_480 = vector.broadcast %shift_right_arithmetic3A_479 : i32 to vector<16xi32>
      %shift_right_arithmetic3A_481 = arith.shrsi %get3A_471, %shift_right_arithmetic3A_480 : vector<16xi32>
      %swap3A_482 = arith.constant 64 : index
      %swap3A_483 = tpu.vector_load %arg13[%swap3A_482] {strides = array<i32>} : memref<80xi32, #tpu.memory_space<vmem>>, vector<16xi32>,
      %swap3A_484 = vector.shape_cast %swap3A_483 : vector<16xi32> to vector<16xi32>
      %swap3A_485 = vector.shape_cast %shift_right_arithmetic3A_481 : vector<16xi32> to vector<16xi32>
      tpu.vector_store %arg13[%swap3A_482], %swap3A_485 {strides = array<i32>} : memref<80xi32, #tpu.memory_space<vmem>>, vector<16xi32>,
      %dma_start3A_486 = arith.constant 0 : i32
      %dma_start3A_487 = arith.constant 0 : i32
      %dma_start3A_488 = tpu.memref_slice %arg2[%dma_start3A_486, %dma_start3A_487] : memref<10240x128xf32, #tpu.memory_space<hbm>> -> memref<10240x128xf32, #tpu.memory_space<hbm>>
      tpu.enqueue_indirect_dma source(%dma_start3A_488 : memref<10240x128xf32, #tpu.memory_space<hbm>>) target(%arg9 : memref<80x128xf32, #tpu.memory_space<vmem>>) offsets(%arg12 : memref<80xi32, #tpu.memory_space<vmem>>) semaphore(%arg20 : memref<!tpu.dma_semaphore, #tpu.memory_space<semaphore_mem>>)
      %dma_wait3A_489 = arith.constant 0 : i32
      %dma_wait3A_490 = arith.constant 0 : i32
      %dma_wait3A_491 = tpu.memref_slice %arg2[%dma_wait3A_489, %dma_wait3A_490] : memref<10240x128xf32, #tpu.memory_space<hbm>> -> memref<10240x128xf32, #tpu.memory_space<hbm>>
      tpu.wait_indirect_dma semaphore(%arg22 : memref<!tpu.dma_semaphore, #tpu.memory_space<semaphore_mem>>) src(%dma_wait3A_491 : memref<10240x128xf32, #tpu.memory_space<hbm>>) dst(%arg11 : memref<80x128xf32, #tpu.memory_space<vmem>>)
      %dma_start3A_492 = arith.constant 0 : i32
      %dma_start3A_493 = arith.constant 0 : i32
      %dma_start3A_494 = tpu.memref_slice %arg6[%dma_start3A_492, %dma_start3A_493] : memref<10240x128xf32, #tpu.memory_space<vmem_shared>> -> memref<10240x128xf32, #tpu.memory_space<vmem_shared>>
      tpu.enqueue_indirect_dma source(%arg11 : memref<80x128xf32, #tpu.memory_space<vmem>>) target(%dma_start3A_494 : memref<10240x128xf32, #tpu.memory_space<vmem_shared>>) offsets(%arg17 : memref<80xi32, #tpu.memory_space<vmem>>) semaphore(%arg25 : memref<!tpu.dma_semaphore, #tpu.memory_space<semaphore_mem>>) {add = true}
      %dma_wait3A_495 = arith.constant 0 : i32
      %dma_wait3A_496 = arith.constant 0 : i32
      %dma_wait3A_497 = tpu.memref_slice %arg6[%dma_wait3A_495, %dma_wait3A_496] : memref<10240x128xf32, #tpu.memory_space<vmem_shared>> -> memref<10240x128xf32, #tpu.memory_space<vmem_shared>>
      tpu.wait_indirect_dma semaphore(%arg24 : memref<!tpu.dma_semaphore, #tpu.memory_space<semaphore_mem>>) src(%arg10 : memref<80x128xf32, #tpu.memory_space<vmem>>) dst(%dma_wait3A_497 : memref<10240x128xf32, #tpu.memory_space<vmem_shared>>)
      %add3A_498 = arith.constant 4 : i32
      %add3A_499 = arith.addi %mul3A_251, %add3A_498 : i32
      %mul3A_500 = arith.constant 80 : i32
      %mul3A_501 = arith.muli %add3A_499, %mul3A_500 : i32
      %add3A_502 = arith.constant 0 : i32
      %add3A_503 = arith.addi %mul3A_501, %add3A_502 : i32
      %get3A_504 = arith.index_cast %add3A_503 : i32 to index
      %get3A_505 = tpu.vector_load %arg8[%get3A_504] {strides = array<i32>} : memref<10000xi32, #tpu.memory_space<vmem>>, vector<16xi32>,
      %get3A_506 = vector.shape_cast %get3A_505 : vector<16xi32> to vector<16xi32>
      %and3A_507 = arith.constant 65535 : i32
      %and3A_508 = vector.broadcast %and3A_507 : i32 to vector<16xi32>
      %and3A_509 = arith.andi %get3A_506, %and3A_508 : vector<16xi32>
      %swap3A_510 = arith.constant 0 : index
      %swap3A_511 = tpu.vector_load %arg14[%swap3A_510] {strides = array<i32>} : memref<80xi32, #tpu.memory_space<vmem>>, vector<16xi32>,
      %swap3A_512 = vector.shape_cast %swap3A_511 : vector<16xi32> to vector<16xi32>
      %swap3A_513 = vector.shape_cast %and3A_509 : vector<16xi32> to vector<16xi32>
      tpu.vector_store %arg14[%swap3A_510], %swap3A_513 {strides = array<i32>} : memref<80xi32, #tpu.memory_space<vmem>>, vector<16xi32>,
      %shift_right_arithmetic3A_514 = arith.constant 16 : i32
      %shift_right_arithmetic3A_515 = vector.broadcast %shift_right_arithmetic3A_514 : i32 to vector<16xi32>
      %shift_right_arithmetic3A_516 = arith.shrsi %get3A_506, %shift_right_arithmetic3A_515 : vector<16xi32>
      %swap3A_517 = arith.constant 0 : index
      %swap3A_518 = tpu.vector_load %arg15[%swap3A_517] {strides = array<i32>} : memref<80xi32, #tpu.memory_space<vmem>>, vector<16xi32>,
      %swap3A_519 = vector.shape_cast %swap3A_518 : vector<16xi32> to vector<16xi32>
      %swap3A_520 = vector.shape_cast %shift_right_arithmetic3A_516 : vector<16xi32> to vector<16xi32>
      tpu.vector_store %arg15[%swap3A_517], %swap3A_520 {strides = array<i32>} : memref<80xi32, #tpu.memory_space<vmem>>, vector<16xi32>,
      %mul3A_521 = arith.constant 80 : i32
      %mul3A_522 = arith.muli %add3A_499, %mul3A_521 : i32
      %add3A_523 = arith.constant 16 : i32
      %add3A_524 = arith.addi %mul3A_522, %add3A_523 : i32
      %get3A_525 = arith.index_cast %add3A_524 : i32 to index
      %get3A_526 = tpu.vector_load %arg8[%get3A_525] {strides = array<i32>} : memref<10000xi32, #tpu.memory_space<vmem>>, vector<16xi32>,
      %get3A_527 = vector.shape_cast %get3A_526 : vector<16xi32> to vector<16xi32>
      %and3A_528 = arith.constant 65535 : i32
      %and3A_529 = vector.broadcast %and3A_528 : i32 to vector<16xi32>
      %and3A_530 = arith.andi %get3A_527, %and3A_529 : vector<16xi32>
      %swap3A_531 = arith.constant 16 : index
      %swap3A_532 = tpu.vector_load %arg14[%swap3A_531] {strides = array<i32>} : memref<80xi32, #tpu.memory_space<vmem>>, vector<16xi32>,
      %swap3A_533 = vector.shape_cast %swap3A_532 : vector<16xi32> to vector<16xi32>
      %swap3A_534 = vector.shape_cast %and3A_530 : vector<16xi32> to vector<16xi32>
      tpu.vector_store %arg14[%swap3A_531], %swap3A_534 {strides = array<i32>} : memref<80xi32, #tpu.memory_space<vmem>>, vector<16xi32>,
      %shift_right_arithmetic3A_535 = arith.constant 16 : i32
      %shift_right_arithmetic3A_536 = vector.broadcast %shift_right_arithmetic3A_535 : i32 to vector<16xi32>
      %shift_right_arithmetic3A_537 = arith.shrsi %get3A_527, %shift_right_arithmetic3A_536 : vector<16xi32>
      %swap3A_538 = arith.constant 16 : index
      %swap3A_539 = tpu.vector_load %arg15[%swap3A_538] {strides = array<i32>} : memref<80xi32, #tpu.memory_space<vmem>>, vector<16xi32>,
      %swap3A_540 = vector.shape_cast %swap3A_539 : vector<16xi32> to vector<16xi32>
      %swap3A_541 = vector.shape_cast %shift_right_arithmetic3A_537 : vector<16xi32> to vector<16xi32>
      tpu.vector_store %arg15[%swap3A_538], %swap3A_541 {strides = array<i32>} : memref<80xi32, #tpu.memory_space<vmem>>, vector<16xi32>,
      %mul3A_542 = arith.constant 80 : i32
      %mul3A_543 = arith.muli %add3A_499, %mul3A_542 : i32
      %add3A_544 = arith.constant 32 : i32
      %add3A_545 = arith.addi %mul3A_543, %add3A_544 : i32
      %get3A_546 = arith.index_cast %add3A_545 : i32 to index
      %get3A_547 = tpu.vector_load %arg8[%get3A_546] {strides = array<i32>} : memref<10000xi32, #tpu.memory_space<vmem>>, vector<16xi32>,
      %get3A_548 = vector.shape_cast %get3A_547 : vector<16xi32> to vector<16xi32>
      %and3A_549 = arith.constant 65535 : i32
      %and3A_550 = vector.broadcast %and3A_549 : i32 to vector<16xi32>
      %and3A_551 = arith.andi %get3A_548, %and3A_550 : vector<16xi32>
      %swap3A_552 = arith.constant 32 : index
      %swap3A_553 = tpu.vector_load %arg14[%swap3A_552] {strides = array<i32>} : memref<80xi32, #tpu.memory_space<vmem>>, vector<16xi32>,
      %swap3A_554 = vector.shape_cast %swap3A_553 : vector<16xi32> to vector<16xi32>
      %swap3A_555 = vector.shape_cast %and3A_551 : vector<16xi32> to vector<16xi32>
      tpu.vector_store %arg14[%swap3A_552], %swap3A_555 {strides = array<i32>} : memref<80xi32, #tpu.memory_space<vmem>>, vector<16xi32>,
      %shift_right_arithmetic3A_556 = arith.constant 16 : i32
      %shift_right_arithmetic3A_557 = vector.broadcast %shift_right_arithmetic3A_556 : i32 to vector<16xi32>
      %shift_right_arithmetic3A_558 = arith.shrsi %get3A_548, %shift_right_arithmetic3A_557 : vector<16xi32>
      %swap3A_559 = arith.constant 32 : index
      %swap3A_560 = tpu.vector_load %arg15[%swap3A_559] {strides = array<i32>} : memref<80xi32, #tpu.memory_space<vmem>>, vector<16xi32>,
      %swap3A_561 = vector.shape_cast %swap3A_560 : vector<16xi32> to vector<16xi32>
      %swap3A_562 = vector.shape_cast %shift_right_arithmetic3A_558 : vector<16xi32> to vector<16xi32>
      tpu.vector_store %arg15[%swap3A_559], %swap3A_562 {strides = array<i32>} : memref<80xi32, #tpu.memory_space<vmem>>, vector<16xi32>,
      %mul3A_563 = arith.constant 80 : i32
      %mul3A_564 = arith.muli %add3A_499, %mul3A_563 : i32
      %add3A_565 = arith.constant 48 : i32
      %add3A_566 = arith.addi %mul3A_564, %add3A_565 : i32
      %get3A_567 = arith.index_cast %add3A_566 : i32 to index
      %get3A_568 = tpu.vector_load %arg8[%get3A_567] {strides = array<i32>} : memref<10000xi32, #tpu.memory_space<vmem>>, vector<16xi32>,
      %get3A_569 = vector.shape_cast %get3A_568 : vector<16xi32> to vector<16xi32>
      %and3A_570 = arith.constant 65535 : i32
      %and3A_571 = vector.broadcast %and3A_570 : i32 to vector<16xi32>
      %and3A_572 = arith.andi %get3A_569, %and3A_571 : vector<16xi32>
      %swap3A_573 = arith.constant 48 : index
      %swap3A_574 = tpu.vector_load %arg14[%swap3A_573] {strides = array<i32>} : memref<80xi32, #tpu.memory_space<vmem>>, vector<16xi32>,
      %swap3A_575 = vector.shape_cast %swap3A_574 : vector<16xi32> to vector<16xi32>
      %swap3A_576 = vector.shape_cast %and3A_572 : vector<16xi32> to vector<16xi32>
      tpu.vector_store %arg14[%swap3A_573], %swap3A_576 {strides = array<i32>} : memref<80xi32, #tpu.memory_space<vmem>>, vector<16xi32>,
      %shift_right_arithmetic3A_577 = arith.constant 16 : i32
      %shift_right_arithmetic3A_578 = vector.broadcast %shift_right_arithmetic3A_577 : i32 to vector<16xi32>
      %shift_right_arithmetic3A_579 = arith.shrsi %get3A_569, %shift_right_arithmetic3A_578 : vector<16xi32>
      %swap3A_580 = arith.constant 48 : index
      %swap3A_581 = tpu.vector_load %arg15[%swap3A_580] {strides = array<i32>} : memref<80xi32, #tpu.memory_space<vmem>>, vector<16xi32>,
      %swap3A_582 = vector.shape_cast %swap3A_581 : vector<16xi32> to vector<16xi32>
      %swap3A_583 = vector.shape_cast %shift_right_arithmetic3A_579 : vector<16xi32> to vector<16xi32>
      tpu.vector_store %arg15[%swap3A_580], %swap3A_583 {strides = array<i32>} : memref<80xi32, #tpu.memory_space<vmem>>, vector<16xi32>,
      %mul3A_584 = arith.constant 80 : i32
      %mul3A_585 = arith.muli %add3A_499, %mul3A_584 : i32
      %add3A_586 = arith.constant 64 : i32
      %add3A_587 = arith.addi %mul3A_585, %add3A_586 : i32
      %get3A_588 = arith.index_cast %add3A_587 : i32 to index
      %get3A_589 = tpu.vector_load %arg8[%get3A_588] {strides = array<i32>} : memref<10000xi32, #tpu.memory_space<vmem>>, vector<16xi32>,
      %get3A_590 = vector.shape_cast %get3A_589 : vector<16xi32> to vector<16xi32>
      %and3A_591 = arith.constant 65535 : i32
      %and3A_592 = vector.broadcast %and3A_591 : i32 to vector<16xi32>
      %and3A_593 = arith.andi %get3A_590, %and3A_592 : vector<16xi32>
      %swap3A_594 = arith.constant 64 : index
      %swap3A_595 = tpu.vector_load %arg14[%swap3A_594] {strides = array<i32>} : memref<80xi32, #tpu.memory_space<vmem>>, vector<16xi32>,
      %swap3A_596 = vector.shape_cast %swap3A_595 : vector<16xi32> to vector<16xi32>
      %swap3A_597 = vector.shape_cast %and3A_593 : vector<16xi32> to vector<16xi32>
      tpu.vector_store %arg14[%swap3A_594], %swap3A_597 {strides = array<i32>} : memref<80xi32, #tpu.memory_space<vmem>>, vector<16xi32>,
      %shift_right_arithmetic3A_598 = arith.constant 16 : i32
      %shift_right_arithmetic3A_599 = vector.broadcast %shift_right_arithmetic3A_598 : i32 to vector<16xi32>
      %shift_right_arithmetic3A_600 = arith.shrsi %get3A_590, %shift_right_arithmetic3A_599 : vector<16xi32>
      %swap3A_601 = arith.constant 64 : index
      %swap3A_602 = tpu.vector_load %arg15[%swap3A_601] {strides = array<i32>} : memref<80xi32, #tpu.memory_space<vmem>>, vector<16xi32>,
      %swap3A_603 = vector.shape_cast %swap3A_602 : vector<16xi32> to vector<16xi32>
      %swap3A_604 = vector.shape_cast %shift_right_arithmetic3A_600 : vector<16xi32> to vector<16xi32>
      tpu.vector_store %arg15[%swap3A_601], %swap3A_604 {strides = array<i32>} : memref<80xi32, #tpu.memory_space<vmem>>, vector<16xi32>,
      %dma_start3A_605 = arith.constant 0 : i32
      %dma_start3A_606 = arith.constant 0 : i32
      %dma_start3A_607 = tpu.memref_slice %arg2[%dma_start3A_605, %dma_start3A_606] : memref<10240x128xf32, #tpu.memory_space<hbm>> -> memref<10240x128xf32, #tpu.memory_space<hbm>>
      tpu.enqueue_indirect_dma source(%dma_start3A_607 : memref<10240x128xf32, #tpu.memory_space<hbm>>) target(%arg10 : memref<80x128xf32, #tpu.memory_space<vmem>>) offsets(%arg14 : memref<80xi32, #tpu.memory_space<vmem>>) semaphore(%arg21 : memref<!tpu.dma_semaphore, #tpu.memory_space<semaphore_mem>>)
    }
    %scan3A_220 = arith.constant 41 : i32
    %dma_wait3A = arith.constant 0 : i32
    %dma_wait3A_221 = arith.constant 0 : i32
    %dma_wait3A_222 = tpu.memref_slice %arg2[%dma_wait3A, %dma_wait3A_221] : memref<10240x128xf32, #tpu.memory_space<hbm>> -> memref<10240x128xf32, #tpu.memory_space<hbm>>
    tpu.wait_indirect_dma semaphore(%arg20 : memref<!tpu.dma_semaphore, #tpu.memory_space<semaphore_mem>>) src(%dma_wait3A_222 : memref<10240x128xf32, #tpu.memory_space<hbm>>) dst(%arg9 : memref<80x128xf32, #tpu.memory_space<vmem>>)
    %dma_start3A_223 = arith.constant 0 : i32
    %dma_start3A_224 = arith.constant 0 : i32
    %dma_start3A_225 = tpu.memref_slice %arg6[%dma_start3A_223, %dma_start3A_224] : memref<10240x128xf32, #tpu.memory_space<vmem_shared>> -> memref<10240x128xf32, #tpu.memory_space<vmem_shared>>
    tpu.enqueue_indirect_dma source(%arg9 : memref<80x128xf32, #tpu.memory_space<vmem>>) target(%dma_start3A_225 : memref<10240x128xf32, #tpu.memory_space<vmem_shared>>) offsets(%arg13 : memref<80xi32, #tpu.memory_space<vmem>>) semaphore(%arg23 : memref<!tpu.dma_semaphore, #tpu.memory_space<semaphore_mem>>) {add = true}
    %dma_wait3A_226 = arith.constant 0 : i32
    %dma_wait3A_227 = arith.constant 0 : i32
    %dma_wait3A_228 = tpu.memref_slice %arg6[%dma_wait3A_226, %dma_wait3A_227] : memref<10240x128xf32, #tpu.memory_space<vmem_shared>> -> memref<10240x128xf32, #tpu.memory_space<vmem_shared>>
    tpu.wait_indirect_dma semaphore(%arg25 : memref<!tpu.dma_semaphore, #tpu.memory_space<semaphore_mem>>) src(%arg11 : memref<80x128xf32, #tpu.memory_space<vmem>>) dst(%dma_wait3A_228 : memref<10240x128xf32, #tpu.memory_space<vmem_shared>>)
    %dma_wait3A_229 = arith.constant 0 : i32
    %dma_wait3A_230 = arith.constant 0 : i32
    %dma_wait3A_231 = tpu.memref_slice %arg2[%dma_wait3A_229, %dma_wait3A_230] : memref<10240x128xf32, #tpu.memory_space<hbm>> -> memref<10240x128xf32, #tpu.memory_space<hbm>>
    tpu.wait_indirect_dma semaphore(%arg21 : memref<!tpu.dma_semaphore, #tpu.memory_space<semaphore_mem>>) src(%dma_wait3A_231 : memref<10240x128xf32, #tpu.memory_space<hbm>>) dst(%arg10 : memref<80x128xf32, #tpu.memory_space<vmem>>)
    %dma_start3A_232 = arith.constant 0 : i32
    %dma_start3A_233 = arith.constant 0 : i32
    %dma_start3A_234 = tpu.memref_slice %arg6[%dma_start3A_232, %dma_start3A_233] : memref<10240x128xf32, #tpu.memory_space<vmem_shared>> -> memref<10240x128xf32, #tpu.memory_space<vmem_shared>>
    tpu.enqueue_indirect_dma source(%arg10 : memref<80x128xf32, #tpu.memory_space<vmem>>) target(%dma_start3A_234 : memref<10240x128xf32, #tpu.memory_space<vmem_shared>>) offsets(%arg15 : memref<80xi32, #tpu.memory_space<vmem>>) semaphore(%arg24 : memref<!tpu.dma_semaphore, #tpu.memory_space<semaphore_mem>>) {add = true}
    %dma_wait3A_235 = arith.constant 0 : i32
    %dma_wait3A_236 = arith.constant 0 : i32
    %dma_wait3A_237 = tpu.memref_slice %arg6[%dma_wait3A_235, %dma_wait3A_236] : memref<10240x128xf32, #tpu.memory_space<vmem_shared>> -> memref<10240x128xf32, #tpu.memory_space<vmem_shared>>
    tpu.wait_indirect_dma semaphore(%arg23 : memref<!tpu.dma_semaphore, #tpu.memory_space<semaphore_mem>>) src(%arg9 : memref<80x128xf32, #tpu.memory_space<vmem>>) dst(%dma_wait3A_237 : memref<10240x128xf32, #tpu.memory_space<vmem_shared>>)
    %dma_wait3A_238 = arith.constant 0 : i32
    %dma_wait3A_239 = arith.constant 0 : i32
    %dma_wait3A_240 = tpu.memref_slice %arg6[%dma_wait3A_238, %dma_wait3A_239] : memref<10240x128xf32, #tpu.memory_space<vmem_shared>> -> memref<10240x128xf32, #tpu.memory_space<vmem_shared>>
    tpu.wait_indirect_dma semaphore(%arg24 : memref<!tpu.dma_semaphore, #tpu.memory_space<semaphore_mem>>) src(%arg10 : memref<80x128xf32, #tpu.memory_space<vmem>>) dst(%dma_wait3A_240 : memref<10240x128xf32, #tpu.memory_space<vmem_shared>>)
    %barrier3A_241 = arith.constant 0 : index
    tpu.barrier barrier_id(%barrier3A_241)
    %mul3A_242 = arith.constant 640 : i32
    %mul3A_243 = arith.muli %arg1, %mul3A_242 : i32
    %mul3A_244 = arith.constant 10240 : i32
    %mul3A_245 = arith.muli %arg0, %mul3A_244 : i32
    %mul3A_246 = arith.constant 640 : i32
    %mul3A_247 = arith.muli %arg1, %mul3A_246 : i32
    %add3A_248 = arith.addi %mul3A_245, %mul3A_247 : i32
    "tpu.region"() ({
      %run_scoped3A = tpu.sem_alloc : memref<!tpu.dma_semaphore, #tpu.memory_space<semaphore_mem>>
      %dma_start3A_249 = arith.constant 0 : i32
      %dma_start3A_250 = tpu.memref_slice %arg4[%add3A_248, %dma_start3A_249] : memref<20480x128xf32, #tpu.memory_space<hbm>> -> memref<640x128xf32, #tpu.memory_space<hbm>>
      %dma_start3A_251 = arith.constant 0 : i32
      %dma_start3A_252 = tpu.memref_slice %arg6[%mul3A_243, %dma_start3A_251] : memref<10240x128xf32, #tpu.memory_space<vmem_shared>> -> memref<640x128xf32, #tpu.memory_space<vmem_shared>>
      tpu.enqueue_dma source(%dma_start3A_252 : memref<640x128xf32, #tpu.memory_space<vmem_shared>>) target(%dma_start3A_250 : memref<640x128xf32, #tpu.memory_space<hbm>>) target_semaphore(%run_scoped3A : memref<!tpu.dma_semaphore, #tpu.memory_space<semaphore_mem>>)
      %dma_wait3A_253 = arith.constant 0 : i32
      %dma_wait3A_254 = tpu.memref_slice %arg4[%add3A_248, %dma_wait3A_253] : memref<20480x128xf32, #tpu.memory_space<hbm>> -> memref<640x128xf32, #tpu.memory_space<hbm>>
      %dma_wait3A_255 = arith.constant 0 : i32
      %dma_wait3A_256 = tpu.memref_slice %arg6[%mul3A_243, %dma_wait3A_255] : memref<10240x128xf32, #tpu.memory_space<vmem_shared>> -> memref<640x128xf32, #tpu.memory_space<vmem_shared>>
      tpu.wait_dma2 semaphore(%run_scoped3A : memref<!tpu.dma_semaphore, #tpu.memory_space<semaphore_mem>>) src(%dma_wait3A_256 : memref<640x128xf32, #tpu.memory_space<vmem_shared>>) dst(%dma_wait3A_254 : memref<640x128xf32, #tpu.memory_space<hbm>>)
      tpu.yield
    }) : () -> ()
    return
  }
}

module attributes {stable_mosaic.version = 14 : i64} {
  func.func @_tc1_body(%arg0: i32, %arg1: memref<1024x128xf32, #tpu.memory_space<vmem>>, %arg2: memref<128x128xf32, #tpu.memory_space<vmem>>, %arg3: memref<128x128xf32, #tpu.memory_space<vmem>>, %arg4: memref<1x128xf32, #tpu.memory_space<vmem>>, %arg5: memref<1024x128xf32, #tpu.memory_space<vmem>>, %arg6: memref<1024x128xf32, #tpu.memory_space<vmem>>) attributes {dimension_semantics = [#tpu.dimension_semantics<arbitrary>], iteration_bounds = array<i64: 10>, scalar_prefetch = 0 : i64, scratch_operands = 0 : i64, tpu.core_type = #tpu.core_type<tc>, window_params = [{transform_indices = @transform_0, window_bounds = array<i64: 1024, 128>}, {pipeline_mode = #tpu.pipeline_mode<synchronous>, transform_indices = @transform_1, window_bounds = array<i64: 128, 128>}, {pipeline_mode = #tpu.pipeline_mode<synchronous>, transform_indices = @transform_2, window_bounds = array<i64: 128, 128>}, {pipeline_mode = #tpu.pipeline_mode<synchronous>, transform_indices = @transform_3, window_bounds = array<i64: 1, 128>}, {transform_indices = @transform_4, window_bounds = array<i64: 1024, 128>}, {transform_indices = @transform_5, window_bounds = array<i64: 1024, 128>}]} {
    %get3A = arith.constant 0 : index
    %get3A_0 = arith.constant 0 : index
    %get3A_1 = vector.load %arg1[%get3A, %get3A_0] : memref<1024x128xf32, #tpu.memory_space<vmem>>, vector<1024x128xf32>
    %get3A_2 = arith.constant 0 : index
    %get3A_3 = arith.constant 0 : index
    %get3A_4 = vector.load %arg2[%get3A_2, %get3A_3] : memref<128x128xf32, #tpu.memory_space<vmem>>, vector<128x128xf32>
    %dot_general3A = arith.constant dense<0.000000e+00> : vector<1024x128xf32>
    %dot_general3A_5 = tpu.matmul %get3A_1, %get3A_4, %dot_general3A {dimension_numbers = #tpu.dot_dimension_numbers<[1], [0], [0], [1], [0, 0, 1, 1], [], []>, transpose_lhs_hint = false} : vector<1024x128xf32>, vector<128x128xf32>, vector<1024x128xf32> -> vector<1024x128xf32>
    %get3A_6 = arith.constant 0 : index
    %get3A_7 = arith.constant 0 : index
    %get3A_8 = vector.load %arg4[%get3A_6, %get3A_7] : memref<1x128xf32, #tpu.memory_space<vmem>>, vector<1x128xf32>
    %add3A = vector.broadcast %get3A_8 : vector<1x128xf32> to vector<1024x128xf32>
    %add3A_9 = arith.addf %dot_general3A_5, %add3A : vector<1024x128xf32>
    %swap3A = arith.constant 0 : index
    %swap3A_10 = arith.constant 0 : index
    %swap3A_11 = vector.load %arg5[%swap3A, %swap3A_10] : memref<1024x128xf32, #tpu.memory_space<vmem>>, vector<1024x128xf32>
    tpu.vector_store %arg5[%swap3A, %swap3A_10], %add3A_9 {strides = array<i32>} : memref<1024x128xf32, #tpu.memory_space<vmem>>, vector<1024x128xf32>,
    %get3A_12 = arith.constant 0 : index
    %get3A_13 = arith.constant 0 : index
    %get3A_14 = vector.load %arg3[%get3A_12, %get3A_13] : memref<128x128xf32, #tpu.memory_space<vmem>>, vector<128x128xf32>
    %dot_general3A_15 = arith.constant dense<0.000000e+00> : vector<1024x128xf32>
    %dot_general3A_16 = tpu.matmul %get3A_1, %get3A_14, %dot_general3A_15 {dimension_numbers = #tpu.dot_dimension_numbers<[1], [0], [0], [1], [0, 0, 1, 1], [], []>, transpose_lhs_hint = false} : vector<1024x128xf32>, vector<128x128xf32>, vector<1024x128xf32> -> vector<1024x128xf32>
    %swap3A_17 = arith.constant 0 : index
    %swap3A_18 = arith.constant 0 : index
    %swap3A_19 = vector.load %arg6[%swap3A_17, %swap3A_18] : memref<1024x128xf32, #tpu.memory_space<vmem>>, vector<1024x128xf32>
    tpu.vector_store %arg6[%swap3A_17, %swap3A_18], %dot_general3A_16 {strides = array<i32>} : memref<1024x128xf32, #tpu.memory_space<vmem>>, vector<1024x128xf32>,
    return
  }
  func.func @transform_0(%arg0: i32) -> (i32, i32) {
    %c0_i32 = arith.constant 0 : i32
    %c0_i32_0 = arith.constant 0 : i32
    return %arg0, %c0_i32 : i32, i32
  }
  func.func @transform_1(%arg0: i32) -> (i32, i32) {
    %c0_i32 = arith.constant 0 : i32
    %c0_i32_0 = arith.constant 0 : i32
    %c0_i32_1 = arith.constant 0 : i32
    return %c0_i32, %c0_i32_0 : i32, i32
  }
  func.func @transform_2(%arg0: i32) -> (i32, i32) {
    %c0_i32 = arith.constant 0 : i32
    %c0_i32_0 = arith.constant 0 : i32
    %c0_i32_1 = arith.constant 0 : i32
    return %c0_i32, %c0_i32_0 : i32, i32
  }
  func.func @transform_3(%arg0: i32) -> (i32, i32) {
    %c0_i32 = arith.constant 0 : i32
    %c0_i32_0 = arith.constant 0 : i32
    %c0_i32_1 = arith.constant 0 : i32
    return %c0_i32, %c0_i32_0 : i32, i32
  }
  func.func @transform_4(%arg0: i32) -> (i32, i32) {
    %c0_i32 = arith.constant 0 : i32
    %c0_i32_0 = arith.constant 0 : i32
    return %arg0, %c0_i32 : i32, i32
  }
  func.func @transform_5(%arg0: i32) -> (i32, i32) {
    %c0_i32 = arith.constant 0 : i32
    %c0_i32_0 = arith.constant 0 : i32
    return %arg0, %c0_i32 : i32, i32
  }
}

module attributes {stable_mosaic.version = 14 : i64} {
  func.func @_tc2_body(%arg0: i32, %arg1: memref<1024x128xf32, #tpu.memory_space<vmem>>, %arg2: memref<2x1024x128xf32, #tpu.memory_space<vmem>>, %arg3: memref<2x1024xf32, #tpu.memory_space<vmem>>, %arg4: memref<128x128xf32, #tpu.memory_space<vmem>>, %arg5: memref<128x128xf32, #tpu.memory_space<vmem>>, %arg6: memref<1x128xf32, #tpu.memory_space<vmem>>, %arg7: memref<1024x128xf32, #tpu.memory_space<vmem>>, %arg8: memref<1024x128xf32, #tpu.memory_space<vmem>>) attributes {dimension_semantics = [#tpu.dimension_semantics<arbitrary>], iteration_bounds = array<i64: 10>, scalar_prefetch = 0 : i64, scratch_operands = 0 : i64, tpu.core_type = #tpu.core_type<tc>, window_params = [{transform_indices = @transform_0, window_bounds = array<i64: 1024, 128>}, {transform_indices = @transform_1, window_bounds = array<i64: 2, 1024, 128>}, {transform_indices = @transform_2, window_bounds = array<i64: 2, 1024>}, {pipeline_mode = #tpu.pipeline_mode<synchronous>, transform_indices = @transform_3, window_bounds = array<i64: 128, 128>}, {pipeline_mode = #tpu.pipeline_mode<synchronous>, transform_indices = @transform_4, window_bounds = array<i64: 128, 128>}, {pipeline_mode = #tpu.pipeline_mode<synchronous>, transform_indices = @transform_5, window_bounds = array<i64: 1, 128>}, {transform_indices = @transform_6, window_bounds = array<i64: 1024, 128>}, {transform_indices = @transform_7, window_bounds = array<i64: 1024, 128>}]} {
    %get3A = arith.constant 0 : index
    %get3A_0 = arith.constant 0 : index
    %get3A_1 = arith.constant 0 : index
    %get3A_2 = vector.load %arg2[%get3A, %get3A_0, %get3A_1] : memref<2x1024x128xf32, #tpu.memory_space<vmem>>, vector<1x1024x128xf32>
    %get3A_3 = vector.shape_cast %get3A_2 : vector<1x1024x128xf32> to vector<1024x128xf32>
    %get3A_4 = arith.constant 1 : index
    %get3A_5 = arith.constant 0 : index
    %get3A_6 = arith.constant 0 : index
    %get3A_7 = vector.load %arg2[%get3A_4, %get3A_5, %get3A_6] : memref<2x1024x128xf32, #tpu.memory_space<vmem>>, vector<1x1024x128xf32>
    %get3A_8 = vector.shape_cast %get3A_7 : vector<1x1024x128xf32> to vector<1024x128xf32>
    %add3A = arith.addf %get3A_3, %get3A_8 : vector<1024x128xf32>
    %get3A_9 = arith.constant 0 : index
    %get3A_10 = arith.constant 0 : index
    %get3A_11 = vector.load %arg3[%get3A_9, %get3A_10] : memref<2x1024xf32, #tpu.memory_space<vmem>>, vector<1x1024xf32>
    %get3A_12 = vector.shape_cast %get3A_11 : vector<1x1024xf32> to vector<1024xf32>
    %get3A_13 = arith.constant 1 : index
    %get3A_14 = arith.constant 0 : index
    %get3A_15 = vector.load %arg3[%get3A_13, %get3A_14] : memref<2x1024xf32, #tpu.memory_space<vmem>>, vector<1x1024xf32>
    %get3A_16 = vector.shape_cast %get3A_15 : vector<1x1024xf32> to vector<1024xf32>
    %add3A_17 = arith.addf %get3A_12, %get3A_16 : vector<1024xf32>
    %max3A = arith.constant 1.000000e+00 : f32
    %max3A_18 = vector.broadcast %max3A : f32 to vector<1024xf32>
    %max3A_19 = arith.maximumf %add3A_17, %max3A_18 : vector<1024xf32>
    %div3A = arith.constant 1.000000e+00 : f32
    %div3A_20 = vector.broadcast %div3A : f32 to vector<1024xf32>
    %div3A_21 = arith.divf %div3A_20, %max3A_19 : vector<1024xf32>
    %get3A_22 = arith.constant 0 : index
    %get3A_23 = arith.constant 0 : index
    %get3A_24 = vector.load %arg1[%get3A_22, %get3A_23] : memref<1024x128xf32, #tpu.memory_space<vmem>>, vector<1024x128xf32>
    %broadcast_in_dim3A = vector.shape_cast %div3A_21 : vector<1024xf32> to vector<1024x1xf32>
    %mul3A = vector.broadcast %broadcast_in_dim3A : vector<1024x1xf32> to vector<1024x128xf32>
    %mul3A_25 = arith.mulf %add3A, %mul3A : vector<1024x128xf32>
    %add3A_26 = arith.addf %get3A_24, %mul3A_25 : vector<1024x128xf32>
    %max3A_27 = arith.constant 0.000000e+00 : f32
    %max3A_28 = vector.broadcast %max3A_27 : f32 to vector<1024x128xf32>
    %max3A_29 = arith.maximumf %add3A_26, %max3A_28 : vector<1024x128xf32>
    %get3A_30 = arith.constant 0 : index
    %get3A_31 = arith.constant 0 : index
    %get3A_32 = vector.load %arg4[%get3A_30, %get3A_31] : memref<128x128xf32, #tpu.memory_space<vmem>>, vector<128x128xf32>
    %dot_general3A = arith.constant dense<0.000000e+00> : vector<1024x128xf32>
    %dot_general3A_33 = tpu.matmul %max3A_29, %get3A_32, %dot_general3A {dimension_numbers = #tpu.dot_dimension_numbers<[1], [0], [0], [1], [0, 0, 1, 1], [], []>, transpose_lhs_hint = false} : vector<1024x128xf32>, vector<128x128xf32>, vector<1024x128xf32> -> vector<1024x128xf32>
    %get3A_34 = arith.constant 0 : index
    %get3A_35 = arith.constant 0 : index
    %get3A_36 = vector.load %arg6[%get3A_34, %get3A_35] : memref<1x128xf32, #tpu.memory_space<vmem>>, vector<1x128xf32>
    %add3A_37 = vector.broadcast %get3A_36 : vector<1x128xf32> to vector<1024x128xf32>
    %add3A_38 = arith.addf %dot_general3A_33, %add3A_37 : vector<1024x128xf32>
    %swap3A = arith.constant 0 : index
    %swap3A_39 = arith.constant 0 : index
    %swap3A_40 = vector.load %arg7[%swap3A, %swap3A_39] : memref<1024x128xf32, #tpu.memory_space<vmem>>, vector<1024x128xf32>
    tpu.vector_store %arg7[%swap3A, %swap3A_39], %add3A_38 {strides = array<i32>} : memref<1024x128xf32, #tpu.memory_space<vmem>>, vector<1024x128xf32>,
    %get3A_41 = arith.constant 0 : index
    %get3A_42 = arith.constant 0 : index
    %get3A_43 = vector.load %arg5[%get3A_41, %get3A_42] : memref<128x128xf32, #tpu.memory_space<vmem>>, vector<128x128xf32>
    %dot_general3A_44 = arith.constant dense<0.000000e+00> : vector<1024x128xf32>
    %dot_general3A_45 = tpu.matmul %max3A_29, %get3A_43, %dot_general3A_44 {dimension_numbers = #tpu.dot_dimension_numbers<[1], [0], [0], [1], [0, 0, 1, 1], [], []>, transpose_lhs_hint = false} : vector<1024x128xf32>, vector<128x128xf32>, vector<1024x128xf32> -> vector<1024x128xf32>
    %swap3A_46 = arith.constant 0 : index
    %swap3A_47 = arith.constant 0 : index
    %swap3A_48 = vector.load %arg8[%swap3A_46, %swap3A_47] : memref<1024x128xf32, #tpu.memory_space<vmem>>, vector<1024x128xf32>
    tpu.vector_store %arg8[%swap3A_46, %swap3A_47], %dot_general3A_45 {strides = array<i32>} : memref<1024x128xf32, #tpu.memory_space<vmem>>, vector<1024x128xf32>,
    return
  }
  func.func @transform_0(%arg0: i32) -> (i32, i32) {
    %c0_i32 = arith.constant 0 : i32
    %c0_i32_0 = arith.constant 0 : i32
    return %arg0, %c0_i32 : i32, i32
  }
  func.func @transform_1(%arg0: i32) -> (i32, i32, i32) {
    %c0_i32 = arith.constant 0 : i32
    %c0_i32_0 = arith.constant 0 : i32
    %c0_i32_1 = arith.constant 0 : i32
    return %c0_i32, %arg0, %c0_i32_0 : i32, i32, i32
  }
  func.func @transform_2(%arg0: i32) -> (i32, i32) {
    %c0_i32 = arith.constant 0 : i32
    %c0_i32_0 = arith.constant 0 : i32
    return %c0_i32, %arg0 : i32, i32
  }
  func.func @transform_3(%arg0: i32) -> (i32, i32) {
    %c0_i32 = arith.constant 0 : i32
    %c0_i32_0 = arith.constant 0 : i32
    %c0_i32_1 = arith.constant 0 : i32
    return %c0_i32, %c0_i32_0 : i32, i32
  }
  func.func @transform_4(%arg0: i32) -> (i32, i32) {
    %c0_i32 = arith.constant 0 : i32
    %c0_i32_0 = arith.constant 0 : i32
    %c0_i32_1 = arith.constant 0 : i32
    return %c0_i32, %c0_i32_0 : i32, i32
  }
  func.func @transform_5(%arg0: i32) -> (i32, i32) {
    %c0_i32 = arith.constant 0 : i32
    %c0_i32_0 = arith.constant 0 : i32
    %c0_i32_1 = arith.constant 0 : i32
    return %c0_i32, %c0_i32_0 : i32, i32
  }
  func.func @transform_6(%arg0: i32) -> (i32, i32) {
    %c0_i32 = arith.constant 0 : i32
    %c0_i32_0 = arith.constant 0 : i32
    return %arg0, %c0_i32 : i32, i32
  }
  func.func @transform_7(%arg0: i32) -> (i32, i32) {
    %c0_i32 = arith.constant 0 : i32
    %c0_i32_0 = arith.constant 0 : i32
    return %arg0, %c0_i32 : i32, i32
  }
}

module attributes {stable_mosaic.version = 14 : i64} {
  func.func @_tc3_body(%arg0: i32, %arg1: memref<1024x128xf32, #tpu.memory_space<vmem>>, %arg2: memref<2x1024x128xf32, #tpu.memory_space<vmem>>, %arg3: memref<2x1024xf32, #tpu.memory_space<vmem>>, %arg4: memref<1024x128xf32, #tpu.memory_space<vmem>>) attributes {dimension_semantics = [#tpu.dimension_semantics<arbitrary>], iteration_bounds = array<i64: 10>, scalar_prefetch = 0 : i64, scratch_operands = 0 : i64, tpu.core_type = #tpu.core_type<tc>, window_params = [{transform_indices = @transform_0, window_bounds = array<i64: 1024, 128>}, {transform_indices = @transform_1, window_bounds = array<i64: 2, 1024, 128>}, {transform_indices = @transform_2, window_bounds = array<i64: 2, 1024>}, {transform_indices = @transform_3, window_bounds = array<i64: 1024, 128>}]} {
    %get3A = arith.constant 0 : index
    %get3A_0 = arith.constant 0 : index
    %get3A_1 = arith.constant 0 : index
    %get3A_2 = vector.load %arg2[%get3A, %get3A_0, %get3A_1] : memref<2x1024x128xf32, #tpu.memory_space<vmem>>, vector<1x1024x128xf32>
    %get3A_3 = vector.shape_cast %get3A_2 : vector<1x1024x128xf32> to vector<1024x128xf32>
    %get3A_4 = arith.constant 1 : index
    %get3A_5 = arith.constant 0 : index
    %get3A_6 = arith.constant 0 : index
    %get3A_7 = vector.load %arg2[%get3A_4, %get3A_5, %get3A_6] : memref<2x1024x128xf32, #tpu.memory_space<vmem>>, vector<1x1024x128xf32>
    %get3A_8 = vector.shape_cast %get3A_7 : vector<1x1024x128xf32> to vector<1024x128xf32>
    %add3A = arith.addf %get3A_3, %get3A_8 : vector<1024x128xf32>
    %get3A_9 = arith.constant 0 : index
    %get3A_10 = arith.constant 0 : index
    %get3A_11 = vector.load %arg3[%get3A_9, %get3A_10] : memref<2x1024xf32, #tpu.memory_space<vmem>>, vector<1x1024xf32>
    %get3A_12 = vector.shape_cast %get3A_11 : vector<1x1024xf32> to vector<1024xf32>
    %get3A_13 = arith.constant 1 : index
    %get3A_14 = arith.constant 0 : index
    %get3A_15 = vector.load %arg3[%get3A_13, %get3A_14] : memref<2x1024xf32, #tpu.memory_space<vmem>>, vector<1x1024xf32>
    %get3A_16 = vector.shape_cast %get3A_15 : vector<1x1024xf32> to vector<1024xf32>
    %add3A_17 = arith.addf %get3A_12, %get3A_16 : vector<1024xf32>
    %max3A = arith.constant 1.000000e+00 : f32
    %max3A_18 = vector.broadcast %max3A : f32 to vector<1024xf32>
    %max3A_19 = arith.maximumf %add3A_17, %max3A_18 : vector<1024xf32>
    %div3A = arith.constant 1.000000e+00 : f32
    %div3A_20 = vector.broadcast %div3A : f32 to vector<1024xf32>
    %div3A_21 = arith.divf %div3A_20, %max3A_19 : vector<1024xf32>
    %get3A_22 = arith.constant 0 : index
    %get3A_23 = arith.constant 0 : index
    %get3A_24 = vector.load %arg1[%get3A_22, %get3A_23] : memref<1024x128xf32, #tpu.memory_space<vmem>>, vector<1024x128xf32>
    %broadcast_in_dim3A = vector.shape_cast %div3A_21 : vector<1024xf32> to vector<1024x1xf32>
    %mul3A = vector.broadcast %broadcast_in_dim3A : vector<1024x1xf32> to vector<1024x128xf32>
    %mul3A_25 = arith.mulf %add3A, %mul3A : vector<1024x128xf32>
    %add3A_26 = arith.addf %get3A_24, %mul3A_25 : vector<1024x128xf32>
    %swap3A = arith.constant 0 : index
    %swap3A_27 = arith.constant 0 : index
    %swap3A_28 = vector.load %arg4[%swap3A, %swap3A_27] : memref<1024x128xf32, #tpu.memory_space<vmem>>, vector<1024x128xf32>
    tpu.vector_store %arg4[%swap3A, %swap3A_27], %add3A_26 {strides = array<i32>} : memref<1024x128xf32, #tpu.memory_space<vmem>>, vector<1024x128xf32>,
    return
  }
  func.func @transform_0(%arg0: i32) -> (i32, i32) {
    %c0_i32 = arith.constant 0 : i32
    %c0_i32_0 = arith.constant 0 : i32
    return %arg0, %c0_i32 : i32, i32
  }
  func.func @transform_1(%arg0: i32) -> (i32, i32, i32) {
    %c0_i32 = arith.constant 0 : i32
    %c0_i32_0 = arith.constant 0 : i32
    %c0_i32_1 = arith.constant 0 : i32
    return %c0_i32, %arg0, %c0_i32_0 : i32, i32, i32
  }
  func.func @transform_2(%arg0: i32) -> (i32, i32) {
    %c0_i32 = arith.constant 0 : i32
    %c0_i32_0 = arith.constant 0 : i32
    return %c0_i32, %arg0 : i32, i32
  }
  func.func @transform_3(%arg0: i32) -> (i32, i32) {
    %c0_i32 = arith.constant 0 : i32
    %c0_i32_0 = arith.constant 0 : i32
    return %arg0, %c0_i32 : i32, i32
  }
}

</mosaic_0001>

<sc_bundles>
// kernel: kernel.10.cloned.1.call-start
scs
__scs_entry_jumppad:
0x0: {  	(pc) =	sbr.rel $0x88, $3  }
0x1: {  	(tag) =	ssettag $0x0;
	lr =	simm.s32 $0x1  }
0x2: {  	[smem:$0x3F99] =	sst lr;
	_ =	strace $0xD0000000  }
0x3: {  	_ = 	snop  }
0x4: {  	_ = 	snop  }
0x5: {  	_ = 	snop  }
0x6: {  	_ = 	snop  }
0x7: {  	_ = 	snop  }
__scs_overlays_trampoline_lowered:
0x8: {  	[smem:$0x3FA8] =	sst s0  }
0x9: {  	[smem:$0x3FA9] =	sst s1  }
0xa: {  	[smem:$0x3FAA] =	sst s2  }
0xb: {  	[smem:$0x3FAB] =	sst s3  }
0xc: {  	[smem:$0x3FAC] =	sst s4  }
0xd: {  	[smem:$0x3FAD] =	sst s5  }
0xe: {  	[smem:$0x3FAE] =	sst s6  }
0xf: {  	[smem:$0x3FAF] =	sst s7  }
0x10: {  	[smem:$0x3FB0] =	sst s8  }
0x11: {  	[smem:$0x3FB1] =	sst s9;
	s0 =	simm.s32 @!p0 $0x0  }
0x12: {  	s1 =	sld [smem:$0x3F97];
	s0 =	simm.s32 @p0 $0x1  }
0x13: {  	[smem:$0x3FB2] =	sst s0;
	s0 =	simm.s32 @!p1 $0x0  }
0x14: {  	s2 =	sld [smem:$0x3F96];
	s0 =	simm.s32 @p1 $0x1  }
0x15: {  	[smem:$0x3FB3] =	sst s0;
	s0 =	simm.s32 @!p2 $0x0  }
0x16: {  	s3 =	sld [smem:$0x3FDB];
	s0 =	simm.s32 @p2 $0x1  }
0x17: {  	s4 =	simm.s32 $0x1BF5;
	[smem:$0x3FB5] =	sst s0  }
0x18: {  	s0 =	sld [smem:$0x3F98];
	_ =	swait.ge [sflag:s4], $0x0  }
0x19: {  	s7 =	sld [smem:$0x3F99]  }
0x1a: {  	s8 =	sadd.s32 $0xFFFFE003, lr  }
0x1b: {  	s9 =	sadd.s32 $0xFFFFFEF7, lr;
	s5 =	simm.s32 $0xFFFFFFFF;
	p2 =	slt.u32 s8, $0xFFFFF086  }
0x1c: {  	p1 =	slt.u32 s9, $0xF7A;
	s5 =	simm.s32 @!p2 $0x0  }
0x1d: {  	s5 =	simm.s32 @p1 $0x1;
	p0 =	seq.s32 s7, s2  }
0x1e: {  	s7 =	smul.u32 @!p0 $0xF7A, s2;
	p2 =	seq.s32 @!p0 s5, $0x0  }
0x1f: {  	s9 =	smul.u32 $0xF7A, s1;
	s8 =	simm.s32 @!p0 $0x1BF5;
	p2 =	por !p2, p0  }
0x20: {  	[sflag:s8] =	ssyncset.s32 @!p0 $0xFFFFF086;
	s6 =	sadd.s32 @!p0 s3, s7;
	s7 =	simm.s32 @!p0 $0x108  }
0x21: {  	s3 =	sadd.s32 s3, s9;
	s6 =	sadd.s32 @!p0 $0x88, s6;
	s7 =	simm.s32 @p2 $0x1082  }
0x22: {  	[simem:s7], [sflag:s8] =	dma.local @!p0 [hbm:s6], $0xF7A  }
0x23: {  	s9 =	sor.u32 $0xD0000000, s2;
	s6 =	simm.s32 $0x108;
	_ =	swait.ge @!p0 [sflag:s8], $0x0  }
0x24: {  	s3 =	sadd.s32 $0x88, s3;
	s6 =	simm.s32 @!p1 $0x1082;
	[sflag:s4] =	ssyncset.s32 $0xFFFFF086  }
0x25: {  	[simem:s6], [sflag:s4] =	dma.local [hbm:s3], $0xF7A  }
0x26: {  	[smem:$0x3F99] =	sst s1;
	(tag) =	ssettag s2;
	_ =	strace s9  }
0x27: {  	s1 =	sld [smem:$0x3FA9]  }
0x28: {  	s2 =	sld [smem:$0x3FAA]  }
0x29: {  	s4 =	sld [smem:$0x3FAC]  }
0x2a: {  	p0 =	seq.s32 s5, $0x0;
	s5 =	sld [smem:$0x3FAD]  }
0x2b: {  	s6 =	sld [smem:$0x3FAE]  }
0x2c: {  	s7 =	sld [smem:$0x3FAF]  }
0x2d: {  	s3 =	simm.s32 $0x108;
	s8 =	sld [smem:$0x3FB0]  }
0x2e: {  	s3 =	simm.s32 @!p0 $0x1082;
	s9 =	sld [smem:$0x3FB1]  }
0x2f: {  	lr =	sadd.s32 s0, s3;
	s0 =	sld [smem:$0x3FA8]  }
0x30: {  	s3 =	sld [smem:$0x3FAB]  }
0x31: {  	[smem:$0x3FB4] =	sst s10  }
0x32: {  	s10 =	sld [smem:$0x3FB2];
	_ =	sdelay $0x3  }
0x33: {  	p0 =	seq.s32 s10, $0x1;
	s10 =	sld [smem:$0x3FB4];
	_ =	sdelay $0x3  }
0x34: {  	[smem:$0x3FB4] =	sst s10  }
0x35: {  	s10 =	sld [smem:$0x3FB3];
	_ =	sdelay $0x3  }
0x36: {  	p1 =	seq.s32 s10, $0x1;
	s10 =	sld [smem:$0x3FB4];
	_ =	sdelay $0x3  }
0x37: {  	[smem:$0x3FB4] =	sst s10  }
0x38: {  	s10 =	sld [smem:$0x3FB5]  }
0x39: {  	_ = 	snop;
	(pc) =	sbr.ind lr, $3  }
0x3a: {  	_ = 	snop  }
0x3b: {  	_ = 	snop  }
0x3c: {  	p2 =	seq.s32 s10, $0x1;
	s10 =	sld [smem:$0x3FB4]  }
0x3d: {  	_ =	shalt  }
0x3e: {  	_ =	shalt  }
0x3f: {  	_ =	shalt  }
0x40: {  	_ =	shalt  }
0x41: {  	_ =	shalt  }
0x42: {  	_ =	shalt  }
0x43: {  	_ =	shalt  }
0x44: {  	_ =	shalt  }
0x45: {  	_ =	shalt  }
0x46: {  	_ =	shalt  }
0x47: {  	_ =	shalt  }
0x48: {  	_ =	shalt  }
0x49: {  	_ =	shalt  }
0x4a: {  	_ =	shalt  }
0x4b: {  	_ =	shalt  }
0x4c: {  	_ =	shalt  }
0x4d: {  	_ =	shalt  }
0x4e: {  	_ =	shalt  }
0x4f: {  	_ =	shalt  }
0x50: {  	_ =	shalt  }
0x51: {  	_ =	shalt  }
0x52: {  	_ =	shalt  }
0x53: {  	_ =	shalt  }
0x54: {  	_ =	shalt  }
0x55: {  	_ =	shalt  }
0x56: {  	_ =	shalt  }
0x57: {  	_ =	shalt  }
0x58: {  	_ =	shalt  }
0x59: {  	_ =	shalt  }
0x5a: {  	_ =	shalt  }
0x5b: {  	_ =	shalt  }
0x5c: {  	_ =	shalt  }
0x5d: {  	_ =	shalt  }
0x5e: {  	_ =	shalt  }
0x5f: {  	_ =	shalt  }
0x60: {  	_ =	shalt  }
0x61: {  	_ =	shalt  }
0x62: {  	_ =	shalt  }
0x63: {  	_ =	shalt  }
0x64: {  	_ =	shalt  }
0x65: {  	_ =	shalt  }
0x66: {  	_ =	shalt  }
0x67: {  	_ =	shalt  }
0x68: {  	_ =	shalt  }
0x69: {  	_ =	shalt  }
0x6a: {  	_ =	shalt  }
0x6b: {  	_ =	shalt  }
0x6c: {  	_ =	shalt  }
0x6d: {  	_ =	shalt  }
0x6e: {  	_ =	shalt  }
0x6f: {  	_ =	shalt  }
0x70: {  	_ =	shalt  }
0x71: {  	_ =	shalt  }
0x72: {  	_ =	shalt  }
0x73: {  	_ =	shalt  }
0x74: {  	_ =	shalt  }
0x75: {  	_ =	shalt  }
0x76: {  	_ =	shalt  }
0x77: {  	_ =	shalt  }
0x78: {  	_ =	shalt  }
0x79: {  	_ =	shalt  }
0x7a: {  	_ =	shalt  }
0x7b: {  	_ =	shalt  }
0x7c: {  	_ =	shalt  }
0x7d: {  	_ =	shalt  }
0x7e: {  	_ =	shalt  }
0x7f: {  	_ =	shalt  }
0x80: {  	_ =	shalt  }
0x81: {  	_ =	shalt  }
0x82: {  	_ =	shalt  }
0x83: {  	_ =	shalt  }
0x84: {  	_ =	shalt  }
0x85: {  	_ =	shalt  }
0x86: {  	_ =	shalt  }
0x87: {  	_ =	shalt  }
.Lfunc_end0:
.L_simem_size_0:
called_computation.1_lowered:
.L_overlay_start_0:
0x88: {  	s2 =	sld [smem:$0x3FD9]  }
0x89: {  	s3 =	sld [smem:$0x3FFE];
	_ =	sdelay $0x1  }
0x8a: {  	s1 =	srdreg.scid  }
0x8b: {  	s0 =	sand.u32 $0x1, s1  }
0x8c: {  	s17 =	sshll.u32 s0, $0xA;
	s2 =	sadd.s32 s3, s2  }
0x8d: {  	s2 =	sadd.s32 s2, s17  }
0x8e: {  	[smem:$0x3FC0] =	sst s2  }
0x8f: {  	_ = 	snop  }
0x90: {  	s2 =	sld [smem:$0x3FD0];
	(tm) =	ssettm $0x1  }
0x91: {  	s18 =	sld [smem:$0x3FFB];
	_ =	sdelay $0x3  }
0x92: {  	_ =	strace s18  }
0x93: {  	s3 =	sld [smem:$0x3FFC];
	_ =	sdelay $0x3  }
0x94: {  	_ =	strace s3  }
0x95: {  	s3 =	sld [smem:$0x3FFD];
	_ =	sdelay $0x3  }
0x96: {  	_ =	strace s3  }
0x97: {  	_ =	strace $0x8FFFFFFF  }
0x98: {  	s19 =	sld [smem:$0x3FDB];
	_ =	sdelay $0x1  }
0x99: {  	s4 =	simm.s32 $_scs_section_size  }
0x9a: {  	s5 =	simm.s32 $_size__tile_overlayer_lowered;
	s6 =	simm.s32 $_tile_overlayer_lowered  }
0x9b: {  	s22 =	simm.s32 $0x1BFF;
	s21 =	sshll.u32 s6, $0x1;
	s3 =	sadd.s32 s4, s19  }
0x9c: {  	s7 =	simm.s32 $0x0;
	s20 =	sshll.u32 s5, $0x1;
	s5 =	sadd.s32 s21, s3  }
0x9d: {  	[timem:s7], [sflag:s22] =	dma.local [hbm:s5], s20  }
0x9e: {  	_ =	swait.ge [sflag:s22], s20  }
0x9f: {  	s4 =	ssub.s32 $0x0, s20;
	[sflag:s22] =	ssyncset.done $0x0  }
0xa0: {  	[sflag:s22] =	ssyncadd.s32 s4;
	_ =	sdelay $0x1  }
0xa1: {  	s23 =	simm.s32 $0x1B8B  }
0xa2: {  	_ =	swait.ge [sflag:s23], $0x1  }
0xa3: {  	[sflag:s23] =	ssyncset.done $0x0  }
0xa4: {  	s25 =	simm.s32 $0x1B8E;
	s24 =	sld [smem:$0x3FFE];
	[sflag:s23] =	ssyncadd.s32 $0xFFFFFFFF  }
0xa5: {  	s26 =	simm.s32 $execute0_lowered;
	[smem:$0x3FD2] =	sst s25  }
0xa6: {  	s5 =	sshll.u32 s26, $0x1;
	_ =	strace $0x80000049;
	[dreg:$0x1] =	wrdreg $0xFFFFFFFF  }
0xa7: {  	s28 =	simm.s32 $_size_execute0_lowered;
	s3 =	sadd.s32 s3, s5;
	[dreg:$0x0] =	wrdreg $0x0  }
0xa8: {  	s5 =	sshll.u32 s28, $0x1;
	[dreg:$0x2] =	wrdreg s3  }
0xa9: {  	[dreg:$0x3] =	wrdreg s5  }
0xaa: {  	[dreg:$0x4] =	wrdreg $0xC0  }
0xab: {  	_ =	task [dreg:s7], $0x5FFFF  }
0xac: {  	[dreg:$0x1] =	wrdreg $0xFFFFFFFF  }
0xad: {  	[dreg:$0x0] =	wrdreg $0x60  }
0xae: {  	[dreg:$0x2] =	wrdreg s24  }
0xaf: {  	[dreg:$0x3] =	wrdreg s2  }
0xb0: {  	[dreg:$0x4] =	wrdreg $0x0  }
0xb1: {  	[dreg:$0x5] =	wrdreg $0x9  }
0xb2: {  	_ =	task.clear_ibuf [dreg:s7], $0x6FFFF;
	_ =	strace $0x90000049  }
0xb3: {  	s29 =	simm.s32 $0x9;
	_ =	strace $0x8000004B  }
0xb4: {  	_ =	swait.ge [sflag:s29], $0x1  }
0xb5: {  	[sflag:s29] =	ssyncadd.s32 $0xFFFFFFFF  }
0xb6: {  	_ =	strace $0x9000004B  }
0xb7: {  	_ =	sfence  }
0xb8: {  	s30 =	sld [smem:$0x0];
	_ =	sdelay $0x2  }
0xb9: {  	s31 =	sshll.u32 s1, $0xD;
	s1 =	sshrl.u32 s1, $0x2  }
0xba: {  	s3 =	sand.u32 $0x4000, s31;
	s1 =	sadd.s32 s1, s30  }
0xbb: {  	s0 =	sor.u32 s3, s0;
	s1 =	sshll.u32 s1, $0x11  }
0xbc: {  	s0 =	sor.u32 s1, s0  }
0xbd: {  	s0 =	sadd.s32 $0x8F2B, s0  }
0xbe: {  	[sflag:s0] =	ssyncadd.remote.s32 $0x1  }
0xbf: {  	_ =	sfence.sel $0xFFFF  }
0xc0: {  	[dreg:$0x0] =	wrdreg $0xFFFFFFFF;
	(pc) =	sbr.abs _section_cstart, $3  }
0xc1: {  	[dreg:$0x1] =	wrdreg $0xFFFFFFFF  }
0xc2: {  	_ =	task.clear_ibuf [dreg:s7], $0x2FFFF;
	_ =	strace $0x9FFFFFFF  }
0xc3: {  	(tm) =	ssettm $0x7FFFFFFF  }
tec
execute0_lowered:
.L_overlay_start_1:
0x0: {  	(tag) =	ssettag $0x1  }
0x1: {  	s0 =	rddreg [dreg:$0x0]  }
0x2: {  	s1 =	rddreg [dreg:$0x1];
	s3 =	srdreg.scid  }
0x3: {  	s2 =	rddreg [dreg:$0x2];
	s9 =	stileid.u32;
	s28 =	simm.s32 $0x1E180  }
0x4: {  	s29 =	simm.s32 $0x1B780;
	s30 =	simm.s32 $0x2;
	s31 =	simm.s32 $0x1E100  }
0x5: {  	s16 =	simm.s32 $0x3;
	s17 =	simm.s32 $0x1E200;
	s18 =	simm.s32 $0x5  }
0x6: {  	s5 =	sand.u32 $0x1, s3;
	s3 =	simm.s32 $0x0;
	s6 =	smul.u32 $0x2800, s9  }
0x7: {  	s19 =	sshll.u32 s9, $0x7;
	s4 =	sshll.u32 s5, $0x4;
	[smem:$0x7FF] =	sst s3  }
0x8: {  	s7 =	smul.u32 $0x28000, s5;
	s5 =	ssub.s32 $0x2, s5;
	s20 =	sand.u32 $0x380, s19  }
0x9: {  	s19 =	simm.s32 $0x7;
	s4 =	sor.u32 s9, s4;
	_ =	strace $0x8000004A  }
0xa: {  	s9 =	smul.u32 $0x50000, s9;
	s21 =	sshrl.u32 s5, $0x1;
	s8 =	sshrl.u32 s4, $0x3  }
0xb: {  	s4 =	sadd.s32 $0x2600, s0;
	s6 =	sadd.s32 s6, s7;
	s7 =	ssub.s32 s5, s21  }
0xc: {  	s21 =	simm.s32 $0x50;
	s8 =	smul.u32 $0x13C00, s8;
	s22 =	sshrl.u32 s9, $0x2  }
0xd: {  	s0 =	sadd.s32 s6, s0;
	s15 =	smax.u32 s7, $0x1;
	s5 =	sadd.s32 s22, s2  }
0xe: {  	s14 =	sadd.s32 $0x2B000, s0;
	s22 =	simm.s32 $0x1DF80;
	s0 =	simm.s32 $0x4  }
0xf: {  	s6 =	sor.u32 s20, s8;
	s23 =	sadd.s32 $0x2800, s5;
	s24 =	sadd.s32 $0x5000, s5  }
0x10: {  	s25 =	sadd.s32 $0x7800, s5;
	s26 =	sadd.s32 $0xA000, s5;
	[dreg:$0x5] =	wrdreg s23  }
0x11: {  	s11 =	sadd.s32 $0xC800, s5;
	s12 =	sadd.s32 $0xF000, s5;
	[dreg:$0x6] =	wrdreg s24  }
0x12: {  	s13 =	sadd.s32 $0x11800, s5;
	s20 =	simm.s32 $0x16780;
	[dreg:$0x7] =	wrdreg s25  }
0x13: {  	s6 =	sshrl.u32 s6, $0x3;
	[dreg:$0x8] =	wrdreg s26;
	s23 =	simm.s32 $0x1E080  }
0x14: {  	s24 =	simm.s32 $0x18F80;
	s25 =	simm.s32 $0x1;
	s1 =	sadd.s32 s1, s6  }
0x15: {  	v0 =	vimm.f32 $0.0e+00;
	s26 =	simm.s32 $0x1E000;
	[dreg:$0x4] =	wrdreg s1;
	s1 =	simm.s32 $0x6  }
.LBB2_1:
0x16: {  	s6 =	rddreg [dreg:$0x4]  }
0x17: {  	s7 =	simm.s32 $0x80;
	s8 =	simm.s32 $0x400;
	s9 =	simm.s32 $0x14000  }
0x18: {  	[tilespmem:s9], [sflag:$0x7] =	stream.strided.gather [hbm4b:s6+s7], $0x2780, s8, s7, $0x38;
	[tilespmem:$0x1E500] =	vst v63  }
0x19: {  	_ =	swait.ge [sflag:s19], $0x2780  }
0x1a: {  	[sflag:s19] =	ssyncset.done $0x0  }
0x1b: {  	s6 =	simm.s32 $0x0;
	s7 =	simm.s32 $0x200;
	[sflag:s19] =	ssyncadd.s32 $0xFFFFD880  }
.LBB2_2:
0x1c: {  	p0 =	sne.s32 s7, $0x9E00;
	[tilespmem:s6+$0x167F0] =	vst v0  }
0x1d: {  	[tilespmem:s6+$0x16780] =	vst v0  }
0x1e: {  	[tilespmem:s6+$0x16790] =	vst v0  }
.Ltmp0:
0x1f: {  	[tilespmem:s6+$0x167A0] =	vst v0;
	(pc) =	sbr.rel @p0 .LBB2_2-.Ltmp0, $4  }
0x20: {  	[tilespmem:s6+$0x167B0] =	vst v0  }
0x21: {  	[tilespmem:s6+$0x167C0] =	vst v0  }
0x22: {  	[tilespmem:s6+$0x167D0] =	vst v0  }
0x23: {  	[tilespmem:s6+$0x167E0] =	vst v0;
	s6 =	sshra.s32 s7, $0x2;
	s7 =	sadd.s32 $0x200, s7  }
0x24: {  	[tilespmem:s6+$0x167F0] =	vst v0  }
0x25: {  	[tilespmem:s6+$0x16780] =	vst v0  }
0x26: {  	[tilespmem:s6+$0x16790] =	vst v0  }
0x27: {  	[tilespmem:s6+$0x167A0] =	vst v0  }
0x28: {  	[tilespmem:s6+$0x167B0] =	vst v0  }
0x29: {  	[tilespmem:s6+$0x167C0] =	vst v0  }
0x2a: {  	[tilespmem:s6+$0x167D0] =	vst v0  }
0x2b: {  	[tilespmem:s6+$0x167E0] =	vst v0  }
0x2c: {  	[tilespmem:$0x1E280] =	vst v0  }
0x2d: {  	[tilespmem:$0x1E290] =	vst v0  }
0x2e: {  	[tilespmem:$0x1E2A0] =	vst v0  }
0x2f: {  	[tilespmem:$0x1E2B0] =	vst v0  }
0x30: {  	[tilespmem:$0x1E2C0] =	vst v0  }
0x31: {  	[tilespmem:$0x1E2D0] =	vst v0  }
0x32: {  	[tilespmem:$0x1E2E0] =	vst v0  }
0x33: {  	[tilespmem:$0x1E2F0] =	vst v0  }
0x34: {  	[tilespmem:$0x1E300] =	vst v0  }
0x35: {  	[tilespmem:$0x1E310] =	vst v0  }
0x36: {  	[tilespmem:$0x1E320] =	vst v0  }
0x37: {  	[tilespmem:$0x1E330] =	vst v0  }
0x38: {  	[tilespmem:$0x1E340] =	vst v0  }
0x39: {  	[tilespmem:$0x1E350] =	vst v0  }
0x3a: {  	[tilespmem:$0x1E360] =	vst v0  }
0x3b: {  	[tilespmem:$0x1E370] =	vst v0  }
0x3c: {  	[tilespmem:$0x1E380] =	vst v0  }
0x3d: {  	[tilespmem:$0x1E390] =	vst v0  }
0x3e: {  	[tilespmem:$0x1E3A0] =	vst v0  }
0x3f: {  	[tilespmem:$0x1E3B0] =	vst v0  }
0x40: {  	[tilespmem:$0x1E3C0] =	vst v0  }
0x41: {  	[tilespmem:$0x1E3D0] =	vst v0  }
0x42: {  	[tilespmem:$0x1E3E0] =	vst v0  }
0x43: {  	[tilespmem:$0x1E3F0] =	vst v0  }
0x44: {  	[tilespmem:$0x1E400] =	vst v0  }
0x45: {  	[tilespmem:$0x1E410] =	vst v0  }
0x46: {  	[tilespmem:$0x1E420] =	vst v0  }
0x47: {  	[tilespmem:$0x1E430] =	vst v0  }
0x48: {  	[tilespmem:$0x1E440] =	vst v0  }
0x49: {  	[tilespmem:$0x1E450] =	vst v0  }
0x4a: {  	[tilespmem:$0x1E460] =	vst v0  }
0x4b: {  	[tilespmem:$0x1E470] =	vst v0  }
0x4c: {  	[tilespmem:$0x1E480] =	vst v0  }
0x4d: {  	[tilespmem:$0x1E490] =	vst v0  }
0x4e: {  	[tilespmem:$0x1E4A0] =	vst v0  }
0x4f: {  	[tilespmem:$0x1E4B0] =	vst v0  }
0x50: {  	[tilespmem:$0x1E4C0] =	vst v0  }
0x51: {  	[tilespmem:$0x1E4D0] =	vst v0  }
0x52: {  	[tilespmem:$0x1E4E0] =	vst v0  }
0x53: {  	[tilespmem:$0x1E4F0] =	vst v0  }
0x54: {  	[spmem:s5] =	stream.linear.scatter [tilespmem:s20], [sflag:$0x7], $0x2800, $0x38;
	[tilespmem:$0x1E500] =	vst v63  }
0x55: {  	_ =	swait.ge [sflag:s19], $0x2800  }
0x56: {  	[sflag:s19] =	ssyncset.done $0x0  }
0x57: {  	s10 =	rddreg [dreg:$0x5];
	[sflag:s19] =	ssyncadd.s32 $0xFFFFD800  }
0x58: {  	[spmem:s10] =	stream.linear.scatter [tilespmem:s20], [sflag:$0x7], $0x2800, $0x38;
	[tilespmem:$0x1E500] =	vst v63  }
0x59: {  	_ =	swait.ge [sflag:s19], $0x2800  }
0x5a: {  	[sflag:s19] =	ssyncset.done $0x0  }
0x5b: {  	s7 =	rddreg [dreg:$0x6];
	[sflag:s19] =	ssyncadd.s32 $0xFFFFD800  }
0x5c: {  	[spmem:s7] =	stream.linear.scatter [tilespmem:s20], [sflag:$0x7], $0x2800, $0x38;
	[tilespmem:$0x1E500] =	vst v63  }
0x5d: {  	_ =	swait.ge [sflag:s19], $0x2800  }
0x5e: {  	[sflag:s19] =	ssyncset.done $0x0  }
0x5f: {  	s8 =	rddreg [dreg:$0x7];
	[sflag:s19] =	ssyncadd.s32 $0xFFFFD800  }
0x60: {  	[spmem:s8] =	stream.linear.scatter [tilespmem:s20], [sflag:$0x7], $0x2800, $0x38;
	[tilespmem:$0x1E500] =	vst v63  }
0x61: {  	_ =	swait.ge [sflag:s19], $0x2800  }
0x62: {  	[sflag:s19] =	ssyncset.done $0x0  }
0x63: {  	s9 =	rddreg [dreg:$0x8];
	[sflag:s19] =	ssyncadd.s32 $0xFFFFD800  }
0x64: {  	[spmem:s9] =	stream.linear.scatter [tilespmem:s20], [sflag:$0x7], $0x2800, $0x38;
	[tilespmem:$0x1E500] =	vst v63  }
0x65: {  	_ =	swait.ge [sflag:s19], $0x2800  }
0x66: {  	[sflag:s19] =	ssyncset.done $0x0  }
0x67: {  	[sflag:s19] =	ssyncadd.s32 $0xFFFFD800  }
0x68: {  	[spmem:s11] =	stream.linear.scatter [tilespmem:s20], [sflag:$0x7], $0x2800, $0x38;
	[tilespmem:$0x1E500] =	vst v63  }
0x69: {  	_ =	swait.ge [sflag:s19], $0x2800  }
0x6a: {  	[sflag:s19] =	ssyncset.done $0x0  }
0x6b: {  	[sflag:s19] =	ssyncadd.s32 $0xFFFFD800  }
0x6c: {  	[spmem:s12] =	stream.linear.scatter [tilespmem:s20], [sflag:$0x7], $0x2800, $0x38;
	[tilespmem:$0x1E500] =	vst v63  }
0x6d: {  	_ =	swait.ge [sflag:s19], $0x2800  }
0x6e: {  	[sflag:s19] =	ssyncset.done $0x0  }
0x6f: {  	[sflag:s19] =	ssyncadd.s32 $0xFFFFD800  }
0x70: {  	[spmem:s13] =	stream.linear.scatter [tilespmem:s20], [sflag:$0x7], $0x2800, $0x38;
	[tilespmem:$0x1E500] =	vst v63  }
0x71: {  	_ =	swait.ge [sflag:s19], $0x2800  }
0x72: {  	[sflag:s19] =	ssyncset.done $0x0  }
0x73: {  	[sflag:s19] =	ssyncadd.s32 $0xFFFFD800  }
0x74: {  	v1 =	vld [tilespmem:$0x14000];
	_ =	sdelay $0x1  }
0x75: {  	v2 =	vld [tilespmem:$0x14010];
	_ =	sdelay $0x1  }
0x76: {  	v3 =	vld [tilespmem:$0x14020]  }
0x77: {  	v4 =	vand.u32 $0xFFFF, v1  }
0x78: {  	v61 =	vld [tilespmem:$0x14030];
	v1 =	vshra.s32 v1, $0x10;
	[tilespmem:$0x1DF80] =	vst v4  }
0x79: {  	[tilespmem:$0x1E000] =	vst v1;
	v1 =	vand.u32 $0xFFFF, v2  }
0x7a: {  	[tilespmem:$0x1DF90] =	vst v1;
	v1 =	vshra.s32 v2, $0x10;
	v2 =	vld [tilespmem:$0x14040]  }
0x7b: {  	[tilespmem:$0x1E010] =	vst v1;
	v1 =	vand.u32 $0xFFFF, v3  }
0x7c: {  	[tilespmem:$0x1DFA0] =	vst v1;
	v1 =	vshra.s32 v3, $0x10;
	v3 =	vld [tilespmem:$0x14050]  }
0x7d: {  	[tilespmem:$0x1E020] =	vst v1;
	v1 =	vand.u32 $0xFFFF, v61  }
0x7e: {  	v62 =	vld [tilespmem:$0x14060];
	[tilespmem:$0x1DFB0] =	vst v1;
	v1 =	vshra.s32 v61, $0x10  }
0x7f: {  	[tilespmem:$0x1E030] =	vst v1;
	v1 =	vand.u32 $0xFFFF, v2  }
0x80: {  	[tilespmem:$0x1DFC0] =	vst v1;
	v1 =	vshra.s32 v2, $0x10;
	v2 =	vld [tilespmem:$0x14070]  }
0x81: {  	[tilespmem:$0x1E040] =	vst v1;
	v1 =	vand.u32 $0xFFFF, v3  }
0x82: {  	[tilespmem:$0x1E080] =	vst v1;
	v1 =	vshra.s32 v3, $0x10;
	v3 =	vld [tilespmem:$0x14080]  }
0x83: {  	[tilespmem:$0x1E100] =	vst v1;
	v1 =	vand.u32 $0xFFFF, v62  }
0x84: {  	v63 =	vld [tilespmem:$0x14090];
	[tilespmem:$0x1E090] =	vst v1;
	v1 =	vshra.s32 v62, $0x10  }
0x85: {  	[tilespmem:$0x1E110] =	vst v1;
	v1 =	vand.u32 $0xFFFF, v2  }
0x86: {  	[tilespmem:$0x1E0A0] =	vst v1;
	v1 =	vshra.s32 v2, $0x10  }
0x87: {  	[tilespmem:$0x1E120] =	vst v1;
	v1 =	vand.u32 $0xFFFF, v3  }
0x88: {  	[tilespmem:$0x1E0B0] =	vst v1;
	v1 =	vshra.s32 v3, $0x10  }
0x89: {  	[tilespmem:$0x1E130] =	vst v1;
	v1 =	vand.u32 $0xFFFF, v63  }
0x8a: {  	[tilespmem:$0x1E0C0] =	vst v1;
	v1 =	vshra.s32 v63, $0x10  }
0x8b: {  	[tilespmem:$0x1E140] =	vst v1  }
0x8c: {  	[tilespmem:s20], [sflag:$0x1] =	stream.indirect.gather [hbm4b:s4+s21], $0x80, s22, s21, $0xb8;
	[tilespmem:$0x1E500] =	vst v63  }
0x8d: {  	_ = 	snop  }
0x8e: {  	[tilespmem:s24], [sflag:$0x2] =	stream.indirect.gather [hbm4b:s4+s21], $0x80, s23, s21, $0xb8;
	[tilespmem:$0x1E500] =	vst v63  }
0x8f: {  	[bflag:$0x0] =	sbarrier.arrive $0xFFFF  }
0x90: {  	_ =	swait.ge [sflag:s25], $0x2800  }
0x91: {  	p0 =	por $0x1, $0x1;
	[sflag:s25] =	ssyncset.done $0x0  }
0x92: {  	s7 =	simm.s32 @!p0 $0x6;
	[sflag:s25] =	ssyncadd.s32 $0xFFFFD800  }
0x93: {  	[spmem:s2] =	stream.indirect.scatter.add.f32 [tilespmem:s20], [sflag:$0x4], $0x80, s26, s21, $0xb8;
	[tilespmem:$0x1E500] =	vst v63  }
0x94: {  	_ =	swait.ge @!p0 [sflag:s7], $0x2800  }
0x95: {  	[sflag:s7] =	ssyncset.done @!p0 $0x0  }
0x96: {  	s6 =	simm.s32 $0x140C0;
	[sflag:s7] =	ssyncadd.s32 @!p0 $0xFFFFD800  }
0x97: {  	v1 =	vld [tilespmem:s6+$0xFFFFFFE0];
	_ =	sdelay $0x4  }
0x98: {  	v2 =	vshra.s32 v1, $0x10  }
0x99: {  	v1 =	vand.u32 $0xFFFF, v1;
	[tilespmem:$0x1E200] =	vst v2  }
0x9a: {  	[tilespmem:$0x1E180] =	vst v1  }
0x9b: {  	v1 =	vld [tilespmem:s6+$0xFFFFFFF0];
	_ =	sdelay $0x4  }
0x9c: {  	v2 =	vand.u32 $0xFFFF, v1  }
0x9d: {  	v1 =	vshra.s32 v1, $0x10;
	[tilespmem:$0x1E190] =	vst v2  }
0x9e: {  	[tilespmem:$0x1E210] =	vst v1  }
0x9f: {  	v1 =	vld [tilespmem:s6+$0x0];
	_ =	sdelay $0x4  }
0xa0: {  	v2 =	vand.u32 $0xFFFF, v1  }
0xa1: {  	v1 =	vshra.s32 v1, $0x10;
	[tilespmem:$0x1E1A0] =	vst v2  }
0xa2: {  	[tilespmem:$0x1E220] =	vst v1  }
0xa3: {  	v1 =	vld [tilespmem:s6+$0x10];
	_ =	sdelay $0x4  }
0xa4: {  	v2 =	vand.u32 $0xFFFF, v1  }
0xa5: {  	v1 =	vshra.s32 v1, $0x10;
	[tilespmem:$0x1E1B0] =	vst v2  }
0xa6: {  	[tilespmem:$0x1E230] =	vst v1  }
0xa7: {  	v1 =	vld [tilespmem:s6+$0x20];
	_ =	sdelay $0x4  }
0xa8: {  	v2 =	vand.u32 $0xFFFF, v1  }
0xa9: {  	v1 =	vshra.s32 v1, $0x10;
	[tilespmem:$0x1E1C0] =	vst v2  }
0xaa: {  	[tilespmem:$0x1E240] =	vst v1  }
0xab: {  	[tilespmem:s29], [sflag:$0x3] =	stream.indirect.gather [hbm4b:s4+s21], $0x80, s28, s21, $0xb8;
	[tilespmem:$0x1E500] =	vst v63  }
0xac: {  	_ =	swait.ge [sflag:s30], $0x2800  }
0xad: {  	[sflag:s30] =	ssyncset.done $0x0  }
0xae: {  	[sflag:s30] =	ssyncadd.s32 $0xFFFFD800  }
0xaf: {  	[spmem:s2] =	stream.indirect.scatter.add.f32 [tilespmem:s24], [sflag:$0x5], $0x80, s31, s21, $0xb8;
	[tilespmem:$0x1E500] =	vst v63  }
0xb0: {  	_ =	swait.ge [sflag:s0], $0x2800  }
0xb1: {  	[sflag:s0] =	ssyncset.done $0x0  }
0xb2: {  	[sflag:s0] =	ssyncadd.s32 $0xFFFFD800  }
0xb3: {  	v1 =	vld [tilespmem:s6+$0x30];
	_ =	sdelay $0x4  }
0xb4: {  	v2 =	vand.u32 $0xFFFF, v1  }
0xb5: {  	s10 =	simm.s32 $0x0;
	v1 =	vshra.s32 v1, $0x10;
	[tilespmem:$0x1DF80] =	vst v2  }
0xb6: {  	s9 =	sand.u32 $0x3FF0, s10;
	[tilespmem:$0x1E000] =	vst v1  }
0xb7: {  	v1 =	vld [tilespmem:s9+$0x14100];
	_ =	sdelay $0x4  }
0xb8: {  	v2 =	vand.u32 $0xFFFF, v1  }
0xb9: {  	v1 =	vshra.s32 v1, $0x10;
	[tilespmem:$0x1DF90] =	vst v2  }
0xba: {  	[tilespmem:$0x1E010] =	vst v1  }
0xbb: {  	v1 =	vld [tilespmem:s6+$0x50];
	_ =	sdelay $0x4  }
0xbc: {  	v2 =	vand.u32 $0xFFFF, v1  }
0xbd: {  	v1 =	vshra.s32 v1, $0x10;
	[tilespmem:$0x1DFA0] =	vst v2  }
0xbe: {  	[tilespmem:$0x1E020] =	vst v1  }
0xbf: {  	v1 =	vld [tilespmem:s6+$0x60];
	_ =	sdelay $0x4  }
0xc0: {  	v2 =	vand.u32 $0xFFFF, v1  }
0xc1: {  	v1 =	vshra.s32 v1, $0x10;
	[tilespmem:$0x1DFB0] =	vst v2  }
0xc2: {  	[tilespmem:$0x1E030] =	vst v1  }
0xc3: {  	v1 =	vld [tilespmem:s6+$0x70];
	_ =	sdelay $0x4  }
0xc4: {  	v2 =	vand.u32 $0xFFFF, v1  }
0xc5: {  	v1 =	vshra.s32 v1, $0x10;
	[tilespmem:$0x1DFC0] =	vst v2  }
0xc6: {  	[tilespmem:$0x1E040] =	vst v1  }
0xc7: {  	[tilespmem:s20], [sflag:$0x1] =	stream.indirect.gather [hbm4b:s4+s21], $0x80, s22, s21, $0xb8;
	[tilespmem:$0x1E500] =	vst v63  }
0xc8: {  	_ =	swait.ge [sflag:s16], $0x2800  }
0xc9: {  	[sflag:s16] =	ssyncset.done $0x0  }
0xca: {  	[sflag:s16] =	ssyncadd.s32 $0xFFFFD800  }
0xcb: {  	[spmem:s2] =	stream.indirect.scatter.add.f32 [tilespmem:s29], [sflag:$0x6], $0x80, s17, s21, $0xb8;
	[tilespmem:$0x1E500] =	vst v63  }
0xcc: {  	_ =	swait.ge [sflag:s18], $0x2800  }
0xcd: {  	[sflag:s18] =	ssyncset.done $0x0  }
0xce: {  	[sflag:s18] =	ssyncadd.s32 $0xFFFFD800  }
0xcf: {  	v1 =	vld [tilespmem:s6+$0x80];
	_ =	sdelay $0x4  }
0xd0: {  	v2 =	vand.u32 $0xFFFF, v1  }
0xd1: {  	v1 =	vshra.s32 v1, $0x10;
	[tilespmem:$0x1E080] =	vst v2  }
0xd2: {  	[tilespmem:$0x1E100] =	vst v1  }
0xd3: {  	v1 =	vld [tilespmem:s6+$0x90];
	_ =	sdelay $0x4  }
0xd4: {  	v2 =	vand.u32 $0xFFFF, v1  }
0xd5: {  	v1 =	vshra.s32 v1, $0x10;
	[tilespmem:$0x1E090] =	vst v2  }
0xd6: {  	[tilespmem:$0x1E110] =	vst v1  }
0xd7: {  	v1 =	vld [tilespmem:s6+$0xA0];
	_ =	sdelay $0x4  }
0xd8: {  	v2 =	vand.u32 $0xFFFF, v1  }
0xd9: {  	s8 =	simm.s32 $0x140C0;
	s7 =	simm.s32 $0xF0;
	v1 =	vshra.s32 v1, $0x10;
	[tilespmem:$0x1E0A0] =	vst v2  }
.LBB2_4:
0xda: {  	[tilespmem:$0x1E120] =	vst v1;
	s6 =	sadd.s32 $0xF0, s6;
	s10 =	smov.u32 s7;
	s7 =	sadd.s32 $0xF0, s7  }
0xdb: {  	p0 =	sne.s32 s7, $0x2670;
	v1 =	vld [tilespmem:s8+$0xB0];
	s8 =	smov.u32 s6;
	_ =	sdelay $0x4  }
0xdc: {  	v2 =	vand.u32 $0xFFFF, v1;
	v1 =	vshra.s32 v1, $0x10  }
0xdd: {  	[tilespmem:$0x1E0B0] =	vst v2  }
0xde: {  	[tilespmem:$0x1E130] =	vst v1  }
0xdf: {  	v1 =	vld [tilespmem:s9+$0x14180];
	_ =	sdelay $0x4  }
0xe0: {  	v2 =	vand.u32 $0xFFFF, v1;
	v1 =	vshra.s32 v1, $0x10  }
0xe1: {  	[tilespmem:$0x1E0C0] =	vst v2  }
0xe2: {  	[tilespmem:$0x1E140] =	vst v1  }
0xe3: {  	[tilespmem:s24], [sflag:$0x2] =	stream.indirect.gather [hbm4b:s4+s21], $0x80, s23, s21, $0xb8;
	[tilespmem:$0x1E500] =	vst v63  }
0xe4: {  	p1 =	seq.s32 s10, $0x0;
	_ =	swait.ge [sflag:s25], $0x2800  }
0xe5: {  	[sflag:s25] =	ssyncset.done $0x0  }
0xe6: {  	s9 =	simm.s32 @!p1 $0x6;
	[sflag:s25] =	ssyncadd.s32 $0xFFFFD800  }
0xe7: {  	[spmem:s2] =	stream.indirect.scatter.add.f32 [tilespmem:s20], [sflag:$0x4], $0x80, s26, s21, $0xb8;
	[tilespmem:$0x1E500] =	vst v63  }
0xe8: {  	_ =	swait.ge @!p1 [sflag:s9], $0x2800  }
0xe9: {  	[sflag:s9] =	ssyncset.done @!p1 $0x0  }
0xea: {  	[sflag:s9] =	ssyncadd.s32 @!p1 $0xFFFFD800  }
0xeb: {  	v1 =	vld [tilespmem:s6+$0xFFFFFFE0];
	_ =	sdelay $0x4  }
0xec: {  	v2 =	vand.u32 $0xFFFF, v1;
	v1 =	vshra.s32 v1, $0x10  }
0xed: {  	[tilespmem:$0x1E200] =	vst v1  }
0xee: {  	[tilespmem:$0x1E180] =	vst v2  }
0xef: {  	v1 =	vld [tilespmem:s6+$0xFFFFFFF0];
	_ =	sdelay $0x4  }
0xf0: {  	v2 =	vand.u32 $0xFFFF, v1;
	v1 =	vshra.s32 v1, $0x10  }
0xf1: {  	[tilespmem:$0x1E190] =	vst v2  }
0xf2: {  	[tilespmem:$0x1E210] =	vst v1  }
0xf3: {  	v1 =	vld [tilespmem:s6+$0x0];
	_ =	sdelay $0x4  }
0xf4: {  	v2 =	vand.u32 $0xFFFF, v1;
	v1 =	vshra.s32 v1, $0x10  }
0xf5: {  	[tilespmem:$0x1E1A0] =	vst v2  }
0xf6: {  	[tilespmem:$0x1E220] =	vst v1  }
0xf7: {  	v1 =	vld [tilespmem:s6+$0x10];
	_ =	sdelay $0x4  }
0xf8: {  	v2 =	vand.u32 $0xFFFF, v1;
	v1 =	vshra.s32 v1, $0x10  }
0xf9: {  	[tilespmem:$0x1E1B0] =	vst v2  }
0xfa: {  	[tilespmem:$0x1E230] =	vst v1  }
0xfb: {  	v1 =	vld [tilespmem:s6+$0x20];
	_ =	sdelay $0x4  }
0xfc: {  	v2 =	vand.u32 $0xFFFF, v1;
	v1 =	vshra.s32 v1, $0x10  }
0xfd: {  	[tilespmem:$0x1E1C0] =	vst v2  }
0xfe: {  	[tilespmem:$0x1E240] =	vst v1  }
0xff: {  	[tilespmem:s29], [sflag:$0x3] =	stream.indirect.gather [hbm4b:s4+s21], $0x80, s28, s21, $0xb8;
	[tilespmem:$0x1E500] =	vst v63  }
0x100: {  	_ =	swait.ge [sflag:s30], $0x2800  }
0x101: {  	[sflag:s30] =	ssyncset.done $0x0  }
0x102: {  	[sflag:s30] =	ssyncadd.s32 $0xFFFFD800  }
0x103: {  	[spmem:s2] =	stream.indirect.scatter.add.f32 [tilespmem:s24], [sflag:$0x5], $0x80, s31, s21, $0xb8;
	[tilespmem:$0x1E500] =	vst v63  }
0x104: {  	_ =	swait.ge [sflag:s0], $0x2800  }
0x105: {  	[sflag:s0] =	ssyncset.done $0x0  }
0x106: {  	[sflag:s0] =	ssyncadd.s32 $0xFFFFD800  }
0x107: {  	v1 =	vld [tilespmem:s6+$0x30];
	_ =	sdelay $0x4  }
0x108: {  	v2 =	vand.u32 $0xFFFF, v1;
	v1 =	vshra.s32 v1, $0x10  }
0x109: {  	[tilespmem:$0x1DF80] =	vst v2  }
0x10a: {  	s9 =	sand.u32 $0x3FF0, s10;
	[tilespmem:$0x1E000] =	vst v1  }
0x10b: {  	v1 =	vld [tilespmem:s9+$0x14100];
	_ =	sdelay $0x4  }
0x10c: {  	v2 =	vand.u32 $0xFFFF, v1;
	v1 =	vshra.s32 v1, $0x10  }
0x10d: {  	[tilespmem:$0x1DF90] =	vst v2  }
0x10e: {  	[tilespmem:$0x1E010] =	vst v1  }
0x10f: {  	v1 =	vld [tilespmem:s6+$0x50];
	_ =	sdelay $0x4  }
0x110: {  	v2 =	vand.u32 $0xFFFF, v1;
	v1 =	vshra.s32 v1, $0x10  }
0x111: {  	[tilespmem:$0x1DFA0] =	vst v2  }
0x112: {  	[tilespmem:$0x1E020] =	vst v1  }
0x113: {  	v1 =	vld [tilespmem:s6+$0x60];
	_ =	sdelay $0x4  }
0x114: {  	v2 =	vand.u32 $0xFFFF, v1;
	v1 =	vshra.s32 v1, $0x10  }
0x115: {  	[tilespmem:$0x1DFB0] =	vst v2  }
0x116: {  	[tilespmem:$0x1E030] =	vst v1  }
0x117: {  	v1 =	vld [tilespmem:s6+$0x70];
	_ =	sdelay $0x4  }
0x118: {  	v2 =	vand.u32 $0xFFFF, v1;
	v1 =	vshra.s32 v1, $0x10  }
0x119: {  	[tilespmem:$0x1DFC0] =	vst v2  }
0x11a: {  	[tilespmem:$0x1E040] =	vst v1  }
0x11b: {  	[tilespmem:s20], [sflag:$0x1] =	stream.indirect.gather [hbm4b:s4+s21], $0x80, s22, s21, $0xb8;
	[tilespmem:$0x1E500] =	vst v63  }
0x11c: {  	_ =	swait.ge [sflag:s16], $0x2800  }
0x11d: {  	[sflag:s16] =	ssyncset.done $0x0  }
0x11e: {  	[sflag:s16] =	ssyncadd.s32 $0xFFFFD800  }
0x11f: {  	[spmem:s2] =	stream.indirect.scatter.add.f32 [tilespmem:s29], [sflag:$0x6], $0x80, s17, s21, $0xb8;
	[tilespmem:$0x1E500] =	vst v63  }
0x120: {  	_ =	swait.ge [sflag:s18], $0x2800  }
0x121: {  	[sflag:s18] =	ssyncset.done $0x0  }
0x122: {  	[sflag:s18] =	ssyncadd.s32 $0xFFFFD800  }
0x123: {  	v1 =	vld [tilespmem:s6+$0x80];
	_ =	sdelay $0x4  }
0x124: {  	v2 =	vand.u32 $0xFFFF, v1;
	v1 =	vshra.s32 v1, $0x10  }
0x125: {  	[tilespmem:$0x1E080] =	vst v2  }
0x126: {  	[tilespmem:$0x1E100] =	vst v1  }
0x127: {  	v1 =	vld [tilespmem:s6+$0x90];
	_ =	sdelay $0x4  }
0x128: {  	v2 =	vand.u32 $0xFFFF, v1;
	v1 =	vshra.s32 v1, $0x10  }
0x129: {  	[tilespmem:$0x1E090] =	vst v2  }
0x12a: {  	[tilespmem:$0x1E110] =	vst v1  }
0x12b: {  	v1 =	vld [tilespmem:s6+$0xA0];
	_ =	sdelay $0x1  }
.Ltmp1:
0x12c: {  	(pc) =	sbr.rel @p0 .LBB2_4-.Ltmp1, $3  }
0x12d: {  	_ =	sdelay $0x1  }
0x12e: {  	v2 =	vand.u32 $0xFFFF, v1;
	v1 =	vshra.s32 v1, $0x10  }
0x12f: {  	[tilespmem:$0x1E0A0] =	vst v2  }
0x130: {  	[tilespmem:$0x1E120] =	vst v1  }
0x131: {  	v1 =	vld [tilespmem:s8+$0xB0];
	_ =	sdelay $0x4  }
0x132: {  	v2 =	vand.u32 $0xFFFF, v1  }
0x133: {  	v1 =	vshra.s32 v1, $0x10;
	[tilespmem:$0x1E0B0] =	vst v2  }
0x134: {  	[tilespmem:$0x1E130] =	vst v1  }
0x135: {  	v1 =	vld [tilespmem:s9+$0x14180];
	_ =	sdelay $0x4  }
0x136: {  	v2 =	vand.u32 $0xFFFF, v1  }
0x137: {  	v1 =	vshra.s32 v1, $0x10;
	[tilespmem:$0x1E0C0] =	vst v2  }
0x138: {  	[tilespmem:$0x1E140] =	vst v1  }
0x139: {  	[tilespmem:s24], [sflag:$0x2] =	stream.indirect.gather [hbm4b:s4+s21], $0x80, s23, s21, $0xb8;
	[tilespmem:$0x1E500] =	vst v63  }
0x13a: {  	_ =	swait.ge [sflag:s25], $0x2800  }
0x13b: {  	[sflag:s25] =	ssyncset.done $0x0  }
0x13c: {  	[sflag:s25] =	ssyncadd.s32 $0xFFFFD800  }
0x13d: {  	[spmem:s2] =	stream.indirect.scatter.add.f32 [tilespmem:s20], [sflag:$0x4], $0x80, s26, s21, $0xb8;
	[tilespmem:$0x1E500] =	vst v63  }
0x13e: {  	_ =	swait.ge [sflag:s1], $0x2800  }
0x13f: {  	[sflag:s1] =	ssyncset.done $0x0  }
0x140: {  	[sflag:s1] =	ssyncadd.s32 $0xFFFFD800  }
0x141: {  	_ =	swait.ge [sflag:s30], $0x2800  }
0x142: {  	[sflag:s30] =	ssyncset.done $0x0  }
0x143: {  	[sflag:s30] =	ssyncadd.s32 $0xFFFFD800  }
0x144: {  	[spmem:s2] =	stream.indirect.scatter.add.f32 [tilespmem:s24], [sflag:$0x5], $0x80, s31, s21, $0xb8;
	[tilespmem:$0x1E500] =	vst v63  }
0x145: {  	_ =	swait.ge [sflag:s0], $0x2800  }
0x146: {  	[sflag:s0] =	ssyncset.done $0x0  }
0x147: {  	[sflag:s0] =	ssyncadd.s32 $0xFFFFD800  }
0x148: {  	s6 =	stileid.u32;
	_ =	swait.ge [sflag:s18], $0x2800  }
0x149: {  	s7 =	sshrl.u32 s5, $0x3;
	s3 =	sadd.s32 $0x1, s3;
	[sflag:s18] =	ssyncset.done $0x0  }
0x14a: {  	s6 =	sshll.u32 s6, $0x6;
	p0 =	sne.s32 s3, s15;
	[sflag:s18] =	ssyncadd.s32 $0xFFFFD800  }
.Ltmp2:
0x14b: {  	s6 =	sor.u32 $0x1C07, s6;
	[bflag:$0x0] =	sbarrier.arrive $0xFFFF;
	(pc) =	sbr.rel @p0 .LBB2_1-.Ltmp2, $4  }
0x14c: {  	[hbm:s14], [sflag:s6] =	dma.local [spmem:s7], $0x2800  }
0x14d: {  	_ =	swait.ge [sflag:s19], $0x2800  }
0x14e: {  	[sflag:s19] =	ssyncset.done $0x0  }
0x14f: {  	[sflag:s19] =	ssyncadd.s32 $0xFFFFD800  }
0x150: {  	_ =	sfence.sel $0x180000  }
0x151: {  	[bflag:$0x0] =	sbarrier.arrive $0xFFFF  }
0x152: {  	_ =	strace $0x9000004A  }
0x153: {  	s0 =	stileid.u32;
	[bflag:$0x2] =	sbarrier.arrive $0xFFFF  }
0x154: {  	p0 =	sne.s32 s0, $0x0;
	s0 =	rddreg [dreg:$0x3]  }
0x155: {  	s0 =	sadd.s32 @!p0 $0x100000, s0  }
0x156: {  	[sflag:s0] =	ssyncadd.tile.s32 @!p0 $0x1;
	_ =	shalt  }
.Lfunc_end2:
_tile_overlayer_lowered:
.L_overlay_start_2:
0x157: {  	(tag) =	ssettag $0x2  }
0x158: {  	s0 =	rddreg [dreg:$0x0];
	s2 =	stileid.u32  }
0x159: {  	s1 =	rddreg [dreg:$0x1];
	p0 =	sne.s32 s2, $0x0  }
0x15a: {  	s3 =	rddreg [dreg:$0x2];
	[bflag:$0x3] =	sbarrier.arrive $0xFFFF;
	s2 =	simm.s32 @!p0 $0x1C07  }
0x15b: {  	[timem:s3], [sflag:s2] =	dma.local @!p0 [hbm:s0], s1  }
0x15c: {  	s0 =	simm.s32 @!p0 $0x7  }
0x15d: {  	_ =	swait.ge @!p0 [sflag:s0], s1  }
0x15e: {  	s1 =	ssub.s32 @!p0 $0x0, s1;
	[sflag:s0] =	ssyncset.done @!p0 $0x0  }
0x15f: {  	[sflag:s0] =	ssyncadd.s32 @!p0 s1  }
0x160: {  	[bflag:$0x3] =	sbarrier.arrive $0xFFFF  }
0x161: {  	_ =	shalt  }

// kernel: kernel.7.cloned.1.call-start
scs
__scs_entry_jumppad:
0x0: {  	(pc) =	sbr.rel $0x88, $3  }
0x1: {  	(tag) =	ssettag $0x0;
	lr =	simm.s32 $0x1  }
0x2: {  	[smem:$0x3F99] =	sst lr;
	_ =	strace $0xD0000000  }
0x3: {  	_ = 	snop  }
0x4: {  	_ = 	snop  }
0x5: {  	_ = 	snop  }
0x6: {  	_ = 	snop  }
0x7: {  	_ = 	snop  }
__scs_overlays_trampoline_lowered:
0x8: {  	[smem:$0x3FA8] =	sst s0  }
0x9: {  	[smem:$0x3FA9] =	sst s1  }
0xa: {  	[smem:$0x3FAA] =	sst s2  }
0xb: {  	[smem:$0x3FAB] =	sst s3  }
0xc: {  	[smem:$0x3FAC] =	sst s4  }
0xd: {  	[smem:$0x3FAD] =	sst s5  }
0xe: {  	[smem:$0x3FAE] =	sst s6  }
0xf: {  	[smem:$0x3FAF] =	sst s7  }
0x10: {  	[smem:$0x3FB0] =	sst s8  }
0x11: {  	[smem:$0x3FB1] =	sst s9;
	s0 =	simm.s32 @!p0 $0x0  }
0x12: {  	s1 =	sld [smem:$0x3F97];
	s0 =	simm.s32 @p0 $0x1  }
0x13: {  	[smem:$0x3FB2] =	sst s0;
	s0 =	simm.s32 @!p1 $0x0  }
0x14: {  	s2 =	sld [smem:$0x3F96];
	s0 =	simm.s32 @p1 $0x1  }
0x15: {  	[smem:$0x3FB3] =	sst s0;
	s0 =	simm.s32 @!p2 $0x0  }
0x16: {  	s3 =	sld [smem:$0x3FDB];
	s0 =	simm.s32 @p2 $0x1  }
0x17: {  	s4 =	simm.s32 $0x1BF5;
	[smem:$0x3FB5] =	sst s0  }
0x18: {  	s0 =	sld [smem:$0x3F98];
	_ =	swait.ge [sflag:s4], $0x0  }
0x19: {  	s7 =	sld [smem:$0x3F99]  }
0x1a: {  	s8 =	sadd.s32 $0xFFFFE003, lr  }
0x1b: {  	s9 =	sadd.s32 $0xFFFFFEF7, lr;
	s5 =	simm.s32 $0xFFFFFFFF;
	p2 =	slt.u32 s8, $0xFFFFF086  }
0x1c: {  	p1 =	slt.u32 s9, $0xF7A;
	s5 =	simm.s32 @!p2 $0x0  }
0x1d: {  	s5 =	simm.s32 @p1 $0x1;
	p0 =	seq.s32 s7, s2  }
0x1e: {  	s7 =	smul.u32 @!p0 $0xF7A, s2;
	p2 =	seq.s32 @!p0 s5, $0x0  }
0x1f: {  	s9 =	smul.u32 $0xF7A, s1;
	s8 =	simm.s32 @!p0 $0x1BF5;
	p2 =	por !p2, p0  }
0x20: {  	[sflag:s8] =	ssyncset.s32 @!p0 $0xFFFFF086;
	s6 =	sadd.s32 @!p0 s3, s7;
	s7 =	simm.s32 @!p0 $0x108  }
0x21: {  	s3 =	sadd.s32 s3, s9;
	s6 =	sadd.s32 @!p0 $0x88, s6;
	s7 =	simm.s32 @p2 $0x1082  }
0x22: {  	[simem:s7], [sflag:s8] =	dma.local @!p0 [hbm:s6], $0xF7A  }
0x23: {  	s9 =	sor.u32 $0xD0000000, s2;
	s6 =	simm.s32 $0x108;
	_ =	swait.ge @!p0 [sflag:s8], $0x0  }
0x24: {  	s3 =	sadd.s32 $0x88, s3;
	s6 =	simm.s32 @!p1 $0x1082;
	[sflag:s4] =	ssyncset.s32 $0xFFFFF086  }
0x25: {  	[simem:s6], [sflag:s4] =	dma.local [hbm:s3], $0xF7A  }
0x26: {  	[smem:$0x3F99] =	sst s1;
	(tag) =	ssettag s2;
	_ =	strace s9  }
0x27: {  	s1 =	sld [smem:$0x3FA9]  }
0x28: {  	s2 =	sld [smem:$0x3FAA]  }
0x29: {  	s4 =	sld [smem:$0x3FAC]  }
0x2a: {  	p0 =	seq.s32 s5, $0x0;
	s5 =	sld [smem:$0x3FAD]  }
0x2b: {  	s6 =	sld [smem:$0x3FAE]  }
0x2c: {  	s7 =	sld [smem:$0x3FAF]  }
0x2d: {  	s3 =	simm.s32 $0x108;
	s8 =	sld [smem:$0x3FB0]  }
0x2e: {  	s3 =	simm.s32 @!p0 $0x1082;
	s9 =	sld [smem:$0x3FB1]  }
0x2f: {  	lr =	sadd.s32 s0, s3;
	s0 =	sld [smem:$0x3FA8]  }
0x30: {  	s3 =	sld [smem:$0x3FAB]  }
0x31: {  	[smem:$0x3FB4] =	sst s10  }
0x32: {  	s10 =	sld [smem:$0x3FB2];
	_ =	sdelay $0x3  }
0x33: {  	p0 =	seq.s32 s10, $0x1;
	s10 =	sld [smem:$0x3FB4];
	_ =	sdelay $0x3  }
0x34: {  	[smem:$0x3FB4] =	sst s10  }
0x35: {  	s10 =	sld [smem:$0x3FB3];
	_ =	sdelay $0x3  }
0x36: {  	p1 =	seq.s32 s10, $0x1;
	s10 =	sld [smem:$0x3FB4];
	_ =	sdelay $0x3  }
0x37: {  	[smem:$0x3FB4] =	sst s10  }
0x38: {  	s10 =	sld [smem:$0x3FB5]  }
0x39: {  	_ = 	snop;
	(pc) =	sbr.ind lr, $3  }
0x3a: {  	_ = 	snop  }
0x3b: {  	_ = 	snop  }
0x3c: {  	p2 =	seq.s32 s10, $0x1;
	s10 =	sld [smem:$0x3FB4]  }
0x3d: {  	_ =	shalt  }
0x3e: {  	_ =	shalt  }
0x3f: {  	_ =	shalt  }
0x40: {  	_ =	shalt  }
0x41: {  	_ =	shalt  }
0x42: {  	_ =	shalt  }
0x43: {  	_ =	shalt  }
0x44: {  	_ =	shalt  }
0x45: {  	_ =	shalt  }
0x46: {  	_ =	shalt  }
0x47: {  	_ =	shalt  }
0x48: {  	_ =	shalt  }
0x49: {  	_ =	shalt  }
0x4a: {  	_ =	shalt  }
0x4b: {  	_ =	shalt  }
0x4c: {  	_ =	shalt  }
0x4d: {  	_ =	shalt  }
0x4e: {  	_ =	shalt  }
0x4f: {  	_ =	shalt  }
0x50: {  	_ =	shalt  }
0x51: {  	_ =	shalt  }
0x52: {  	_ =	shalt  }
0x53: {  	_ =	shalt  }
0x54: {  	_ =	shalt  }
0x55: {  	_ =	shalt  }
0x56: {  	_ =	shalt  }
0x57: {  	_ =	shalt  }
0x58: {  	_ =	shalt  }
0x59: {  	_ =	shalt  }
0x5a: {  	_ =	shalt  }
0x5b: {  	_ =	shalt  }
0x5c: {  	_ =	shalt  }
0x5d: {  	_ =	shalt  }
0x5e: {  	_ =	shalt  }
0x5f: {  	_ =	shalt  }
0x60: {  	_ =	shalt  }
0x61: {  	_ =	shalt  }
0x62: {  	_ =	shalt  }
0x63: {  	_ =	shalt  }
0x64: {  	_ =	shalt  }
0x65: {  	_ =	shalt  }
0x66: {  	_ =	shalt  }
0x67: {  	_ =	shalt  }
0x68: {  	_ =	shalt  }
0x69: {  	_ =	shalt  }
0x6a: {  	_ =	shalt  }
0x6b: {  	_ =	shalt  }
0x6c: {  	_ =	shalt  }
0x6d: {  	_ =	shalt  }
0x6e: {  	_ =	shalt  }
0x6f: {  	_ =	shalt  }
0x70: {  	_ =	shalt  }
0x71: {  	_ =	shalt  }
0x72: {  	_ =	shalt  }
0x73: {  	_ =	shalt  }
0x74: {  	_ =	shalt  }
0x75: {  	_ =	shalt  }
0x76: {  	_ =	shalt  }
0x77: {  	_ =	shalt  }
0x78: {  	_ =	shalt  }
0x79: {  	_ =	shalt  }
0x7a: {  	_ =	shalt  }
0x7b: {  	_ =	shalt  }
0x7c: {  	_ =	shalt  }
0x7d: {  	_ =	shalt  }
0x7e: {  	_ =	shalt  }
0x7f: {  	_ =	shalt  }
0x80: {  	_ =	shalt  }
0x81: {  	_ =	shalt  }
0x82: {  	_ =	shalt  }
0x83: {  	_ =	shalt  }
0x84: {  	_ =	shalt  }
0x85: {  	_ =	shalt  }
0x86: {  	_ =	shalt  }
0x87: {  	_ =	shalt  }
.Lfunc_end0:
.L_simem_size_0:
called_computation_lowered:
.L_overlay_start_0:
0x88: {  	s2 =	sld [smem:$0x3FD9]  }
0x89: {  	s3 =	sld [smem:$0x3FFE];
	_ =	sdelay $0x1  }
0x8a: {  	s1 =	srdreg.scid  }
0x8b: {  	s0 =	sand.u32 $0x1, s1  }
0x8c: {  	s17 =	sshll.u32 s0, $0xA;
	s2 =	sadd.s32 s3, s2  }
0x8d: {  	s2 =	sadd.s32 s2, s17  }
0x8e: {  	[smem:$0x3FC0] =	sst s2  }
0x8f: {  	_ = 	snop  }
0x90: {  	s2 =	sld [smem:$0x3FD0];
	(tm) =	ssettm $0x1  }
0x91: {  	s18 =	sld [smem:$0x3FFB];
	_ =	sdelay $0x3  }
0x92: {  	_ =	strace s18  }
0x93: {  	s3 =	sld [smem:$0x3FFC];
	_ =	sdelay $0x3  }
0x94: {  	_ =	strace s3  }
0x95: {  	s3 =	sld [smem:$0x3FFD];
	_ =	sdelay $0x3  }
0x96: {  	_ =	strace s3  }
0x97: {  	_ =	strace $0x8FFFFFFF  }
0x98: {  	s19 =	sld [smem:$0x3FDB];
	_ =	sdelay $0x1  }
0x99: {  	s4 =	simm.s32 $_scs_section_size  }
0x9a: {  	s5 =	simm.s32 $_size__tile_overlayer_lowered;
	s6 =	simm.s32 $_tile_overlayer_lowered  }
0x9b: {  	s22 =	simm.s32 $0x1BFF;
	s21 =	sshll.u32 s6, $0x1;
	s3 =	sadd.s32 s4, s19  }
0x9c: {  	s7 =	simm.s32 $0x0;
	s20 =	sshll.u32 s5, $0x1;
	s5 =	sadd.s32 s21, s3  }
0x9d: {  	[timem:s7], [sflag:s22] =	dma.local [hbm:s5], s20  }
0x9e: {  	_ =	swait.ge [sflag:s22], s20  }
0x9f: {  	s4 =	ssub.s32 $0x0, s20;
	[sflag:s22] =	ssyncset.done $0x0  }
0xa0: {  	[sflag:s22] =	ssyncadd.s32 s4;
	_ =	sdelay $0x1  }
0xa1: {  	s23 =	simm.s32 $0x1B8B  }
0xa2: {  	_ =	swait.ge [sflag:s23], $0x1  }
0xa3: {  	[sflag:s23] =	ssyncset.done $0x0  }
0xa4: {  	s25 =	simm.s32 $0x1B8E;
	s24 =	sld [smem:$0x3FFE];
	[sflag:s23] =	ssyncadd.s32 $0xFFFFFFFF  }
0xa5: {  	s26 =	simm.s32 $execute0_lowered;
	[smem:$0x3FD2] =	sst s25  }
0xa6: {  	s5 =	sshll.u32 s26, $0x1;
	_ =	strace $0x80000046;
	[dreg:$0x1] =	wrdreg $0xFFFFFFFF  }
0xa7: {  	s28 =	simm.s32 $_size_execute0_lowered;
	s3 =	sadd.s32 s3, s5;
	[dreg:$0x0] =	wrdreg $0x0  }
0xa8: {  	s5 =	sshll.u32 s28, $0x1;
	[dreg:$0x2] =	wrdreg s3  }
0xa9: {  	[dreg:$0x3] =	wrdreg s5  }
0xaa: {  	[dreg:$0x4] =	wrdreg $0xC0  }
0xab: {  	_ =	task [dreg:s7], $0x5FFFF  }
0xac: {  	[dreg:$0x1] =	wrdreg $0xFFFFFFFF  }
0xad: {  	[dreg:$0x0] =	wrdreg $0x60  }
0xae: {  	[dreg:$0x2] =	wrdreg s24  }
0xaf: {  	[dreg:$0x3] =	wrdreg s2  }
0xb0: {  	[dreg:$0x4] =	wrdreg $0x0  }
0xb1: {  	[dreg:$0x5] =	wrdreg $0x140000  }
0xb2: {  	[dreg:$0x6] =	wrdreg $0x9  }
0xb3: {  	_ =	task.clear_ibuf [dreg:s7], $0x7FFFF;
	_ =	strace $0x90000046  }
0xb4: {  	s29 =	simm.s32 $0x9;
	_ =	strace $0x80000048  }
0xb5: {  	_ =	swait.ge [sflag:s29], $0x1  }
0xb6: {  	[sflag:s29] =	ssyncadd.s32 $0xFFFFFFFF  }
0xb7: {  	_ =	strace $0x90000048  }
0xb8: {  	_ =	sfence  }
0xb9: {  	s30 =	sld [smem:$0x0];
	_ =	sdelay $0x2  }
0xba: {  	s31 =	sshll.u32 s1, $0xD;
	s1 =	sshrl.u32 s1, $0x2  }
0xbb: {  	s3 =	sand.u32 $0x4000, s31;
	s1 =	sadd.s32 s1, s30  }
0xbc: {  	s0 =	sor.u32 s3, s0;
	s1 =	sshll.u32 s1, $0x11  }
0xbd: {  	s0 =	sor.u32 s1, s0  }
0xbe: {  	s0 =	sadd.s32 $0x8F2B, s0  }
0xbf: {  	[sflag:s0] =	ssyncadd.remote.s32 $0x1  }
0xc0: {  	_ =	sfence.sel $0xFFFF  }
0xc1: {  	[dreg:$0x0] =	wrdreg $0xFFFFFFFF;
	(pc) =	sbr.abs _section_cstart, $3  }
0xc2: {  	[dreg:$0x1] =	wrdreg $0xFFFFFFFF  }
0xc3: {  	_ =	task.clear_ibuf [dreg:s7], $0x2FFFF;
	_ =	strace $0x9FFFFFFF  }
0xc4: {  	(tm) =	ssettm $0x7FFFFFFF  }
0xc5: {  	_ =	shalt  }
tec
execute0_lowered:
.L_overlay_start_1:
0x0: {  	(tag) =	ssettag $0x1  }
0x1: {  	s0 =	rddreg [dreg:$0x0]  }
0x2: {  	s1 =	rddreg [dreg:$0x1]  }
0x3: {  	s2 =	rddreg [dreg:$0x2]  }
0x4: {  	s3 =	rddreg [dreg:$0x3]  }
0x5: {  	s5 =	srdreg.scid;
	s12 =	stileid.u32;
	s4 =	simm.s32 $0x0  }
0x6: {  	s28 =	simm.s32 $0x1E300;
	s29 =	simm.s32 $0x19200;
	s30 =	simm.s32 $0x1  }
0x7: {  	s31 =	simm.s32 $0x1E280;
	s6 =	sand.u32 $0x1, s5;
	s8 =	smul.u32 $0x280, s12  }
0x8: {  	[smem:$0x7FF] =	sst s4;
	s5 =	sadd.s32 $0x2600, s0;
	s10 =	smul.u32 $0x500, s12  }
0x9: {  	s14 =	sshll.u32 s12, $0x7;
	s7 =	smul.u32 $0x2800, s6;
	_ =	strace $0x80000047  }
0xa: {  	s9 =	sshll.u32 s6, $0x4;
	s13 =	sshll.u32 s6, $0x7;
	s6 =	ssub.s32 $0x2, s6  }
0xb: {  	s9 =	sor.u32 s12, s9;
	s12 =	smul.u32 $0x50000, s12;
	s16 =	sshrl.u32 s6, $0x1  }
0xc: {  	s7 =	sadd.s32 s8, s7;
	s9 =	sshrl.u32 s9, $0x3;
	s6 =	ssub.s32 s6, s16  }
0xd: {  	s7 =	sshll.u32 s7, $0x4;
	s9 =	smul.u32 $0x13C00, s9;
	s26 =	smax.u32 s6, $0x1  }
0xe: {  	s11 =	sadd.s32 s7, s0;
	s7 =	sor.u32 s13, s10;
	s10 =	sand.u32 $0x380, s14  }
0xf: {  	[dreg:$0xf] =	wrdreg s26;
	s7 =	sshrl.u32 s7, $0x3;
	s15 =	sor.u32 s10, s9  }
0x10: {  	s25 =	sadd.s32 $0x2B000, s11;
	s0 =	sadd.s32 s7, s0;
	s7 =	sshrl.u32 s15, $0x3  }
0x11: {  	s17 =	sshrl.u32 s12, $0x2;
	[dreg:$0xd] =	wrdreg s25;
	s1 =	sadd.s32 s1, s7  }
0x12: {  	s7 =	sadd.s32 s17, s2;
	s0 =	sadd.s32 $0x2A600, s0;
	[dreg:$0x5] =	wrdreg s1  }
0x13: {  	s6 =	simm.s32 $0x7;
	s18 =	sadd.s32 $0x2800, s7;
	[dreg:$0xe] =	wrdreg s0  }
0x14: {  	s26 =	simm.s32 $0x1E200;
	s19 =	sadd.s32 $0x5000, s7;
	[dreg:$0x6] =	wrdreg s18  }
0x15: {  	s9 =	simm.s32 $0x1E480;
	s20 =	sadd.s32 $0x7800, s7;
	[dreg:$0x7] =	wrdreg s19  }
0x16: {  	s10 =	simm.s32 $0x5;
	s21 =	sadd.s32 $0xA000, s7;
	[dreg:$0x8] =	wrdreg s20  }
0x17: {  	s15 =	sadd.s32 s8, s3;
	s22 =	sadd.s32 $0xC800, s7;
	[dreg:$0x9] =	wrdreg s21  }
0x18: {  	s25 =	simm.s32 $0x50;
	s23 =	sadd.s32 $0xF000, s7;
	[dreg:$0xa] =	wrdreg s22  }
0x19: {  	s8 =	simm.s32 $0x3;
	s24 =	sadd.s32 $0x11800, s7;
	[dreg:$0xb] =	wrdreg s23  }
0x1a: {  	s0 =	simm.s32 $0x1E500;
	s1 =	simm.s32 $0x4;
	[dreg:$0xc] =	wrdreg s24  }
0x1b: {  	s22 =	simm.s32 $0x8;
	s23 =	simm.s32 $0x16A00;
	s19 =	simm.s32 $0x1E400  }
0x1c: {  	v0 =	vimm.f32 $0.0e+00;
	v1 =	vimm.f32 $1.000000000e+00;
	s20 =	simm.s32 $0x1BA00;
	s21 =	simm.s32 $0x2;
	s24 =	simm.s32 $0x1E380  }
.LBB2_1:
0x1d: {  	s11 =	rddreg [dreg:$0x5]  }
0x1e: {  	s12 =	simm.s32 $0x80;
	s13 =	simm.s32 $0x400;
	s14 =	simm.s32 $0x14280  }
0x1f: {  	[tilespmem:s14], [sflag:$0x8] =	stream.strided.gather [hbm4b:s11+s12], $0x2780, s13, s12, $0x38;
	[tilespmem:$0x1E800] =	vst v63  }
0x20: {  	_ =	swait.ge [sflag:s22], $0x2780  }
0x21: {  	[sflag:s22] =	ssyncset.done $0x0  }
0x22: {  	s12 =	simm.s32 $0x0;
	s13 =	simm.s32 $0x200;
	[sflag:s22] =	ssyncadd.s32 $0xFFFFD880  }
.LBB2_2:
0x23: {  	p0 =	sne.s32 s13, $0x9E00;
	[tilespmem:s12+$0x16A70] =	vst v0  }
0x24: {  	[tilespmem:s12+$0x16A00] =	vst v0  }
0x25: {  	[tilespmem:s12+$0x16A10] =	vst v0  }
.Ltmp0:
0x26: {  	[tilespmem:s12+$0x16A20] =	vst v0;
	(pc) =	sbr.rel @p0 .LBB2_2-.Ltmp0, $4  }
0x27: {  	[tilespmem:s12+$0x16A30] =	vst v0  }
0x28: {  	[tilespmem:s12+$0x16A40] =	vst v0  }
0x29: {  	[tilespmem:s12+$0x16A50] =	vst v0  }
0x2a: {  	[tilespmem:s12+$0x16A60] =	vst v0;
	s12 =	sshra.s32 s13, $0x2;
	s13 =	sadd.s32 $0x200, s13  }
0x2b: {  	[tilespmem:s12+$0x16A70] =	vst v0  }
0x2c: {  	[tilespmem:s12+$0x16A00] =	vst v0  }
0x2d: {  	[tilespmem:s12+$0x16A10] =	vst v0  }
0x2e: {  	[tilespmem:s12+$0x16A20] =	vst v0  }
0x2f: {  	[tilespmem:s12+$0x16A30] =	vst v0  }
0x30: {  	[tilespmem:s12+$0x16A40] =	vst v0  }
0x31: {  	[tilespmem:s12+$0x16A50] =	vst v0  }
0x32: {  	[tilespmem:s12+$0x16A60] =	vst v0  }
0x33: {  	[tilespmem:$0x1E580] =	vst v0  }
0x34: {  	[tilespmem:$0x1E590] =	vst v0  }
0x35: {  	[tilespmem:$0x1E5A0] =	vst v0  }
0x36: {  	[tilespmem:$0x1E5B0] =	vst v0  }
0x37: {  	[tilespmem:$0x1E5C0] =	vst v0  }
0x38: {  	[tilespmem:$0x1E5D0] =	vst v0  }
0x39: {  	[tilespmem:$0x1E5E0] =	vst v0  }
0x3a: {  	[tilespmem:$0x1E5F0] =	vst v0  }
0x3b: {  	[tilespmem:$0x1E600] =	vst v0  }
0x3c: {  	[tilespmem:$0x1E610] =	vst v0  }
0x3d: {  	[tilespmem:$0x1E620] =	vst v0  }
0x3e: {  	[tilespmem:$0x1E630] =	vst v0  }
0x3f: {  	[tilespmem:$0x1E640] =	vst v0  }
0x40: {  	[tilespmem:$0x1E650] =	vst v0  }
0x41: {  	[tilespmem:$0x1E660] =	vst v0  }
0x42: {  	[tilespmem:$0x1E670] =	vst v0  }
0x43: {  	[tilespmem:$0x1E680] =	vst v0  }
0x44: {  	[tilespmem:$0x1E690] =	vst v0  }
0x45: {  	[tilespmem:$0x1E6A0] =	vst v0  }
0x46: {  	[tilespmem:$0x1E6B0] =	vst v0  }
0x47: {  	[tilespmem:$0x1E6C0] =	vst v0  }
0x48: {  	[tilespmem:$0x1E6D0] =	vst v0  }
0x49: {  	[tilespmem:$0x1E6E0] =	vst v0  }
0x4a: {  	[tilespmem:$0x1E6F0] =	vst v0  }
0x4b: {  	[tilespmem:$0x1E700] =	vst v0  }
0x4c: {  	[tilespmem:$0x1E710] =	vst v0  }
0x4d: {  	[tilespmem:$0x1E720] =	vst v0  }
0x4e: {  	[tilespmem:$0x1E730] =	vst v0  }
0x4f: {  	[tilespmem:$0x1E740] =	vst v0  }
0x50: {  	[tilespmem:$0x1E750] =	vst v0  }
0x51: {  	[tilespmem:$0x1E760] =	vst v0  }
0x52: {  	[tilespmem:$0x1E770] =	vst v0  }
0x53: {  	[tilespmem:$0x1E780] =	vst v0  }
0x54: {  	[tilespmem:$0x1E790] =	vst v0  }
0x55: {  	[tilespmem:$0x1E7A0] =	vst v0  }
0x56: {  	[tilespmem:$0x1E7B0] =	vst v0  }
0x57: {  	[tilespmem:$0x1E7C0] =	vst v0  }
0x58: {  	[tilespmem:$0x1E7D0] =	vst v0  }
0x59: {  	[tilespmem:$0x1E7E0] =	vst v0  }
0x5a: {  	[tilespmem:$0x1E7F0] =	vst v0  }
0x5b: {  	[tilespmem:$0x1E500] =	vst v1  }
0x5c: {  	[tilespmem:$0x1E510] =	vst v1  }
0x5d: {  	[tilespmem:$0x1E520] =	vst v1  }
0x5e: {  	[tilespmem:$0x1E530] =	vst v1  }
0x5f: {  	[tilespmem:$0x1E540] =	vst v1  }
0x60: {  	[spmem:s7] =	stream.linear.scatter [tilespmem:s23], [sflag:$0x8], $0x2800, $0x38;
	[tilespmem:$0x1E800] =	vst v63  }
0x61: {  	_ =	swait.ge [sflag:s22], $0x2800  }
0x62: {  	[sflag:s22] =	ssyncset.done $0x0  }
0x63: {  	s11 =	rddreg [dreg:$0x6];
	[sflag:s22] =	ssyncadd.s32 $0xFFFFD800  }
0x64: {  	[spmem:s11] =	stream.linear.scatter [tilespmem:s23], [sflag:$0x8], $0x2800, $0x38;
	[tilespmem:$0x1E800] =	vst v63  }
0x65: {  	_ =	swait.ge [sflag:s22], $0x2800  }
0x66: {  	[sflag:s22] =	ssyncset.done $0x0  }
0x67: {  	s18 =	rddreg [dreg:$0x7];
	[sflag:s22] =	ssyncadd.s32 $0xFFFFD800  }
0x68: {  	[spmem:s18] =	stream.linear.scatter [tilespmem:s23], [sflag:$0x8], $0x2800, $0x38;
	[tilespmem:$0x1E800] =	vst v63  }
0x69: {  	_ =	swait.ge [sflag:s22], $0x2800  }
0x6a: {  	[sflag:s22] =	ssyncset.done $0x0  }
0x6b: {  	s12 =	rddreg [dreg:$0x8];
	[sflag:s22] =	ssyncadd.s32 $0xFFFFD800  }
0x6c: {  	[spmem:s12] =	stream.linear.scatter [tilespmem:s23], [sflag:$0x8], $0x2800, $0x38;
	[tilespmem:$0x1E800] =	vst v63  }
0x6d: {  	_ =	swait.ge [sflag:s22], $0x2800  }
0x6e: {  	[sflag:s22] =	ssyncset.done $0x0  }
0x6f: {  	s13 =	rddreg [dreg:$0x9];
	[sflag:s22] =	ssyncadd.s32 $0xFFFFD800  }
0x70: {  	[spmem:s13] =	stream.linear.scatter [tilespmem:s23], [sflag:$0x8], $0x2800, $0x38;
	[tilespmem:$0x1E800] =	vst v63  }
0x71: {  	_ =	swait.ge [sflag:s22], $0x2800  }
0x72: {  	[sflag:s22] =	ssyncset.done $0x0  }
0x73: {  	s14 =	rddreg [dreg:$0xa];
	[sflag:s22] =	ssyncadd.s32 $0xFFFFD800  }
0x74: {  	[spmem:s14] =	stream.linear.scatter [tilespmem:s23], [sflag:$0x8], $0x2800, $0x38;
	[tilespmem:$0x1E800] =	vst v63  }
0x75: {  	_ =	swait.ge [sflag:s22], $0x2800  }
0x76: {  	[sflag:s22] =	ssyncset.done $0x0  }
0x77: {  	s16 =	rddreg [dreg:$0xb];
	[sflag:s22] =	ssyncadd.s32 $0xFFFFD800  }
0x78: {  	[spmem:s16] =	stream.linear.scatter [tilespmem:s23], [sflag:$0x8], $0x2800, $0x38;
	[tilespmem:$0x1E800] =	vst v63  }
0x79: {  	_ =	swait.ge [sflag:s22], $0x2800  }
0x7a: {  	[sflag:s22] =	ssyncset.done $0x0  }
0x7b: {  	s17 =	rddreg [dreg:$0xc];
	[sflag:s22] =	ssyncadd.s32 $0xFFFFD800  }
0x7c: {  	[spmem:s17] =	stream.linear.scatter [tilespmem:s23], [sflag:$0x8], $0x2800, $0x38;
	[tilespmem:$0x1E800] =	vst v63  }
0x7d: {  	_ =	swait.ge [sflag:s22], $0x2800  }
0x7e: {  	[sflag:s22] =	ssyncset.done $0x0  }
0x7f: {  	s18 =	simm.s32 $0x1E580;
	[sflag:s22] =	ssyncadd.s32 $0xFFFFD800  }
0x80: {  	[spmem:s15] =	stream.linear.scatter [tilespmem:s18], [sflag:$0x8], $0x280, $0x38;
	[tilespmem:$0x1E800] =	vst v63  }
0x81: {  	_ =	swait.ge [sflag:s22], $0x280  }
0x82: {  	[sflag:s22] =	ssyncset.done $0x0  }
0x83: {  	[sflag:s22] =	ssyncadd.s32 $0xFFFFFD80  }
0x84: {  	v2 =	vld [tilespmem:$0x14280];
	_ =	sdelay $0x1  }
0x85: {  	v3 =	vld [tilespmem:$0x14290];
	_ =	sdelay $0x1  }
0x86: {  	v4 =	vld [tilespmem:$0x142A0]  }
0x87: {  	v5 =	vand.u32 $0xFFFF, v2  }
0x88: {  	v59 =	vld [tilespmem:$0x142B0];
	v2 =	vshra.s32 v2, $0x10;
	[tilespmem:$0x1E200] =	vst v5  }
0x89: {  	[tilespmem:$0x1E280] =	vst v2;
	v2 =	vand.u32 $0xFFFF, v3  }
0x8a: {  	[tilespmem:$0x1E210] =	vst v2;
	v2 =	vshra.s32 v3, $0x10;
	v3 =	vld [tilespmem:$0x142C0]  }
0x8b: {  	[tilespmem:$0x1E290] =	vst v2;
	v2 =	vand.u32 $0xFFFF, v4  }
0x8c: {  	v60 =	vld [tilespmem:$0x142D0];
	[tilespmem:$0x1E220] =	vst v2;
	v2 =	vshra.s32 v4, $0x10  }
0x8d: {  	[tilespmem:$0x1E2A0] =	vst v2;
	v2 =	vand.u32 $0xFFFF, v59  }
0x8e: {  	v61 =	vld [tilespmem:$0x142E0];
	[tilespmem:$0x1E230] =	vst v2;
	v2 =	vshra.s32 v59, $0x10  }
0x8f: {  	[tilespmem:$0x1E2B0] =	vst v2;
	v2 =	vand.u32 $0xFFFF, v3  }
0x90: {  	[tilespmem:$0x1E240] =	vst v2;
	v2 =	vshra.s32 v3, $0x10;
	v3 =	vld [tilespmem:$0x142F0]  }
0x91: {  	[tilespmem:$0x1E2C0] =	vst v2;
	v2 =	vand.u32 $0xFFFF, v60  }
0x92: {  	v62 =	vld [tilespmem:$0x14300];
	[tilespmem:$0x1E300] =	vst v2;
	v2 =	vshra.s32 v60, $0x10  }
0x93: {  	[tilespmem:$0x1E380] =	vst v2;
	v2 =	vand.u32 $0xFFFF, v61  }
0x94: {  	v63 =	vld [tilespmem:$0x14310];
	[tilespmem:$0x1E310] =	vst v2;
	v2 =	vshra.s32 v61, $0x10  }
0x95: {  	[tilespmem:$0x1E390] =	vst v2;
	v2 =	vand.u32 $0xFFFF, v3  }
0x96: {  	[tilespmem:$0x1E320] =	vst v2;
	v2 =	vshra.s32 v3, $0x10  }
0x97: {  	[tilespmem:$0x1E3A0] =	vst v2;
	v2 =	vand.u32 $0xFFFF, v62  }
0x98: {  	[tilespmem:$0x1E330] =	vst v2;
	v2 =	vshra.s32 v62, $0x10  }
0x99: {  	[tilespmem:$0x1E3B0] =	vst v2;
	v2 =	vand.u32 $0xFFFF, v63  }
0x9a: {  	[tilespmem:$0x1E340] =	vst v2;
	v2 =	vshra.s32 v63, $0x10  }
0x9b: {  	[tilespmem:$0x1E3C0] =	vst v2  }
0x9c: {  	[tilespmem:s23], [sflag:$0x1] =	stream.indirect.gather [hbm4b:s5+s25], $0x80, s26, s25, $0xb8;
	[tilespmem:$0x1E800] =	vst v63  }
0x9d: {  	_ = 	snop  }
0x9e: {  	[tilespmem:s29], [sflag:$0x2] =	stream.indirect.gather [hbm4b:s5+s25], $0x80, s28, s25, $0xb8;
	[tilespmem:$0x1E800] =	vst v63  }
0x9f: {  	p0 =	por $0x1, $0x1;
	[bflag:$0x0] =	sbarrier.arrive $0xFFFF  }
0xa0: {  	p0 =	por p0, p0;
	s12 =	simm.s32 $0x14340;
	_ =	swait.ge [sflag:s30], $0x2800  }
0xa1: {  	s13 =	simm.s32 $0x0;
	s14 =	simm.s32 $0x14340;
	[sflag:s30] =	ssyncset.done $0x0  }
0xa2: {  	s16 =	simm.s32 $0xF0;
	s17 =	simm.s32 @!p0 $0x6;
	[sflag:s30] =	ssyncadd.s32 $0xFFFFD800  }
0xa3: {  	[spmem:s2] =	stream.indirect.scatter.add.f32 [tilespmem:s23], [sflag:$0x4], $0x80, s31, s25, $0xb8;
	[tilespmem:$0x1E800] =	vst v63  }
.LBB2_4:
0xa4: {  	p2 =	seq.s32 s16, $0x0  }
0xa5: {  	s14 =	sadd.s32 $0xF0, s14;
	s18 =	smov.u32 s16;
	s16 =	sadd.s32 $0xF0, s16  }
0xa6: {  	[spmem:s3] =	stream.indirect.scatter.add.f32 [tilespmem:s0], [sflag:$0x7], $0x1, s31, s25, $0xb8;
	[tilespmem:$0x1E800] =	vst v63  }
0xa7: {  	p1 =	sne.s32 s16, $0x2670;
	_ =	swait.ge @!p0 [sflag:s17], $0x2800  }
0xa8: {  	s11 =	simm.s32 @!p0 $0x7;
	[sflag:s17] =	ssyncset.done @!p0 $0x0  }
0xa9: {  	[sflag:s17] =	ssyncadd.s32 @!p0 $0xFFFFD800  }
0xaa: {  	_ =	swait.ge @!p0 [sflag:s11], $0x50  }
0xab: {  	[sflag:s11] =	ssyncset.done @!p0 $0x0  }
0xac: {  	[sflag:s11] =	ssyncadd.s32 @!p0 $0xFFFFFFB0;
	p0 =	por p2, p2  }
0xad: {  	v2 =	vld [tilespmem:s12+$0xFFFFFFE0];
	_ =	sdelay $0x4  }
0xae: {  	v3 =	vand.u32 $0xFFFF, v2;
	v2 =	vshra.s32 v2, $0x10  }
0xaf: {  	[tilespmem:$0x1E400] =	vst v3  }
0xb0: {  	[tilespmem:$0x1E480] =	vst v2  }
0xb1: {  	v2 =	vld [tilespmem:s12+$0xFFFFFFF0];
	_ =	sdelay $0x4  }
0xb2: {  	v3 =	vand.u32 $0xFFFF, v2;
	v2 =	vshra.s32 v2, $0x10  }
0xb3: {  	[tilespmem:$0x1E410] =	vst v3  }
0xb4: {  	[tilespmem:$0x1E490] =	vst v2  }
0xb5: {  	v2 =	vld [tilespmem:s12+$0x0];
	_ =	sdelay $0x4  }
0xb6: {  	v3 =	vand.u32 $0xFFFF, v2;
	v2 =	vshra.s32 v2, $0x10  }
0xb7: {  	[tilespmem:$0x1E420] =	vst v3  }
0xb8: {  	[tilespmem:$0x1E4A0] =	vst v2  }
0xb9: {  	v2 =	vld [tilespmem:s12+$0x10];
	_ =	sdelay $0x4  }
0xba: {  	v3 =	vand.u32 $0xFFFF, v2;
	v2 =	vshra.s32 v2, $0x10  }
0xbb: {  	[tilespmem:$0x1E430] =	vst v3  }
0xbc: {  	[tilespmem:$0x1E4B0] =	vst v2  }
0xbd: {  	v2 =	vld [tilespmem:s12+$0x20];
	_ =	sdelay $0x4  }
0xbe: {  	v3 =	vand.u32 $0xFFFF, v2;
	v2 =	vshra.s32 v2, $0x10  }
0xbf: {  	[tilespmem:$0x1E440] =	vst v3  }
0xc0: {  	[tilespmem:$0x1E4C0] =	vst v2  }
0xc1: {  	[tilespmem:s20], [sflag:$0x3] =	stream.indirect.gather [hbm4b:s5+s25], $0x80, s19, s25, $0xb8;
	[tilespmem:$0x1E800] =	vst v63  }
0xc2: {  	_ =	swait.ge [sflag:s21], $0x2800  }
0xc3: {  	[sflag:s21] =	ssyncset.done $0x0  }
0xc4: {  	[sflag:s21] =	ssyncadd.s32 $0xFFFFD800  }
0xc5: {  	[spmem:s2] =	stream.indirect.scatter.add.f32 [tilespmem:s29], [sflag:$0x5], $0x80, s24, s25, $0xb8;
	[tilespmem:$0x1E800] =	vst v63  }
0xc6: {  	_ = 	snop  }
0xc7: {  	[spmem:s3] =	stream.indirect.scatter.add.f32 [tilespmem:s0], [sflag:$0x7], $0x1, s24, s25, $0xb8;
	[tilespmem:$0x1E800] =	vst v63  }
0xc8: {  	_ =	swait.ge [sflag:s1], $0x2800  }
0xc9: {  	[sflag:s1] =	ssyncset.done $0x0  }
0xca: {  	[sflag:s1] =	ssyncadd.s32 $0xFFFFD800  }
0xcb: {  	_ =	swait.ge [sflag:s6], $0x50  }
0xcc: {  	[sflag:s6] =	ssyncset.done $0x0  }
0xcd: {  	[sflag:s6] =	ssyncadd.s32 $0xFFFFFFB0  }
0xce: {  	v2 =	vld [tilespmem:s12+$0x30];
	_ =	sdelay $0x4  }
0xcf: {  	v3 =	vand.u32 $0xFFFF, v2;
	v2 =	vshra.s32 v2, $0x10  }
0xd0: {  	[tilespmem:$0x1E200] =	vst v3  }
0xd1: {  	s17 =	sand.u32 $0x3FF0, s13;
	s13 =	smov.u32 s18;
	[tilespmem:$0x1E280] =	vst v2  }
0xd2: {  	v2 =	vld [tilespmem:s17+$0x14380];
	_ =	sdelay $0x4  }
0xd3: {  	v3 =	vand.u32 $0xFFFF, v2;
	v2 =	vshra.s32 v2, $0x10  }
0xd4: {  	[tilespmem:$0x1E210] =	vst v3  }
0xd5: {  	[tilespmem:$0x1E290] =	vst v2  }
0xd6: {  	v2 =	vld [tilespmem:s12+$0x50];
	_ =	sdelay $0x4  }
0xd7: {  	v3 =	vand.u32 $0xFFFF, v2;
	v2 =	vshra.s32 v2, $0x10  }
0xd8: {  	[tilespmem:$0x1E220] =	vst v3  }
0xd9: {  	[tilespmem:$0x1E2A0] =	vst v2  }
0xda: {  	v2 =	vld [tilespmem:s12+$0x60];
	_ =	sdelay $0x4  }
0xdb: {  	v3 =	vand.u32 $0xFFFF, v2;
	v2 =	vshra.s32 v2, $0x10  }
0xdc: {  	[tilespmem:$0x1E230] =	vst v3  }
0xdd: {  	[tilespmem:$0x1E2B0] =	vst v2  }
0xde: {  	v2 =	vld [tilespmem:s12+$0x70];
	_ =	sdelay $0x4  }
0xdf: {  	v3 =	vand.u32 $0xFFFF, v2;
	v2 =	vshra.s32 v2, $0x10  }
0xe0: {  	[tilespmem:$0x1E240] =	vst v3  }
0xe1: {  	[tilespmem:$0x1E2C0] =	vst v2  }
0xe2: {  	[tilespmem:s23], [sflag:$0x1] =	stream.indirect.gather [hbm4b:s5+s25], $0x80, s26, s25, $0xb8;
	[tilespmem:$0x1E800] =	vst v63  }
0xe3: {  	_ =	swait.ge [sflag:s8], $0x2800  }
0xe4: {  	[sflag:s8] =	ssyncset.done $0x0  }
0xe5: {  	[sflag:s8] =	ssyncadd.s32 $0xFFFFD800  }
0xe6: {  	[spmem:s2] =	stream.indirect.scatter.add.f32 [tilespmem:s20], [sflag:$0x6], $0x80, s9, s25, $0xb8;
	[tilespmem:$0x1E800] =	vst v63  }
0xe7: {  	_ = 	snop  }
0xe8: {  	[spmem:s3] =	stream.indirect.scatter.add.f32 [tilespmem:s0], [sflag:$0x7], $0x1, s9, s25, $0xb8;
	[tilespmem:$0x1E800] =	vst v63  }
0xe9: {  	_ =	swait.ge [sflag:s10], $0x2800  }
0xea: {  	[sflag:s10] =	ssyncset.done $0x0  }
0xeb: {  	[sflag:s10] =	ssyncadd.s32 $0xFFFFD800  }
0xec: {  	_ =	swait.ge [sflag:s6], $0x50  }
0xed: {  	[sflag:s6] =	ssyncset.done $0x0  }
0xee: {  	[sflag:s6] =	ssyncadd.s32 $0xFFFFFFB0  }
0xef: {  	v2 =	vld [tilespmem:s12+$0x80];
	_ =	sdelay $0x4  }
0xf0: {  	v3 =	vand.u32 $0xFFFF, v2;
	v2 =	vshra.s32 v2, $0x10  }
0xf1: {  	[tilespmem:$0x1E300] =	vst v3  }
0xf2: {  	[tilespmem:$0x1E380] =	vst v2  }
0xf3: {  	v2 =	vld [tilespmem:s12+$0x90];
	_ =	sdelay $0x4  }
0xf4: {  	v3 =	vand.u32 $0xFFFF, v2;
	v2 =	vshra.s32 v2, $0x10  }
0xf5: {  	[tilespmem:$0x1E310] =	vst v3  }
0xf6: {  	[tilespmem:$0x1E390] =	vst v2  }
0xf7: {  	v2 =	vld [tilespmem:s12+$0xA0];
	_ =	sdelay $0x4  }
0xf8: {  	v3 =	vand.u32 $0xFFFF, v2;
	v2 =	vshra.s32 v2, $0x10  }
0xf9: {  	[tilespmem:$0x1E320] =	vst v3  }
0xfa: {  	[tilespmem:$0x1E3A0] =	vst v2  }
0xfb: {  	v2 =	vld [tilespmem:s12+$0xB0];
	s12 =	smov.u32 s14;
	_ =	sdelay $0x4  }
0xfc: {  	v3 =	vand.u32 $0xFFFF, v2;
	v2 =	vshra.s32 v2, $0x10  }
0xfd: {  	[tilespmem:$0x1E330] =	vst v3  }
0xfe: {  	[tilespmem:$0x1E3B0] =	vst v2  }
0xff: {  	v2 =	vld [tilespmem:s17+$0x14400];
	_ =	sdelay $0x4  }
0x100: {  	v3 =	vand.u32 $0xFFFF, v2;
	v2 =	vshra.s32 v2, $0x10  }
0x101: {  	[tilespmem:$0x1E340] =	vst v3  }
0x102: {  	[tilespmem:$0x1E3C0] =	vst v2  }
0x103: {  	[tilespmem:s29], [sflag:$0x2] =	stream.indirect.gather [hbm4b:s5+s25], $0x80, s28, s25, $0xb8;
	[tilespmem:$0x1E800] =	vst v63  }
.Ltmp1:
0x104: {  	_ = 	snop;
	(pc) =	sbr.rel @p1 .LBB2_4-.Ltmp1, $4  }
0x105: {  	_ =	swait.ge [sflag:s30], $0x2800  }
0x106: {  	[sflag:s30] =	ssyncset.done $0x0  }
0x107: {  	s17 =	simm.s32 @!p0 $0x6;
	[sflag:s30] =	ssyncadd.s32 $0xFFFFD800  }
0x108: {  	[spmem:s2] =	stream.indirect.scatter.add.f32 [tilespmem:s23], [sflag:$0x4], $0x80, s31, s25, $0xb8;
	[tilespmem:$0x1E800] =	vst v63  }
0x109: {  	[spmem:s3] =	stream.indirect.scatter.add.f32 [tilespmem:s0], [sflag:$0x7], $0x1, s31, s25, $0xb8;
	[tilespmem:$0x1E800] =	vst v63  }
0x10a: {  	_ =	swait.ge @!p0 [sflag:s17], $0x2800  }
0x10b: {  	[sflag:s17] =	ssyncset.done @!p0 $0x0  }
0x10c: {  	s11 =	simm.s32 @!p0 $0x7;
	[sflag:s17] =	ssyncadd.s32 @!p0 $0xFFFFD800  }
0x10d: {  	_ =	swait.ge @!p0 [sflag:s11], $0x50  }
0x10e: {  	[sflag:s11] =	ssyncset.done @!p0 $0x0  }
0x10f: {  	[sflag:s11] =	ssyncadd.s32 @!p0 $0xFFFFFFB0  }
0x110: {  	v2 =	vld [tilespmem:s12+$0xFFFFFFE0];
	_ =	sdelay $0x4  }
0x111: {  	v3 =	vand.u32 $0xFFFF, v2  }
0x112: {  	v2 =	vshra.s32 v2, $0x10;
	[tilespmem:$0x1E400] =	vst v3  }
0x113: {  	[tilespmem:$0x1E480] =	vst v2  }
0x114: {  	v2 =	vld [tilespmem:s12+$0xFFFFFFF0];
	_ =	sdelay $0x4  }
0x115: {  	v3 =	vand.u32 $0xFFFF, v2  }
0x116: {  	v2 =	vshra.s32 v2, $0x10;
	[tilespmem:$0x1E410] =	vst v3  }
0x117: {  	[tilespmem:$0x1E490] =	vst v2  }
0x118: {  	v2 =	vld [tilespmem:s12+$0x0];
	_ =	sdelay $0x4  }
0x119: {  	v3 =	vand.u32 $0xFFFF, v2  }
0x11a: {  	v2 =	vshra.s32 v2, $0x10;
	[tilespmem:$0x1E420] =	vst v3  }
0x11b: {  	[tilespmem:$0x1E4A0] =	vst v2  }
0x11c: {  	v2 =	vld [tilespmem:s12+$0x10];
	_ =	sdelay $0x4  }
0x11d: {  	v3 =	vand.u32 $0xFFFF, v2  }
0x11e: {  	v2 =	vshra.s32 v2, $0x10;
	[tilespmem:$0x1E430] =	vst v3  }
0x11f: {  	[tilespmem:$0x1E4B0] =	vst v2  }
0x120: {  	v2 =	vld [tilespmem:s12+$0x20];
	_ =	sdelay $0x4  }
0x121: {  	v3 =	vand.u32 $0xFFFF, v2  }
0x122: {  	v2 =	vshra.s32 v2, $0x10;
	[tilespmem:$0x1E440] =	vst v3  }
0x123: {  	[tilespmem:$0x1E4C0] =	vst v2  }
0x124: {  	[tilespmem:s20], [sflag:$0x3] =	stream.indirect.gather [hbm4b:s5+s25], $0x80, s19, s25, $0xb8;
	[tilespmem:$0x1E800] =	vst v63  }
0x125: {  	_ =	swait.ge [sflag:s21], $0x2800  }
0x126: {  	[sflag:s21] =	ssyncset.done $0x0  }
0x127: {  	[sflag:s21] =	ssyncadd.s32 $0xFFFFD800  }
0x128: {  	[spmem:s2] =	stream.indirect.scatter.add.f32 [tilespmem:s29], [sflag:$0x5], $0x80, s24, s25, $0xb8;
	[tilespmem:$0x1E800] =	vst v63  }
0x129: {  	_ = 	snop  }
0x12a: {  	[spmem:s3] =	stream.indirect.scatter.add.f32 [tilespmem:s0], [sflag:$0x7], $0x1, s24, s25, $0xb8;
	[tilespmem:$0x1E800] =	vst v63  }
0x12b: {  	_ =	swait.ge [sflag:s1], $0x2800  }
0x12c: {  	[sflag:s1] =	ssyncset.done $0x0  }
0x12d: {  	[sflag:s1] =	ssyncadd.s32 $0xFFFFD800  }
0x12e: {  	_ =	swait.ge [sflag:s6], $0x50  }
0x12f: {  	[sflag:s6] =	ssyncset.done $0x0  }
0x130: {  	[sflag:s6] =	ssyncadd.s32 $0xFFFFFFB0  }
0x131: {  	v2 =	vld [tilespmem:s12+$0x30];
	_ =	sdelay $0x4  }
0x132: {  	v3 =	vand.u32 $0xFFFF, v2  }
0x133: {  	v2 =	vshra.s32 v2, $0x10;
	[tilespmem:$0x1E200] =	vst v3  }
0x134: {  	s13 =	sand.u32 $0x3FF0, s13;
	[tilespmem:$0x1E280] =	vst v2  }
0x135: {  	v2 =	vld [tilespmem:s13+$0x14380];
	_ =	sdelay $0x4  }
0x136: {  	v3 =	vand.u32 $0xFFFF, v2  }
0x137: {  	v2 =	vshra.s32 v2, $0x10;
	[tilespmem:$0x1E210] =	vst v3  }
0x138: {  	[tilespmem:$0x1E290] =	vst v2  }
0x139: {  	v2 =	vld [tilespmem:s12+$0x50];
	_ =	sdelay $0x4  }
0x13a: {  	v3 =	vand.u32 $0xFFFF, v2  }
0x13b: {  	v2 =	vshra.s32 v2, $0x10;
	[tilespmem:$0x1E220] =	vst v3  }
0x13c: {  	[tilespmem:$0x1E2A0] =	vst v2  }
0x13d: {  	v2 =	vld [tilespmem:s12+$0x60];
	_ =	sdelay $0x4  }
0x13e: {  	v3 =	vand.u32 $0xFFFF, v2  }
0x13f: {  	v2 =	vshra.s32 v2, $0x10;
	[tilespmem:$0x1E230] =	vst v3  }
0x140: {  	[tilespmem:$0x1E2B0] =	vst v2  }
0x141: {  	v2 =	vld [tilespmem:s12+$0x70];
	_ =	sdelay $0x4  }
0x142: {  	v3 =	vand.u32 $0xFFFF, v2  }
0x143: {  	v2 =	vshra.s32 v2, $0x10;
	[tilespmem:$0x1E240] =	vst v3  }
0x144: {  	[tilespmem:$0x1E2C0] =	vst v2  }
0x145: {  	[tilespmem:s23], [sflag:$0x1] =	stream.indirect.gather [hbm4b:s5+s25], $0x80, s26, s25, $0xb8;
	[tilespmem:$0x1E800] =	vst v63  }
0x146: {  	_ =	swait.ge [sflag:s8], $0x2800  }
0x147: {  	[sflag:s8] =	ssyncset.done $0x0  }
0x148: {  	[sflag:s8] =	ssyncadd.s32 $0xFFFFD800  }
0x149: {  	[spmem:s2] =	stream.indirect.scatter.add.f32 [tilespmem:s20], [sflag:$0x6], $0x80, s9, s25, $0xb8;
	[tilespmem:$0x1E800] =	vst v63  }
0x14a: {  	_ = 	snop  }
0x14b: {  	[spmem:s3] =	stream.indirect.scatter.add.f32 [tilespmem:s0], [sflag:$0x7], $0x1, s9, s25, $0xb8;
	[tilespmem:$0x1E800] =	vst v63  }
0x14c: {  	_ =	swait.ge [sflag:s10], $0x2800  }
0x14d: {  	[sflag:s10] =	ssyncset.done $0x0  }
0x14e: {  	[sflag:s10] =	ssyncadd.s32 $0xFFFFD800  }
0x14f: {  	_ =	swait.ge [sflag:s6], $0x50  }
0x150: {  	[sflag:s6] =	ssyncset.done $0x0  }
0x151: {  	[sflag:s6] =	ssyncadd.s32 $0xFFFFFFB0  }
0x152: {  	v2 =	vld [tilespmem:s12+$0x80];
	_ =	sdelay $0x4  }
0x153: {  	v3 =	vand.u32 $0xFFFF, v2  }
0x154: {  	v2 =	vshra.s32 v2, $0x10;
	[tilespmem:$0x1E300] =	vst v3  }
0x155: {  	[tilespmem:$0x1E380] =	vst v2  }
0x156: {  	v2 =	vld [tilespmem:s12+$0x90];
	_ =	sdelay $0x4  }
0x157: {  	v3 =	vand.u32 $0xFFFF, v2  }
0x158: {  	v2 =	vshra.s32 v2, $0x10;
	[tilespmem:$0x1E310] =	vst v3  }
0x159: {  	[tilespmem:$0x1E390] =	vst v2  }
0x15a: {  	v2 =	vld [tilespmem:s12+$0xA0];
	_ =	sdelay $0x4  }
0x15b: {  	v3 =	vand.u32 $0xFFFF, v2  }
0x15c: {  	v2 =	vshra.s32 v2, $0x10;
	[tilespmem:$0x1E320] =	vst v3  }
0x15d: {  	[tilespmem:$0x1E3A0] =	vst v2  }
0x15e: {  	v2 =	vld [tilespmem:s12+$0xB0];
	_ =	sdelay $0x4  }
0x15f: {  	v3 =	vand.u32 $0xFFFF, v2  }
0x160: {  	v2 =	vshra.s32 v2, $0x10;
	[tilespmem:$0x1E330] =	vst v3  }
0x161: {  	[tilespmem:$0x1E3B0] =	vst v2  }
0x162: {  	v2 =	vld [tilespmem:s13+$0x14400];
	_ =	sdelay $0x4  }
0x163: {  	v3 =	vand.u32 $0xFFFF, v2  }
0x164: {  	v2 =	vshra.s32 v2, $0x10;
	[tilespmem:$0x1E340] =	vst v3  }
0x165: {  	[tilespmem:$0x1E3C0] =	vst v2  }
0x166: {  	[tilespmem:s29], [sflag:$0x2] =	stream.indirect.gather [hbm4b:s5+s25], $0x80, s28, s25, $0xb8;
	[tilespmem:$0x1E800] =	vst v63  }
0x167: {  	_ =	swait.ge [sflag:s30], $0x2800  }
0x168: {  	[sflag:s30] =	ssyncset.done $0x0  }
0x169: {  	[sflag:s30] =	ssyncadd.s32 $0xFFFFD800  }
0x16a: {  	[spmem:s2] =	stream.indirect.scatter.add.f32 [tilespmem:s23], [sflag:$0x4], $0x80, s31, s25, $0xb8;
	[tilespmem:$0x1E800] =	vst v63  }
0x16b: {  	s14 =	simm.s32 $0x6  }
0x16c: {  	[spmem:s3] =	stream.indirect.scatter.add.f32 [tilespmem:s0], [sflag:$0x7], $0x1, s31, s25, $0xb8;
	[tilespmem:$0x1E800] =	vst v63  }
0x16d: {  	_ =	swait.ge [sflag:s14], $0x2800  }
0x16e: {  	[sflag:s14] =	ssyncset.done $0x0  }
0x16f: {  	[sflag:s14] =	ssyncadd.s32 $0xFFFFD800  }
0x170: {  	_ =	swait.ge [sflag:s6], $0x50  }
0x171: {  	[sflag:s6] =	ssyncset.done $0x0  }
0x172: {  	[sflag:s6] =	ssyncadd.s32 $0xFFFFFFB0  }
0x173: {  	_ =	swait.ge [sflag:s21], $0x2800  }
0x174: {  	[sflag:s21] =	ssyncset.done $0x0  }
0x175: {  	[sflag:s21] =	ssyncadd.s32 $0xFFFFD800  }
0x176: {  	[spmem:s2] =	stream.indirect.scatter.add.f32 [tilespmem:s29], [sflag:$0x5], $0x80, s24, s25, $0xb8;
	[tilespmem:$0x1E800] =	vst v63  }
0x177: {  	_ = 	snop  }
0x178: {  	[spmem:s3] =	stream.indirect.scatter.add.f32 [tilespmem:s0], [sflag:$0x7], $0x1, s24, s25, $0xb8;
	[tilespmem:$0x1E800] =	vst v63  }
0x179: {  	_ =	swait.ge [sflag:s1], $0x2800  }
0x17a: {  	[sflag:s1] =	ssyncset.done $0x0  }
0x17b: {  	[sflag:s1] =	ssyncadd.s32 $0xFFFFD800  }
0x17c: {  	_ =	swait.ge [sflag:s6], $0x50  }
0x17d: {  	[sflag:s6] =	ssyncset.done $0x0  }
0x17e: {  	[sflag:s6] =	ssyncadd.s32 $0xFFFFFFB0  }
0x17f: {  	_ =	swait.ge [sflag:s10], $0x2800  }
0x180: {  	[sflag:s10] =	ssyncset.done $0x0  }
0x181: {  	[sflag:s10] =	ssyncadd.s32 $0xFFFFD800  }
0x182: {  	_ =	swait.ge [sflag:s6], $0x50  }
0x183: {  	[sflag:s6] =	ssyncset.done $0x0  }
0x184: {  	s16 =	stileid.u32;
	[sflag:s6] =	ssyncadd.s32 $0xFFFFFFB0  }
0x185: {  	s11 =	sshll.u32 s16, $0x6;
	[bflag:$0x0] =	sbarrier.arrive $0xFFFF  }
0x186: {  	s17 =	sshrl.u32 s7, $0x3;
	s11 =	sor.u32 $0x1C08, s11;
	s18 =	rddreg [dreg:$0xd]  }
0x187: {  	[hbm:s18], [sflag:s11] =	dma.local [spmem:s17], $0x2800  }
0x188: {  	_ =	swait.ge [sflag:s22], $0x2800  }
0x189: {  	s16 =	simm.s32 $0x10;
	s13 =	sshrl.u32 s15, $0x3;
	[sflag:s22] =	ssyncset.done $0x0  }
0x18a: {  	s14 =	simm.s32 $0x20;
	s17 =	rddreg [dreg:$0xe];
	[sflag:s22] =	ssyncadd.s32 $0xFFFFD800  }
0x18b: {  	[hbm:s17@s14], [sflag:s11] =	dma.strided [spmem:s13@s16], $0x50, s30, $0x10   }
0x18c: {  	_ =	swait.ge [sflag:s22], $0x50  }
0x18d: {  	s4 =	sadd.s32 $0x1, s4;
	s18 =	rddreg [dreg:$0xf]  }
0x18e: {  	p0 =	sne.s32 s4, s18  }
.Ltmp2:
0x18f: {  	_ = 	snop;
	(pc) =	sbr.rel @p0 .LBB2_1-.Ltmp2, $3  }
0x190: {  	_ =	sdelay $0x1  }
0x191: {  	[sflag:s22] =	ssyncset.done $0x0  }
0x192: {  	[sflag:s22] =	ssyncadd.s32 $0xFFFFFFB0  }
0x193: {  	_ =	sfence.sel $0x180000  }
0x194: {  	[bflag:$0x0] =	sbarrier.arrive $0xFFFF  }
0x195: {  	_ =	strace $0x90000047  }
0x196: {  	s0 =	stileid.u32;
	[bflag:$0x2] =	sbarrier.arrive $0xFFFF  }
0x197: {  	p0 =	sne.s32 s0, $0x0;
	s0 =	rddreg [dreg:$0x4]  }
0x198: {  	s0 =	sadd.s32 @!p0 $0x100000, s0  }
0x199: {  	[sflag:s0] =	ssyncadd.tile.s32 @!p0 $0x1;
	_ =	shalt  }
.Lfunc_end2:
_tile_overlayer_lowered:
.L_overlay_start_2:
0x19a: {  	(tag) =	ssettag $0x2  }
0x19b: {  	s0 =	rddreg [dreg:$0x0];
	s2 =	stileid.u32  }
0x19c: {  	s1 =	rddreg [dreg:$0x1];
	p0 =	sne.s32 s2, $0x0  }
0x19d: {  	s3 =	rddreg [dreg:$0x2];
	[bflag:$0x3] =	sbarrier.arrive $0xFFFF;
	s2 =	simm.s32 @!p0 $0x1C08  }
0x19e: {  	[timem:s3], [sflag:s2] =	dma.local @!p0 [hbm:s0], s1  }
0x19f: {  	s0 =	simm.s32 @!p0 $0x8  }
0x1a0: {  	_ =	swait.ge @!p0 [sflag:s0], s1  }
0x1a1: {  	s1 =	ssub.s32 @!p0 $0x0, s1;
	[sflag:s0] =	ssyncset.done @!p0 $0x0  }
0x1a2: {  	[sflag:s0] =	ssyncadd.s32 @!p0 s1  }
0x1a3: {  	[bflag:$0x3] =	sbarrier.arrive $0xFFFF  }
0x1a4: {  	_ =	shalt  }

</sc_bundles>
